<compile_context>
chip_gen: v7x
topology: tpu7x:2x2x1
jax: 0.10.2.dev20260603
libtpu: 0.0.44.dev20260713+nightly
codegen_flags: <defaults>
</compile_context>

<pallas_src>
import functools

import jax
import jax.numpy as jnp
from jax import lax
from jax.experimental import pallas as pl
from jax.experimental.pallas import tpu as pltpu
from jax.experimental.pallas import tpu_sc as plsc

_NW = 32
_F = 1024
_IDXW = 128


def _build_m2_sc(id_reduce, kidx, m, nedges, kmax):
    nm, emb = m.shape
    slots = nedges * kmax
    assert slots % _NW == 0
    r = slots // _NW
    assert r % 16 == 0
    nchunk = 20
    assert nm % (nchunk * 16) == 0
    chunk = nm // nchunk
    assert chunk % 8 == 0
    zrows = 1000 if r % 1000 == 0 else 16
    assert r % zrows == 0 and zrows <= _F

    mesh = plsc.VectorSubcoreMesh(core_axis_name="c", subcore_axis_name="s",
                                  num_cores=2, num_subcores=16)

    @functools.partial(
        pl.kernel,
        out_type=jax.ShapeDtypeStruct((slots + 16, emb), jnp.float32),
        mesh=mesh,
        scratch_types=[
            pltpu.VMEM((chunk,), jnp.int32),
            pltpu.VMEM((chunk,), jnp.int32),
            pltpu.VMEM((r,), jnp.int32),
            pltpu.VMEM((_F,), jnp.int32),
            pltpu.VMEM((_F,), jnp.int32),
            pltpu.VMEM((_F // _IDXW, _IDXW), jnp.int32),
            pltpu.VMEM((_F // _IDXW, _IDXW), jnp.int32),
            pltpu.VMEM((_F, emb), jnp.float32),
            pltpu.SemaphoreType.DMA,
        ],
        compiler_params=pltpu.CompilerParams(needs_layout_passes=False,
                                             use_tc_tiling_on_sc=False),
    )
    def build(id_hbm, k_hbm, m_hbm, m2_hbm, idbuf, kbuf, winner, cj, cs,
              jidx2d, sidx2d, rows, sem):
        wid = lax.axis_index("c") * 16 + lax.axis_index("s")
        lo = wid * r
        lane = lax.iota(jnp.int32, 16)
        zeros16 = jnp.zeros((16,), jnp.int32)

        def initw(i, _):
            winner[pl.ds(i * 16, 16)] = zeros16
            return 0
        lax.fori_loop(0, r // 16, initw, 0)

        def chunk_body(ci, _):
            pltpu.sync_copy(id_hbm.at[pl.ds(ci * chunk, chunk)], idbuf)
            pltpu.sync_copy(k_hbm.at[pl.ds(ci * chunk, chunk)], kbuf)

            def vec_body(v, _):
                idv = idbuf[pl.ds(v * 16, 16)]
                kv = kbuf[pl.ds(v * 16, 16)]
                slot = idv * kmax + kv
                mask = (slot >= lo) & (slot < lo + r)
                local = jnp.where(mask, slot - lo, 0)
                jv = ci * chunk + v * 16 + lane
                plsc.store_scatter(winner, [local], jv + 1, mask=mask)
                return 0
            lax.fori_loop(0, chunk // 16, vec_body, 0)
            return 0
        lax.fori_loop(0, nchunk, chunk_body, 0)

        def zero_rows(i, _):
            rows[i, pl.ds(0, 16)] = jnp.zeros((16,), jnp.float32)
            rows[i, pl.ds(16, 16)] = jnp.zeros((16,), jnp.float32)
            return 0
        lax.fori_loop(0, zrows, zero_rows, 0)

        def memset_body(t, _):
            pltpu.sync_copy(rows.at[pl.ds(0, zrows)],
                            m2_hbm.at[pl.ds(lo + t * zrows, zrows)])
            return 0
        lax.fori_loop(0, r // zrows, memset_body, 0)

        def reset_defaults(i, _):
            cj[pl.ds(i * 16, 16)] = zeros16
            cs[pl.ds(i * 16, 16)] = slots + lane
            return 0
        lax.fori_loop(0, _F // 16, reset_defaults, 0)

        def flush(_):
            def cpidx(i, _):
                q = i // (_IDXW // 16)
                t = i % (_IDXW // 16)
                jidx2d[q, pl.ds(t * 16, 16)] = cj[pl.ds(i * 16, 16)]
                sidx2d[q, pl.ds(t * 16, 16)] = cs[pl.ds(i * 16, 16)]
                return 0
            lax.fori_loop(0, _F // 16, cpidx, 0)
            for q in range(_F // _IDXW):
                pltpu.async_copy(m_hbm.at[jidx2d.at[q]],
                                 rows.at[pl.ds(q * _IDXW, _IDXW)], sem).wait()
            for q in range(_F // _IDXW):
                pltpu.async_copy(rows.at[pl.ds(q * _IDXW, _IDXW)],
                                 m2_hbm.at[sidx2d.at[q]], sem).wait()
            lax.fori_loop(0, _F // 16, reset_defaults, 0)
            return jnp.int32(0)

        def sweep(v, cnt):
            w16 = winner[pl.ds(v * 16, 16)]
            valid = w16 > 0
            j16 = w16 - 1
            slotg = lo + v * 16 + lane
            plsc.store_compressed(cj.at[pl.ds(cnt, 16)], j16, mask=valid)
            plsc.store_compressed(cs.at[pl.ds(cnt, 16)], slotg, mask=valid)
            cnt = cnt + jnp.sum(valid.astype(jnp.int32))
            return lax.cond(cnt > _F - 16, flush, lambda c: c, cnt)
        cnt = lax.fori_loop(0, r // 16, sweep, jnp.int32(0))
        flush(cnt)

    return build(id_reduce, kidx, m)


def _tc_compute(a2, s2, m2r, w2, nedges, nsph, kmax, emb, interm, units):
    eblk = 800 if nedges % 800 == 0 else 8
    assert nedges % eblk == 0

    def body(a_ref, s_ref, m_ref, w_ref, o_ref, u_scr):
        a = a_ref[...]
        s = s_ref[...]
        mm = m_ref[...]
        sumk = []
        for si in range(nsph):
            acc = None
            for k in range(kmax):
                c0 = si * kmax + k
                t = s[:, c0:c0 + 1] * mm[:, k * emb:(k + 1) * emb]
                acc = t if acc is None else acc + t
            sumk.append(acc)
        for i in range(interm):
            acc = None
            for si in range(nsph):
                c0 = i * nsph + si
                t = a[:, c0:c0 + 1] * sumk[si]
                acc = t if acc is None else acc + t
            u_scr[:, i * emb:(i + 1) * emb] = acc
        o_ref[...] = jnp.dot(u_scr[...], w_ref[...],
                             preferred_element_type=jnp.float32)

    grid = (nedges // eblk,)
    return pl.pallas_call(
        body,
        grid=grid,
        in_specs=[
            pl.BlockSpec((eblk, interm * nsph), lambda i: (i, 0)),
            pl.BlockSpec((eblk, nsph * kmax), lambda i: (i, 0)),
            pl.BlockSpec((eblk, kmax * emb), lambda i: (i, 0)),
            pl.BlockSpec((interm * emb, units), lambda i: (0, 0)),
        ],
        out_specs=pl.BlockSpec((eblk, units), lambda i: (i, 0)),
        out_shape=jax.ShapeDtypeStruct((nedges, units), jnp.float32),
        scratch_shapes=[pltpu.VMEM((eblk, interm * emb), jnp.float32)],
        compiler_params=pltpu.CompilerParams(
            dimension_semantics=("arbitrary",)),
    )(a2, s2, m2r, w2)


def kernel(rbf_W1, sph, m, id_reduce, Kidx, weight):
    nedges, interm, nsph = rbf_W1.shape
    kmax = sph.shape[2]
    nm, emb = m.shape
    units = weight.shape[2]

    id32 = id_reduce.astype(jnp.int32)
    k32 = Kidx.astype(jnp.int32)

    m2 = _build_m2_sc(id32, k32, m, nedges, kmax)
    m2r = m2.reshape((nedges * kmax + 16) // kmax, kmax * emb)

    a2 = rbf_W1.reshape(nedges, interm * nsph)
    s2 = sph.reshape(nedges, nsph * kmax)
    w2 = jnp.transpose(weight, (1, 0, 2)).reshape(interm * emb, units)

    return _tc_compute(a2, s2, m2r, w2, nedges, nsph, kmax, emb, interm, units)

# --- scband reference (transcript-rebuilt; emitter-appended) ---
"""Pipeline reference for scband-efficient-interaction-bilinear-78408922956492 (READ-ONLY COPY).

The authoritative reference and input builder live on the scoring server;
editing this copy changes nothing except your own understanding.
"""

import jax, jax.numpy as jnp
import numpy as np


def setup_inputs(seed: int = 0) -> dict:
    key = jax.random.key(seed)
    ks = jax.random.split(key, 6)
    nEdges = 160000
    nM = 320000
    emb_size = 32
    emb_size_interm = 32
    units_out = 32
    num_spherical = 7
    Kmax = 8
    rbf_W1 = jax.random.normal(ks[0], (nEdges, emb_size_interm, num_spherical), dtype=jnp.float32)
    sph = jax.random.normal(ks[1], (nEdges, num_spherical, Kmax), dtype=jnp.float32)
    m = jax.random.normal(ks[2], (nM, emb_size), dtype=jnp.float32)
    id_reduce = jax.random.randint(ks[3], (nM,), 0, nEdges, dtype=jnp.int64 if jax.config.jax_enable_x64 else jnp.int32)
    Kidx = jax.random.randint(ks[4], (nM,), 0, Kmax, dtype=jnp.int64 if jax.config.jax_enable_x64 else jnp.int32)
    # learned parameter of the bilinear layer (he_orthogonal_init approximated by scaled normal)
    weight = jax.random.normal(ks[5], (emb_size, emb_size_interm, units_out), dtype=jnp.float32) / jnp.sqrt(float(emb_size * emb_size_interm))
    return {"rbf_W1": rbf_W1, "sph": sph, "m": m, "id_reduce": id_reduce, "Kidx": Kidx, "weight": weight}


def reference(rbf_W1, sph, m, id_reduce, Kidx, weight):
    # basis = (rbf_W1, sph) in the original torch signature
    nEdges = rbf_W1.shape[0]
    Kmax = sph.shape[2]  # static; torch computes max(Kidx)+1 which equals sph.shape[2] here
    # scatter-overwrite: m2[id_reduce, Kidx] = m
    m2 = jnp.zeros((nEdges, Kmax, m.shape[1]), dtype=m.dtype)
    m2 = m2.at[id_reduce, Kidx].set(m)
    # (nEdges, num_spherical, Kmax) @ (nEdges, Kmax, emb_size) -> (nEdges, num_spherical, emb_size)
    sum_k = jnp.matmul(sph, m2)
    # (nEdges, emb_size_interm, num_spherical) @ (nEdges, num_spherical, emb_size) -> (nEdges, emb_size_interm, emb_size)
    rbf_W1_sum_k = jnp.matmul(rbf_W1, sum_k)
    # (emb_size, nEdges, emb_size_interm) @ (emb_size, emb_size_interm, units_out)
    m_ca = jnp.matmul(jnp.transpose(rbf_W1_sum_k, (2, 0, 1)), weight)
    m_ca = jnp.sum(m_ca, axis=0)  # (nEdges, units_out)
    return m_ca

if __name__ == "__main__":
    import jax
    _d = setup_inputs()
    print(jax.jit(kernel)(*tuple(_d.values())))

</pallas_src>

<mosaic_0001>
#map = affine_map<(d0, d1) -> (0)>
#map1 = affine_map<(d0, d1) -> (0, 0)>
module attributes {stable_mosaic.version = 14 : i64} {
  func.func @build(%arg0: i32, %arg1: i32, %arg2: memref<320000xi32, #tpu.memory_space<hbm>>, %arg3: memref<320000xi32, #tpu.memory_space<hbm>>, %arg4: memref<320000x32xf32, #tpu.memory_space<hbm>>, %arg5: memref<1280016x32xf32, #tpu.memory_space<hbm>>, %arg6: memref<16000xi32, #tpu.memory_space<vmem>>, %arg7: memref<16000xi32, #tpu.memory_space<vmem>>, %arg8: memref<40000xi32, #tpu.memory_space<vmem>>, %arg9: memref<1024xi32, #tpu.memory_space<vmem>>, %arg10: memref<1024xi32, #tpu.memory_space<vmem>>, %arg11: memref<8x128xi32, #tpu.memory_space<vmem>>, %arg12: memref<8x128xi32, #tpu.memory_space<vmem>>, %arg13: memref<1024x32xf32, #tpu.memory_space<vmem>>, %arg14: memref<!tpu.dma_semaphore, #tpu.memory_space<semaphore_mem>>) attributes {dimension_semantics = [#tpu.dimension_semantics<core_parallel>, #tpu.dimension_semantics<subcore_parallel>], iteration_bounds = array<i64: 2, 16>, scalar_prefetch = 0 : i64, scratch_operands = 9 : i64, tpu.core_type = #tpu.core_type<sc_vector_subcore>, window_params = [{transform_indices = #map}, {transform_indices = #map}, {transform_indices = #map1}, {transform_indices = #map1}]} {
    %mul3A = arith.constant 16 : i32
    %mul3A_0 = arith.muli %arg0, %mul3A : i32
    %add3A = arith.addi %mul3A_0, %arg1 : i32
    %mul3A_1 = arith.constant 40000 : i32
    %mul3A_2 = arith.muli %add3A, %mul3A_1 : i32
    %iota3A = tpu.iota {dimensions = array<i32: 0>} : vector<16xi32>
    %broadcast_in_dim3A = arith.constant 0 : i32
    %broadcast_in_dim3A_3 = vector.broadcast %broadcast_in_dim3A : i32 to vector<16xi32>
    %scan3A = arith.constant 0 : i32
    %scan3A_4 = arith.constant 0 : i32
    %scan3A_5 = arith.constant 2500 : i32
    %scan3A_6 = arith.addi %scan3A_4, %scan3A_5 : i32
    %scan3A_7 = arith.constant 1 : i32
    %scan3A_8 = scf.for %scan3A_377 = %scan3A_4 to %scan3A_6 step %scan3A_7 iter_args(%scan3A_378 = %scan3A) -> (i32)  : i32 {
      %mul3A_379 = arith.constant 16 : i32
      %mul3A_380 = arith.muli %scan3A_377, %mul3A_379 : i32
      %swap3A = arith.index_cast %mul3A_380 : i32 to index
      %swap3A_381 = tpu.vector_load %arg8[%swap3A] {strides = array<i32>} : memref<40000xi32, #tpu.memory_space<vmem>>, vector<16xi32>,
      tpu.vector_store %arg8[%swap3A], %broadcast_in_dim3A_3 {strides = array<i32>} : memref<40000xi32, #tpu.memory_space<vmem>>, vector<16xi32>,
      %scan3A_382 = arith.constant 0 : i32
      scf.yield %scan3A_382 : i32
    }
    %scan3A_9 = arith.constant 2500 : i32
    %scan3A_10 = arith.constant 0 : i32
    %scan3A_11 = arith.constant 0 : i32
    %scan3A_12 = arith.constant 20 : i32
    %scan3A_13 = arith.addi %scan3A_11, %scan3A_12 : i32
    %scan3A_14 = arith.constant 1 : i32
    %scan3A_15 = scf.for %scan3A_377 = %scan3A_11 to %scan3A_13 step %scan3A_14 iter_args(%scan3A_378 = %scan3A_10) -> (i32)  : i32 {
      %mul3A_379 = arith.constant 16000 : i32
      %mul3A_380 = arith.muli %scan3A_377, %mul3A_379 : i32
      "tpu.region"() ({
        %run_scoped3A = tpu.sem_alloc : memref<!tpu.dma_semaphore, #tpu.memory_space<semaphore_mem>>
        %dma_start3A_391 = tpu.memref_slice %arg2[%mul3A_380] : memref<320000xi32, #tpu.memory_space<hbm>> -> memref<16000xi32, #tpu.memory_space<hbm>>
        %dma_start3A_392 = tpu.memref_slice %arg2[%mul3A_380] : memref<320000xi32, #tpu.memory_space<hbm>> -> memref<16000xi32, #tpu.memory_space<hbm>>
        tpu.enqueue_dma source(%dma_start3A_392 : memref<16000xi32, #tpu.memory_space<hbm>>) target(%arg6 : memref<16000xi32, #tpu.memory_space<vmem>>) target_semaphore(%run_scoped3A : memref<!tpu.dma_semaphore, #tpu.memory_space<semaphore_mem>>)
        %dma_wait3A_393 = tpu.memref_slice %arg2[%mul3A_380] : memref<320000xi32, #tpu.memory_space<hbm>> -> memref<16000xi32, #tpu.memory_space<hbm>>
        %dma_wait3A_394 = tpu.memref_slice %arg2[%mul3A_380] : memref<320000xi32, #tpu.memory_space<hbm>> -> memref<16000xi32, #tpu.memory_space<hbm>>
        tpu.wait_dma2 semaphore(%run_scoped3A : memref<!tpu.dma_semaphore, #tpu.memory_space<semaphore_mem>>) src(%dma_wait3A_394 : memref<16000xi32, #tpu.memory_space<hbm>>) dst(%arg6 : memref<16000xi32, #tpu.memory_space<vmem>>)
        tpu.yield
      }) : () -> ()
      %mul3A_381 = arith.constant 16000 : i32
      %mul3A_382 = arith.muli %scan3A_377, %mul3A_381 : i32
      "tpu.region"() ({
        %run_scoped3A = tpu.sem_alloc : memref<!tpu.dma_semaphore, #tpu.memory_space<semaphore_mem>>
        %dma_start3A_391 = tpu.memref_slice %arg3[%mul3A_382] : memref<320000xi32, #tpu.memory_space<hbm>> -> memref<16000xi32, #tpu.memory_space<hbm>>
        %dma_start3A_392 = tpu.memref_slice %arg3[%mul3A_382] : memref<320000xi32, #tpu.memory_space<hbm>> -> memref<16000xi32, #tpu.memory_space<hbm>>
        tpu.enqueue_dma source(%dma_start3A_392 : memref<16000xi32, #tpu.memory_space<hbm>>) target(%arg7 : memref<16000xi32, #tpu.memory_space<vmem>>) target_semaphore(%run_scoped3A : memref<!tpu.dma_semaphore, #tpu.memory_space<semaphore_mem>>)
        %dma_wait3A_393 = tpu.memref_slice %arg3[%mul3A_382] : memref<320000xi32, #tpu.memory_space<hbm>> -> memref<16000xi32, #tpu.memory_space<hbm>>
        %dma_wait3A_394 = tpu.memref_slice %arg3[%mul3A_382] : memref<320000xi32, #tpu.memory_space<hbm>> -> memref<16000xi32, #tpu.memory_space<hbm>>
        tpu.wait_dma2 semaphore(%run_scoped3A : memref<!tpu.dma_semaphore, #tpu.memory_space<semaphore_mem>>) src(%dma_wait3A_394 : memref<16000xi32, #tpu.memory_space<hbm>>) dst(%arg7 : memref<16000xi32, #tpu.memory_space<vmem>>)
        tpu.yield
      }) : () -> ()
      %scan3A_383 = arith.constant 0 : i32
      %scan3A_384 = arith.constant 0 : i32
      %scan3A_385 = arith.constant 1000 : i32
      %scan3A_386 = arith.addi %scan3A_384, %scan3A_385 : i32
      %scan3A_387 = arith.constant 1 : i32
      %scan3A_388 = scf.for %scan3A_391 = %scan3A_384 to %scan3A_386 step %scan3A_387 iter_args(%scan3A_392 = %scan3A_383) -> (i32)  : i32 {
        %mul3A_393 = arith.constant 16 : i32
        %mul3A_394 = arith.muli %scan3A_391, %mul3A_393 : i32
        %get3A = arith.index_cast %mul3A_394 : i32 to index
        %get3A_395 = tpu.vector_load %arg6[%get3A] {strides = array<i32>} : memref<16000xi32, #tpu.memory_space<vmem>>, vector<16xi32>,
        %mul3A_396 = arith.constant 16 : i32
        %mul3A_397 = arith.muli %scan3A_391, %mul3A_396 : i32
        %get3A_398 = arith.index_cast %mul3A_397 : i32 to index
        %get3A_399 = tpu.vector_load %arg7[%get3A_398] {strides = array<i32>} : memref<16000xi32, #tpu.memory_space<vmem>>, vector<16xi32>,
        %mul3A_400 = arith.constant 8 : i32
        %mul3A_401 = vector.broadcast %mul3A_400 : i32 to vector<16xi32>
        %mul3A_402 = arith.muli %get3A_395, %mul3A_401 : vector<16xi32>
        %add3A_403 = arith.addi %mul3A_402, %get3A_399 : vector<16xi32>
        %ge3A = vector.broadcast %mul3A_2 : i32 to vector<16xi32>
        %ge3A_404 = arith.cmpi sge, %add3A_403, %ge3A : vector<16xi32>
        %add3A_405 = arith.constant 40000 : i32
        %add3A_406 = arith.addi %mul3A_2, %add3A_405 : i32
        %lt3A = vector.broadcast %add3A_406 : i32 to vector<16xi32>
        %lt3A_407 = arith.cmpi slt, %add3A_403, %lt3A : vector<16xi32>
        %and3A = arith.andi %ge3A_404, %lt3A_407 : vector<16xi1>
        %sub3A = vector.broadcast %mul3A_2 : i32 to vector<16xi32>
        %sub3A_408 = arith.subi %add3A_403, %sub3A : vector<16xi32>
        %jit3A = arith.constant 0 : i32
        %broadcast_in_dim3A_409 = vector.broadcast %jit3A : i32 to vector<16xi32>
        %select_n3A = arith.select %and3A, %sub3A_408, %broadcast_in_dim3A_409 : vector<16xi1>, vector<16xi32>
        %mul3A_410 = arith.constant 16000 : i32
        %mul3A_411 = arith.muli %scan3A_377, %mul3A_410 : i32
        %mul3A_412 = arith.constant 16 : i32
        %mul3A_413 = arith.muli %scan3A_391, %mul3A_412 : i32
        %add3A_414 = arith.addi %mul3A_411, %mul3A_413 : i32
        %add3A_415 = vector.broadcast %add3A_414 : i32 to vector<16xi32>
        %add3A_416 = arith.addi %add3A_415, %iota3A : vector<16xi32>
        %add3A_417 = arith.constant 1 : i32
        %add3A_418 = vector.broadcast %add3A_417 : i32 to vector<16xi32>
        %add3A_419 = arith.addi %add3A_416, %add3A_418 : vector<16xi32>
        tpu.vector_store_idx %arg8[%select_n3A], %add3A_419 masked %and3A : memref<40000xi32, #tpu.memory_space<vmem>>[vector<16xi32>], vector<16xi32>, vector<16xi1>
        %scan3A_420 = arith.constant 0 : i32
        scf.yield %scan3A_420 : i32
      }
      %scan3A_389 = arith.constant 1000 : i32
      %scan3A_390 = arith.constant 0 : i32
      scf.yield %scan3A_390 : i32
    }
    %scan3A_16 = arith.constant 20 : i32
    %scan3A_17 = arith.constant 0 : i32
    %scan3A_18 = arith.constant 0 : i32
    %scan3A_19 = arith.constant 1000 : i32
    %scan3A_20 = arith.addi %scan3A_18, %scan3A_19 : i32
    %scan3A_21 = arith.constant 1 : i32
    %scan3A_22 = scf.for %scan3A_377 = %scan3A_18 to %scan3A_20 step %scan3A_21 iter_args(%scan3A_378 = %scan3A_17) -> (i32)  : i32 {
      %broadcast_in_dim3A_379 = arith.constant 0.000000e+00 : f32
      %broadcast_in_dim3A_380 = vector.broadcast %broadcast_in_dim3A_379 : f32 to vector<16xf32>
      %swap3A = arith.index_cast %scan3A_377 : i32 to index
      %swap3A_381 = arith.constant 0 : index
      %swap3A_382 = tpu.vector_load %arg13[%swap3A, %swap3A_381] {strides = array<i32>} : memref<1024x32xf32, #tpu.memory_space<vmem>>, vector<16xf32>,
      tpu.vector_store %arg13[%swap3A, %swap3A_381], %broadcast_in_dim3A_380 {strides = array<i32>} : memref<1024x32xf32, #tpu.memory_space<vmem>>, vector<16xf32>,
      %broadcast_in_dim3A_383 = arith.constant 0.000000e+00 : f32
      %broadcast_in_dim3A_384 = vector.broadcast %broadcast_in_dim3A_383 : f32 to vector<16xf32>
      %swap3A_385 = arith.index_cast %scan3A_377 : i32 to index
      %swap3A_386 = arith.constant 16 : index
      %swap3A_387 = tpu.vector_load %arg13[%swap3A_385, %swap3A_386] {strides = array<i32>} : memref<1024x32xf32, #tpu.memory_space<vmem>>, vector<16xf32>,
      tpu.vector_store %arg13[%swap3A_385, %swap3A_386], %broadcast_in_dim3A_384 {strides = array<i32>} : memref<1024x32xf32, #tpu.memory_space<vmem>>, vector<16xf32>,
      %scan3A_388 = arith.constant 0 : i32
      scf.yield %scan3A_388 : i32
    }
    %scan3A_23 = arith.constant 1000 : i32
    %scan3A_24 = arith.constant 0 : i32
    %scan3A_25 = arith.constant 0 : i32
    %scan3A_26 = arith.constant 40 : i32
    %scan3A_27 = arith.addi %scan3A_25, %scan3A_26 : i32
    %scan3A_28 = arith.constant 1 : i32
    %scan3A_29 = scf.for %scan3A_377 = %scan3A_25 to %scan3A_27 step %scan3A_28 iter_args(%scan3A_378 = %scan3A_24) -> (i32)  : i32 {
      %mul3A_379 = arith.constant 1000 : i32
      %mul3A_380 = arith.muli %scan3A_377, %mul3A_379 : i32
      %add3A_381 = arith.addi %mul3A_2, %mul3A_380 : i32
      "tpu.region"() ({
        %run_scoped3A = tpu.sem_alloc : memref<!tpu.dma_semaphore, #tpu.memory_space<semaphore_mem>>
        %dma_start3A_383 = arith.constant 0 : i32
        %dma_start3A_384 = arith.constant 0 : i32
        %dma_start3A_385 = tpu.memref_slice %arg13[%dma_start3A_383, %dma_start3A_384] : memref<1024x32xf32, #tpu.memory_space<vmem>> -> memref<1000x32xf32, #tpu.memory_space<vmem>>
        %dma_start3A_386 = arith.constant 0 : i32
        %dma_start3A_387 = tpu.memref_slice %arg5[%add3A_381, %dma_start3A_386] : memref<1280016x32xf32, #tpu.memory_space<hbm>> -> memref<1000x32xf32, #tpu.memory_space<hbm>>
        %dma_start3A_388 = arith.constant 0 : i32
        %dma_start3A_389 = tpu.memref_slice %arg5[%add3A_381, %dma_start3A_388] : memref<1280016x32xf32, #tpu.memory_space<hbm>> -> memref<1000x32xf32, #tpu.memory_space<hbm>>
        %dma_start3A_390 = arith.constant 0 : i32
        %dma_start3A_391 = arith.constant 0 : i32
        %dma_start3A_392 = tpu.memref_slice %arg13[%dma_start3A_390, %dma_start3A_391] : memref<1024x32xf32, #tpu.memory_space<vmem>> -> memref<1000x32xf32, #tpu.memory_space<vmem>>
        tpu.enqueue_dma source(%dma_start3A_392 : memref<1000x32xf32, #tpu.memory_space<vmem>>) target(%dma_start3A_389 : memref<1000x32xf32, #tpu.memory_space<hbm>>) target_semaphore(%run_scoped3A : memref<!tpu.dma_semaphore, #tpu.memory_space<semaphore_mem>>)
        %dma_wait3A_393 = arith.constant 0 : i32
        %dma_wait3A_394 = arith.constant 0 : i32
        %dma_wait3A_395 = tpu.memref_slice %arg13[%dma_wait3A_393, %dma_wait3A_394] : memref<1024x32xf32, #tpu.memory_space<vmem>> -> memref<1000x32xf32, #tpu.memory_space<vmem>>
        %dma_wait3A_396 = arith.constant 0 : i32
        %dma_wait3A_397 = tpu.memref_slice %arg5[%add3A_381, %dma_wait3A_396] : memref<1280016x32xf32, #tpu.memory_space<hbm>> -> memref<1000x32xf32, #tpu.memory_space<hbm>>
        %dma_wait3A_398 = arith.constant 0 : i32
        %dma_wait3A_399 = tpu.memref_slice %arg5[%add3A_381, %dma_wait3A_398] : memref<1280016x32xf32, #tpu.memory_space<hbm>> -> memref<1000x32xf32, #tpu.memory_space<hbm>>
        %dma_wait3A_400 = arith.constant 0 : i32
        %dma_wait3A_401 = arith.constant 0 : i32
        %dma_wait3A_402 = tpu.memref_slice %arg13[%dma_wait3A_400, %dma_wait3A_401] : memref<1024x32xf32, #tpu.memory_space<vmem>> -> memref<1000x32xf32, #tpu.memory_space<vmem>>
        tpu.wait_dma2 semaphore(%run_scoped3A : memref<!tpu.dma_semaphore, #tpu.memory_space<semaphore_mem>>) src(%dma_wait3A_402 : memref<1000x32xf32, #tpu.memory_space<vmem>>) dst(%dma_wait3A_399 : memref<1000x32xf32, #tpu.memory_space<hbm>>)
        tpu.yield
      }) : () -> ()
      %scan3A_382 = arith.constant 0 : i32
      scf.yield %scan3A_382 : i32
    }
    %scan3A_30 = arith.constant 40 : i32
    %scan3A_31 = arith.constant 0 : i32
    %scan3A_32 = arith.constant 0 : i32
    %scan3A_33 = arith.constant 64 : i32
    %scan3A_34 = arith.addi %scan3A_32, %scan3A_33 : i32
    %scan3A_35 = arith.constant 1 : i32
    %scan3A_36 = scf.for %scan3A_377 = %scan3A_32 to %scan3A_34 step %scan3A_35 iter_args(%scan3A_378 = %scan3A_31) -> (i32)  : i32 {
      %mul3A_379 = arith.constant 16 : i32
      %mul3A_380 = arith.muli %scan3A_377, %mul3A_379 : i32
      %swap3A = arith.index_cast %mul3A_380 : i32 to index
      %swap3A_381 = tpu.vector_load %arg9[%swap3A] {strides = array<i32>} : memref<1024xi32, #tpu.memory_space<vmem>>, vector<16xi32>,
      tpu.vector_store %arg9[%swap3A], %broadcast_in_dim3A_3 {strides = array<i32>} : memref<1024xi32, #tpu.memory_space<vmem>>, vector<16xi32>,
      %add3A_382 = arith.constant 1280000 : i32
      %add3A_383 = vector.broadcast %add3A_382 : i32 to vector<16xi32>
      %add3A_384 = arith.addi %add3A_383, %iota3A : vector<16xi32>
      %mul3A_385 = arith.constant 16 : i32
      %mul3A_386 = arith.muli %scan3A_377, %mul3A_385 : i32
      %swap3A_387 = arith.index_cast %mul3A_386 : i32 to index
      %swap3A_388 = tpu.vector_load %arg10[%swap3A_387] {strides = array<i32>} : memref<1024xi32, #tpu.memory_space<vmem>>, vector<16xi32>,
      tpu.vector_store %arg10[%swap3A_387], %add3A_384 {strides = array<i32>} : memref<1024xi32, #tpu.memory_space<vmem>>, vector<16xi32>,
      %scan3A_389 = arith.constant 0 : i32
      scf.yield %scan3A_389 : i32
    }
    %scan3A_37 = arith.constant 64 : i32
    %scan3A_38 = arith.constant 0 : i32
    %scan3A_39 = arith.constant 0 : i32
    %scan3A_40 = arith.constant 2500 : i32
    %scan3A_41 = arith.addi %scan3A_39, %scan3A_40 : i32
    %scan3A_42 = arith.constant 1 : i32
    %scan3A_43 = scf.for %scan3A_377 = %scan3A_39 to %scan3A_41 step %scan3A_42 iter_args(%scan3A_378 = %scan3A_38) -> (i32)  : i32 {
      %mul3A_379 = arith.constant 16 : i32
      %mul3A_380 = arith.muli %scan3A_377, %mul3A_379 : i32
      %get3A = arith.index_cast %mul3A_380 : i32 to index
      %get3A_381 = tpu.vector_load %arg8[%get3A] {strides = array<i32>} : memref<40000xi32, #tpu.memory_space<vmem>>, vector<16xi32>,
      %gt3A = arith.constant 0 : i32
      %gt3A_382 = vector.broadcast %gt3A : i32 to vector<16xi32>
      %gt3A_383 = arith.cmpi sgt, %get3A_381, %gt3A_382 : vector<16xi32>
      %sub3A = arith.constant 1 : i32
      %sub3A_384 = vector.broadcast %sub3A : i32 to vector<16xi32>
      %sub3A_385 = arith.subi %get3A_381, %sub3A_384 : vector<16xi32>
      %mul3A_386 = arith.constant 16 : i32
      %mul3A_387 = arith.muli %scan3A_377, %mul3A_386 : i32
      %add3A_388 = arith.addi %mul3A_2, %mul3A_387 : i32
      %add3A_389 = vector.broadcast %add3A_388 : i32 to vector<16xi32>
      %add3A_390 = arith.addi %add3A_389, %iota3A : vector<16xi32>
      %swap3A = arith.index_cast %scan3A_378 : i32 to index
      %swap3A_391 = tpu.vector_load %arg9[%swap3A] masked %gt3A_383 {strides = array<i32>} : memref<1024xi32, #tpu.memory_space<vmem>>, vector<16xi32>, vector<16xi1>
      tpu.vector_store %arg9[%swap3A], %sub3A_385 masked %gt3A_383 {strides = array<i32>} : memref<1024xi32, #tpu.memory_space<vmem>>, vector<16xi32>, vector<16xi1>
      %swap3A_392 = arith.index_cast %scan3A_378 : i32 to index
      %swap3A_393 = tpu.vector_load %arg10[%swap3A_392] masked %gt3A_383 {strides = array<i32>} : memref<1024xi32, #tpu.memory_space<vmem>>, vector<16xi32>, vector<16xi1>
      tpu.vector_store %arg10[%swap3A_392], %add3A_390 masked %gt3A_383 {strides = array<i32>} : memref<1024xi32, #tpu.memory_space<vmem>>, vector<16xi32>, vector<16xi1>
      %convert_element_type3A = arith.extui %gt3A_383 : vector<16xi1> to vector<16xi32>
      %reduce_sum3A = arith.constant true
      %reduce_sum3A_394 = vector.broadcast %reduce_sum3A : i1 to vector<16xi1>
      %reduce_sum3A_395 = tpu.scan <sum>, %convert_element_type3A masked %reduce_sum3A_394 : vector<16xi32>, vector<16xi1> -> vector<16xi32>
      %reduce_sum3A_396 = vector.extract %reduce_sum3A_395[15] : i32 from vector<16xi32>
      %add3A_397 = arith.addi %scan3A_378, %reduce_sum3A_396 : i32
      %gt3A_398 = arith.constant 1008 : i32
      %gt3A_399 = arith.cmpi sgt, %add3A_397, %gt3A_398 : i32
      %convert_element_type3A_400 = arith.extui %gt3A_399 : i1 to i32
      %cond3A = arith.constant 0 : i32
      %cond3A_401 = arith.cmpi ne, %convert_element_type3A_400, %cond3A : i32
      %cond3A_402 = scf.if %cond3A_401 -> (i32) {
        %scan3A_403 = arith.constant 0 : i32
        %scan3A_404 = arith.constant 0 : i32
        %scan3A_405 = arith.constant 64 : i32
        %scan3A_406 = arith.addi %scan3A_404, %scan3A_405 : i32
        %scan3A_407 = arith.constant 1 : i32
        %scan3A_408 = scf.for %scan3A_738 = %scan3A_404 to %scan3A_406 step %scan3A_407 iter_args(%scan3A_739 = %scan3A_403) -> (i32)  : i32 {
          %jit3A = arith.constant 8 : i32
          %div3A = arith.divsi %scan3A_738, %jit3A : i32
          %sign3A = arith.constant 0 : i32
          %sign3A_740 = arith.cmpi sgt, %scan3A_738, %sign3A : i32
          %sign3A_741 = arith.extui %sign3A_740 : i1 to i32
          %sign3A_742 = arith.constant 0 : i32
          %sign3A_743 = arith.cmpi slt, %scan3A_738, %sign3A_742 : i32
          %sign3A_744 = arith.extui %sign3A_743 : i1 to i32
          %sign3A_745 = arith.subi %sign3A_741, %sign3A_744 : i32
          %sign3A_746 = arith.constant 0 : i32
          %sign3A_747 = arith.cmpi sgt, %jit3A, %sign3A_746 : i32
          %sign3A_748 = arith.extui %sign3A_747 : i1 to i32
          %sign3A_749 = arith.constant 0 : i32
          %sign3A_750 = arith.cmpi slt, %jit3A, %sign3A_749 : i32
          %sign3A_751 = arith.extui %sign3A_750 : i1 to i32
          %sign3A_752 = arith.subi %sign3A_748, %sign3A_751 : i32
          %ne3A = arith.cmpi ne, %sign3A_745, %sign3A_752 : i32
          %rem3A = arith.remsi %scan3A_738, %jit3A : i32
          %ne3A_753 = arith.constant 0 : i32
          %ne3A_754 = arith.cmpi ne, %rem3A, %ne3A_753 : i32
          %and3A = arith.andi %ne3A, %ne3A_754 : i1
          %sub3A_755 = arith.constant 1 : i32
          %sub3A_756 = arith.subi %div3A, %sub3A_755 : i32
          %select_n3A = arith.select %and3A, %sub3A_756, %div3A : i32
          %jit3A_757 = arith.constant 8 : i32
          %eq3A = arith.constant 0 : i32
          %eq3A_758 = arith.cmpi eq, %jit3A_757, %eq3A : i32
          %jit3A_759 = arith.constant 1 : i32
          %select_n3A_760 = arith.select %eq3A_758, %jit3A_759, %jit3A_757 : i32
          %rem3A_761 = arith.remsi %scan3A_738, %select_n3A_760 : i32
          %ne3A_762 = arith.constant 0 : i32
          %ne3A_763 = arith.cmpi ne, %rem3A_761, %ne3A_762 : i32
          %lt3A = arith.constant 0 : i32
          %lt3A_764 = arith.cmpi slt, %rem3A_761, %lt3A : i32
          %lt3A_765 = arith.constant 0 : i32
          %lt3A_766 = arith.cmpi slt, %select_n3A_760, %lt3A_765 : i32
          %ne3A_767 = arith.xori %lt3A_764, %lt3A_766 : i1
          %and3A_768 = arith.andi %ne3A_767, %ne3A_763 : i1
          %add3A_769 = arith.addi %rem3A_761, %select_n3A_760 : i32
          %select_n3A_770 = arith.select %and3A_768, %add3A_769, %rem3A_761 : i32
          %mul3A_771 = arith.constant 16 : i32
          %mul3A_772 = arith.muli %scan3A_738, %mul3A_771 : i32
          %get3A_773 = arith.index_cast %mul3A_772 : i32 to index
          %get3A_774 = tpu.vector_load %arg9[%get3A_773] {strides = array<i32>} : memref<1024xi32, #tpu.memory_space<vmem>>, vector<16xi32>,
          %mul3A_775 = arith.constant 16 : i32
          %mul3A_776 = arith.muli %select_n3A_770, %mul3A_775 : i32
          %swap3A_777 = arith.index_cast %select_n3A : i32 to index
          %swap3A_778 = arith.index_cast %mul3A_776 : i32 to index
          %swap3A_779 = tpu.vector_load %arg11[%swap3A_777, %swap3A_778] {strides = array<i32>} : memref<8x128xi32, #tpu.memory_space<vmem>>, vector<16xi32>,
          tpu.vector_store %arg11[%swap3A_777, %swap3A_778], %get3A_774 {strides = array<i32>} : memref<8x128xi32, #tpu.memory_space<vmem>>, vector<16xi32>,
          %mul3A_780 = arith.constant 16 : i32
          %mul3A_781 = arith.muli %scan3A_738, %mul3A_780 : i32
          %get3A_782 = arith.index_cast %mul3A_781 : i32 to index
          %get3A_783 = tpu.vector_load %arg10[%get3A_782] {strides = array<i32>} : memref<1024xi32, #tpu.memory_space<vmem>>, vector<16xi32>,
          %mul3A_784 = arith.constant 16 : i32
          %mul3A_785 = arith.muli %select_n3A_770, %mul3A_784 : i32
          %swap3A_786 = arith.index_cast %select_n3A : i32 to index
          %swap3A_787 = arith.index_cast %mul3A_785 : i32 to index
          %swap3A_788 = tpu.vector_load %arg12[%swap3A_786, %swap3A_787] {strides = array<i32>} : memref<8x128xi32, #tpu.memory_space<vmem>>, vector<16xi32>,
          tpu.vector_store %arg12[%swap3A_786, %swap3A_787], %get3A_783 {strides = array<i32>} : memref<8x128xi32, #tpu.memory_space<vmem>>, vector<16xi32>,
          %scan3A_789 = arith.constant 0 : i32
          scf.yield %scan3A_789 : i32
        }
        %scan3A_409 = arith.constant 64 : i32
        %dma_start3A_410 = arith.constant 0 : i32
        %dma_start3A_411 = arith.constant 0 : i32
        %dma_start3A_412 = arith.constant 0 : i32
        %dma_start3A_413 = tpu.memref_slice %arg13[%dma_start3A_411, %dma_start3A_412] : memref<1024x32xf32, #tpu.memory_space<vmem>> -> memref<128x32xf32, #tpu.memory_space<vmem>>
        %dma_start3A_414 = arith.constant 0 : i32
        %dma_start3A_415 = tpu.memref_slice %arg11[%dma_start3A_410, %dma_start3A_414] : memref<8x128xi32, #tpu.memory_space<vmem>> -> memref<1x128xi32, #tpu.memory_space<vmem>>
        %dma_start3A_416 = tpu.memref_squeeze %dma_start3A_415 : memref<1x128xi32, #tpu.memory_space<vmem>> -> memref<128xi32, #tpu.memory_space<vmem>>
        %dma_start3A_417 = arith.constant 0 : i32
        %dma_start3A_418 = arith.constant 0 : i32
        %dma_start3A_419 = tpu.memref_slice %arg4[%dma_start3A_417, %dma_start3A_418] : memref<320000x32xf32, #tpu.memory_space<hbm>> -> memref<320000x32xf32, #tpu.memory_space<hbm>>
        tpu.enqueue_indirect_dma source(%dma_start3A_419 : memref<320000x32xf32, #tpu.memory_space<hbm>>) target(%dma_start3A_413 : memref<128x32xf32, #tpu.memory_space<vmem>>) offsets(%dma_start3A_416 : memref<128xi32, #tpu.memory_space<vmem>>) semaphore(%arg14 : memref<!tpu.dma_semaphore, #tpu.memory_space<semaphore_mem>>)
        %dma_wait3A_420 = arith.constant 0 : i32
        %dma_wait3A_421 = arith.constant 0 : i32
        %dma_wait3A_422 = arith.constant 0 : i32
        %dma_wait3A_423 = tpu.memref_slice %arg13[%dma_wait3A_421, %dma_wait3A_422] : memref<1024x32xf32, #tpu.memory_space<vmem>> -> memref<128x32xf32, #tpu.memory_space<vmem>>
        %dma_wait3A_424 = arith.constant 0 : i32
        %dma_wait3A_425 = tpu.memref_slice %arg11[%dma_wait3A_420, %dma_wait3A_424] : memref<8x128xi32, #tpu.memory_space<vmem>> -> memref<1x128xi32, #tpu.memory_space<vmem>>
        %dma_wait3A_426 = tpu.memref_squeeze %dma_wait3A_425 : memref<1x128xi32, #tpu.memory_space<vmem>> -> memref<128xi32, #tpu.memory_space<vmem>>
        %dma_wait3A_427 = arith.constant 0 : i32
        %dma_wait3A_428 = arith.constant 0 : i32
        %dma_wait3A_429 = tpu.memref_slice %arg4[%dma_wait3A_427, %dma_wait3A_428] : memref<320000x32xf32, #tpu.memory_space<hbm>> -> memref<320000x32xf32, #tpu.memory_space<hbm>>
        tpu.wait_indirect_dma semaphore(%arg14 : memref<!tpu.dma_semaphore, #tpu.memory_space<semaphore_mem>>) src(%dma_wait3A_429 : memref<320000x32xf32, #tpu.memory_space<hbm>>) dst(%dma_wait3A_423 : memref<128x32xf32, #tpu.memory_space<vmem>>)
        %dma_start3A_430 = arith.constant 1 : i32
        %dma_start3A_431 = arith.constant 128 : i32
        %dma_start3A_432 = arith.constant 0 : i32
        %dma_start3A_433 = tpu.memref_slice %arg13[%dma_start3A_431, %dma_start3A_432] : memref<1024x32xf32, #tpu.memory_space<vmem>> -> memref<128x32xf32, #tpu.memory_space<vmem>>
        %dma_start3A_434 = arith.constant 0 : i32
        %dma_start3A_435 = tpu.memref_slice %arg11[%dma_start3A_430, %dma_start3A_434] : memref<8x128xi32, #tpu.memory_space<vmem>> -> memref<1x128xi32, #tpu.memory_space<vmem>>
        %dma_start3A_436 = tpu.memref_squeeze %dma_start3A_435 : memref<1x128xi32, #tpu.memory_space<vmem>> -> memref<128xi32, #tpu.memory_space<vmem>>
        %dma_start3A_437 = arith.constant 0 : i32
        %dma_start3A_438 = arith.constant 0 : i32
        %dma_start3A_439 = tpu.memref_slice %arg4[%dma_start3A_437, %dma_start3A_438] : memref<320000x32xf32, #tpu.memory_space<hbm>> -> memref<320000x32xf32, #tpu.memory_space<hbm>>
        tpu.enqueue_indirect_dma source(%dma_start3A_439 : memref<320000x32xf32, #tpu.memory_space<hbm>>) target(%dma_start3A_433 : memref<128x32xf32, #tpu.memory_space<vmem>>) offsets(%dma_start3A_436 : memref<128xi32, #tpu.memory_space<vmem>>) semaphore(%arg14 : memref<!tpu.dma_semaphore, #tpu.memory_space<semaphore_mem>>)
        %dma_wait3A_440 = arith.constant 1 : i32
        %dma_wait3A_441 = arith.constant 128 : i32
        %dma_wait3A_442 = arith.constant 0 : i32
        %dma_wait3A_443 = tpu.memref_slice %arg13[%dma_wait3A_441, %dma_wait3A_442] : memref<1024x32xf32, #tpu.memory_space<vmem>> -> memref<128x32xf32, #tpu.memory_space<vmem>>
        %dma_wait3A_444 = arith.constant 0 : i32
        %dma_wait3A_445 = tpu.memref_slice %arg11[%dma_wait3A_440, %dma_wait3A_444] : memref<8x128xi32, #tpu.memory_space<vmem>> -> memref<1x128xi32, #tpu.memory_space<vmem>>
        %dma_wait3A_446 = tpu.memref_squeeze %dma_wait3A_445 : memref<1x128xi32, #tpu.memory_space<vmem>> -> memref<128xi32, #tpu.memory_space<vmem>>
        %dma_wait3A_447 = arith.constant 0 : i32
        %dma_wait3A_448 = arith.constant 0 : i32
        %dma_wait3A_449 = tpu.memref_slice %arg4[%dma_wait3A_447, %dma_wait3A_448] : memref<320000x32xf32, #tpu.memory_space<hbm>> -> memref<320000x32xf32, #tpu.memory_space<hbm>>
        tpu.wait_indirect_dma semaphore(%arg14 : memref<!tpu.dma_semaphore, #tpu.memory_space<semaphore_mem>>) src(%dma_wait3A_449 : memref<320000x32xf32, #tpu.memory_space<hbm>>) dst(%dma_wait3A_443 : memref<128x32xf32, #tpu.memory_space<vmem>>)
        %dma_start3A_450 = arith.constant 2 : i32
        %dma_start3A_451 = arith.constant 256 : i32
        %dma_start3A_452 = arith.constant 0 : i32
        %dma_start3A_453 = tpu.memref_slice %arg13[%dma_start3A_451, %dma_start3A_452] : memref<1024x32xf32, #tpu.memory_space<vmem>> -> memref<128x32xf32, #tpu.memory_space<vmem>>
        %dma_start3A_454 = arith.constant 0 : i32
        %dma_start3A_455 = tpu.memref_slice %arg11[%dma_start3A_450, %dma_start3A_454] : memref<8x128xi32, #tpu.memory_space<vmem>> -> memref<1x128xi32, #tpu.memory_space<vmem>>
        %dma_start3A_456 = tpu.memref_squeeze %dma_start3A_455 : memref<1x128xi32, #tpu.memory_space<vmem>> -> memref<128xi32, #tpu.memory_space<vmem>>
        %dma_start3A_457 = arith.constant 0 : i32
        %dma_start3A_458 = arith.constant 0 : i32
        %dma_start3A_459 = tpu.memref_slice %arg4[%dma_start3A_457, %dma_start3A_458] : memref<320000x32xf32, #tpu.memory_space<hbm>> -> memref<320000x32xf32, #tpu.memory_space<hbm>>
        tpu.enqueue_indirect_dma source(%dma_start3A_459 : memref<320000x32xf32, #tpu.memory_space<hbm>>) target(%dma_start3A_453 : memref<128x32xf32, #tpu.memory_space<vmem>>) offsets(%dma_start3A_456 : memref<128xi32, #tpu.memory_space<vmem>>) semaphore(%arg14 : memref<!tpu.dma_semaphore, #tpu.memory_space<semaphore_mem>>)
        %dma_wait3A_460 = arith.constant 2 : i32
        %dma_wait3A_461 = arith.constant 256 : i32
        %dma_wait3A_462 = arith.constant 0 : i32
        %dma_wait3A_463 = tpu.memref_slice %arg13[%dma_wait3A_461, %dma_wait3A_462] : memref<1024x32xf32, #tpu.memory_space<vmem>> -> memref<128x32xf32, #tpu.memory_space<vmem>>
        %dma_wait3A_464 = arith.constant 0 : i32
        %dma_wait3A_465 = tpu.memref_slice %arg11[%dma_wait3A_460, %dma_wait3A_464] : memref<8x128xi32, #tpu.memory_space<vmem>> -> memref<1x128xi32, #tpu.memory_space<vmem>>
        %dma_wait3A_466 = tpu.memref_squeeze %dma_wait3A_465 : memref<1x128xi32, #tpu.memory_space<vmem>> -> memref<128xi32, #tpu.memory_space<vmem>>
        %dma_wait3A_467 = arith.constant 0 : i32
        %dma_wait3A_468 = arith.constant 0 : i32
        %dma_wait3A_469 = tpu.memref_slice %arg4[%dma_wait3A_467, %dma_wait3A_468] : memref<320000x32xf32, #tpu.memory_space<hbm>> -> memref<320000x32xf32, #tpu.memory_space<hbm>>
        tpu.wait_indirect_dma semaphore(%arg14 : memref<!tpu.dma_semaphore, #tpu.memory_space<semaphore_mem>>) src(%dma_wait3A_469 : memref<320000x32xf32, #tpu.memory_space<hbm>>) dst(%dma_wait3A_463 : memref<128x32xf32, #tpu.memory_space<vmem>>)
        %dma_start3A_470 = arith.constant 3 : i32
        %dma_start3A_471 = arith.constant 384 : i32
        %dma_start3A_472 = arith.constant 0 : i32
        %dma_start3A_473 = tpu.memref_slice %arg13[%dma_start3A_471, %dma_start3A_472] : memref<1024x32xf32, #tpu.memory_space<vmem>> -> memref<128x32xf32, #tpu.memory_space<vmem>>
        %dma_start3A_474 = arith.constant 0 : i32
        %dma_start3A_475 = tpu.memref_slice %arg11[%dma_start3A_470, %dma_start3A_474] : memref<8x128xi32, #tpu.memory_space<vmem>> -> memref<1x128xi32, #tpu.memory_space<vmem>>
        %dma_start3A_476 = tpu.memref_squeeze %dma_start3A_475 : memref<1x128xi32, #tpu.memory_space<vmem>> -> memref<128xi32, #tpu.memory_space<vmem>>
        %dma_start3A_477 = arith.constant 0 : i32
        %dma_start3A_478 = arith.constant 0 : i32
        %dma_start3A_479 = tpu.memref_slice %arg4[%dma_start3A_477, %dma_start3A_478] : memref<320000x32xf32, #tpu.memory_space<hbm>> -> memref<320000x32xf32, #tpu.memory_space<hbm>>
        tpu.enqueue_indirect_dma source(%dma_start3A_479 : memref<320000x32xf32, #tpu.memory_space<hbm>>) target(%dma_start3A_473 : memref<128x32xf32, #tpu.memory_space<vmem>>) offsets(%dma_start3A_476 : memref<128xi32, #tpu.memory_space<vmem>>) semaphore(%arg14 : memref<!tpu.dma_semaphore, #tpu.memory_space<semaphore_mem>>)
        %dma_wait3A_480 = arith.constant 3 : i32
        %dma_wait3A_481 = arith.constant 384 : i32
        %dma_wait3A_482 = arith.constant 0 : i32
        %dma_wait3A_483 = tpu.memref_slice %arg13[%dma_wait3A_481, %dma_wait3A_482] : memref<1024x32xf32, #tpu.memory_space<vmem>> -> memref<128x32xf32, #tpu.memory_space<vmem>>
        %dma_wait3A_484 = arith.constant 0 : i32
        %dma_wait3A_485 = tpu.memref_slice %arg11[%dma_wait3A_480, %dma_wait3A_484] : memref<8x128xi32, #tpu.memory_space<vmem>> -> memref<1x128xi32, #tpu.memory_space<vmem>>
        %dma_wait3A_486 = tpu.memref_squeeze %dma_wait3A_485 : memref<1x128xi32, #tpu.memory_space<vmem>> -> memref<128xi32, #tpu.memory_space<vmem>>
        %dma_wait3A_487 = arith.constant 0 : i32
        %dma_wait3A_488 = arith.constant 0 : i32
        %dma_wait3A_489 = tpu.memref_slice %arg4[%dma_wait3A_487, %dma_wait3A_488] : memref<320000x32xf32, #tpu.memory_space<hbm>> -> memref<320000x32xf32, #tpu.memory_space<hbm>>
        tpu.wait_indirect_dma semaphore(%arg14 : memref<!tpu.dma_semaphore, #tpu.memory_space<semaphore_mem>>) src(%dma_wait3A_489 : memref<320000x32xf32, #tpu.memory_space<hbm>>) dst(%dma_wait3A_483 : memref<128x32xf32, #tpu.memory_space<vmem>>)
        %dma_start3A_490 = arith.constant 4 : i32
        %dma_start3A_491 = arith.constant 512 : i32
        %dma_start3A_492 = arith.constant 0 : i32
        %dma_start3A_493 = tpu.memref_slice %arg13[%dma_start3A_491, %dma_start3A_492] : memref<1024x32xf32, #tpu.memory_space<vmem>> -> memref<128x32xf32, #tpu.memory_space<vmem>>
        %dma_start3A_494 = arith.constant 0 : i32
        %dma_start3A_495 = tpu.memref_slice %arg11[%dma_start3A_490, %dma_start3A_494] : memref<8x128xi32, #tpu.memory_space<vmem>> -> memref<1x128xi32, #tpu.memory_space<vmem>>
        %dma_start3A_496 = tpu.memref_squeeze %dma_start3A_495 : memref<1x128xi32, #tpu.memory_space<vmem>> -> memref<128xi32, #tpu.memory_space<vmem>>
        %dma_start3A_497 = arith.constant 0 : i32
        %dma_start3A_498 = arith.constant 0 : i32
        %dma_start3A_499 = tpu.memref_slice %arg4[%dma_start3A_497, %dma_start3A_498] : memref<320000x32xf32, #tpu.memory_space<hbm>> -> memref<320000x32xf32, #tpu.memory_space<hbm>>
        tpu.enqueue_indirect_dma source(%dma_start3A_499 : memref<320000x32xf32, #tpu.memory_space<hbm>>) target(%dma_start3A_493 : memref<128x32xf32, #tpu.memory_space<vmem>>) offsets(%dma_start3A_496 : memref<128xi32, #tpu.memory_space<vmem>>) semaphore(%arg14 : memref<!tpu.dma_semaphore, #tpu.memory_space<semaphore_mem>>)
        %dma_wait3A_500 = arith.constant 4 : i32
        %dma_wait3A_501 = arith.constant 512 : i32
        %dma_wait3A_502 = arith.constant 0 : i32
        %dma_wait3A_503 = tpu.memref_slice %arg13[%dma_wait3A_501, %dma_wait3A_502] : memref<1024x32xf32, #tpu.memory_space<vmem>> -> memref<128x32xf32, #tpu.memory_space<vmem>>
        %dma_wait3A_504 = arith.constant 0 : i32
        %dma_wait3A_505 = tpu.memref_slice %arg11[%dma_wait3A_500, %dma_wait3A_504] : memref<8x128xi32, #tpu.memory_space<vmem>> -> memref<1x128xi32, #tpu.memory_space<vmem>>
        %dma_wait3A_506 = tpu.memref_squeeze %dma_wait3A_505 : memref<1x128xi32, #tpu.memory_space<vmem>> -> memref<128xi32, #tpu.memory_space<vmem>>
        %dma_wait3A_507 = arith.constant 0 : i32
        %dma_wait3A_508 = arith.constant 0 : i32
        %dma_wait3A_509 = tpu.memref_slice %arg4[%dma_wait3A_507, %dma_wait3A_508] : memref<320000x32xf32, #tpu.memory_space<hbm>> -> memref<320000x32xf32, #tpu.memory_space<hbm>>
        tpu.wait_indirect_dma semaphore(%arg14 : memref<!tpu.dma_semaphore, #tpu.memory_space<semaphore_mem>>) src(%dma_wait3A_509 : memref<320000x32xf32, #tpu.memory_space<hbm>>) dst(%dma_wait3A_503 : memref<128x32xf32, #tpu.memory_space<vmem>>)
        %dma_start3A_510 = arith.constant 5 : i32
        %dma_start3A_511 = arith.constant 640 : i32
        %dma_start3A_512 = arith.constant 0 : i32
        %dma_start3A_513 = tpu.memref_slice %arg13[%dma_start3A_511, %dma_start3A_512] : memref<1024x32xf32, #tpu.memory_space<vmem>> -> memref<128x32xf32, #tpu.memory_space<vmem>>
        %dma_start3A_514 = arith.constant 0 : i32
        %dma_start3A_515 = tpu.memref_slice %arg11[%dma_start3A_510, %dma_start3A_514] : memref<8x128xi32, #tpu.memory_space<vmem>> -> memref<1x128xi32, #tpu.memory_space<vmem>>
        %dma_start3A_516 = tpu.memref_squeeze %dma_start3A_515 : memref<1x128xi32, #tpu.memory_space<vmem>> -> memref<128xi32, #tpu.memory_space<vmem>>
        %dma_start3A_517 = arith.constant 0 : i32
        %dma_start3A_518 = arith.constant 0 : i32
        %dma_start3A_519 = tpu.memref_slice %arg4[%dma_start3A_517, %dma_start3A_518] : memref<320000x32xf32, #tpu.memory_space<hbm>> -> memref<320000x32xf32, #tpu.memory_space<hbm>>
        tpu.enqueue_indirect_dma source(%dma_start3A_519 : memref<320000x32xf32, #tpu.memory_space<hbm>>) target(%dma_start3A_513 : memref<128x32xf32, #tpu.memory_space<vmem>>) offsets(%dma_start3A_516 : memref<128xi32, #tpu.memory_space<vmem>>) semaphore(%arg14 : memref<!tpu.dma_semaphore, #tpu.memory_space<semaphore_mem>>)
        %dma_wait3A_520 = arith.constant 5 : i32
        %dma_wait3A_521 = arith.constant 640 : i32
        %dma_wait3A_522 = arith.constant 0 : i32
        %dma_wait3A_523 = tpu.memref_slice %arg13[%dma_wait3A_521, %dma_wait3A_522] : memref<1024x32xf32, #tpu.memory_space<vmem>> -> memref<128x32xf32, #tpu.memory_space<vmem>>
        %dma_wait3A_524 = arith.constant 0 : i32
        %dma_wait3A_525 = tpu.memref_slice %arg11[%dma_wait3A_520, %dma_wait3A_524] : memref<8x128xi32, #tpu.memory_space<vmem>> -> memref<1x128xi32, #tpu.memory_space<vmem>>
        %dma_wait3A_526 = tpu.memref_squeeze %dma_wait3A_525 : memref<1x128xi32, #tpu.memory_space<vmem>> -> memref<128xi32, #tpu.memory_space<vmem>>
        %dma_wait3A_527 = arith.constant 0 : i32
        %dma_wait3A_528 = arith.constant 0 : i32
        %dma_wait3A_529 = tpu.memref_slice %arg4[%dma_wait3A_527, %dma_wait3A_528] : memref<320000x32xf32, #tpu.memory_space<hbm>> -> memref<320000x32xf32, #tpu.memory_space<hbm>>
        tpu.wait_indirect_dma semaphore(%arg14 : memref<!tpu.dma_semaphore, #tpu.memory_space<semaphore_mem>>) src(%dma_wait3A_529 : memref<320000x32xf32, #tpu.memory_space<hbm>>) dst(%dma_wait3A_523 : memref<128x32xf32, #tpu.memory_space<vmem>>)
        %dma_start3A_530 = arith.constant 6 : i32
        %dma_start3A_531 = arith.constant 768 : i32
        %dma_start3A_532 = arith.constant 0 : i32
        %dma_start3A_533 = tpu.memref_slice %arg13[%dma_start3A_531, %dma_start3A_532] : memref<1024x32xf32, #tpu.memory_space<vmem>> -> memref<128x32xf32, #tpu.memory_space<vmem>>
        %dma_start3A_534 = arith.constant 0 : i32
        %dma_start3A_535 = tpu.memref_slice %arg11[%dma_start3A_530, %dma_start3A_534] : memref<8x128xi32, #tpu.memory_space<vmem>> -> memref<1x128xi32, #tpu.memory_space<vmem>>
        %dma_start3A_536 = tpu.memref_squeeze %dma_start3A_535 : memref<1x128xi32, #tpu.memory_space<vmem>> -> memref<128xi32, #tpu.memory_space<vmem>>
        %dma_start3A_537 = arith.constant 0 : i32
        %dma_start3A_538 = arith.constant 0 : i32
        %dma_start3A_539 = tpu.memref_slice %arg4[%dma_start3A_537, %dma_start3A_538] : memref<320000x32xf32, #tpu.memory_space<hbm>> -> memref<320000x32xf32, #tpu.memory_space<hbm>>
        tpu.enqueue_indirect_dma source(%dma_start3A_539 : memref<320000x32xf32, #tpu.memory_space<hbm>>) target(%dma_start3A_533 : memref<128x32xf32, #tpu.memory_space<vmem>>) offsets(%dma_start3A_536 : memref<128xi32, #tpu.memory_space<vmem>>) semaphore(%arg14 : memref<!tpu.dma_semaphore, #tpu.memory_space<semaphore_mem>>)
        %dma_wait3A_540 = arith.constant 6 : i32
        %dma_wait3A_541 = arith.constant 768 : i32
        %dma_wait3A_542 = arith.constant 0 : i32
        %dma_wait3A_543 = tpu.memref_slice %arg13[%dma_wait3A_541, %dma_wait3A_542] : memref<1024x32xf32, #tpu.memory_space<vmem>> -> memref<128x32xf32, #tpu.memory_space<vmem>>
        %dma_wait3A_544 = arith.constant 0 : i32
        %dma_wait3A_545 = tpu.memref_slice %arg11[%dma_wait3A_540, %dma_wait3A_544] : memref<8x128xi32, #tpu.memory_space<vmem>> -> memref<1x128xi32, #tpu.memory_space<vmem>>
        %dma_wait3A_546 = tpu.memref_squeeze %dma_wait3A_545 : memref<1x128xi32, #tpu.memory_space<vmem>> -> memref<128xi32, #tpu.memory_space<vmem>>
        %dma_wait3A_547 = arith.constant 0 : i32
        %dma_wait3A_548 = arith.constant 0 : i32
        %dma_wait3A_549 = tpu.memref_slice %arg4[%dma_wait3A_547, %dma_wait3A_548] : memref<320000x32xf32, #tpu.memory_space<hbm>> -> memref<320000x32xf32, #tpu.memory_space<hbm>>
        tpu.wait_indirect_dma semaphore(%arg14 : memref<!tpu.dma_semaphore, #tpu.memory_space<semaphore_mem>>) src(%dma_wait3A_549 : memref<320000x32xf32, #tpu.memory_space<hbm>>) dst(%dma_wait3A_543 : memref<128x32xf32, #tpu.memory_space<vmem>>)
        %dma_start3A_550 = arith.constant 7 : i32
        %dma_start3A_551 = arith.constant 896 : i32
        %dma_start3A_552 = arith.constant 0 : i32
        %dma_start3A_553 = tpu.memref_slice %arg13[%dma_start3A_551, %dma_start3A_552] : memref<1024x32xf32, #tpu.memory_space<vmem>> -> memref<128x32xf32, #tpu.memory_space<vmem>>
        %dma_start3A_554 = arith.constant 0 : i32
        %dma_start3A_555 = tpu.memref_slice %arg11[%dma_start3A_550, %dma_start3A_554] : memref<8x128xi32, #tpu.memory_space<vmem>> -> memref<1x128xi32, #tpu.memory_space<vmem>>
        %dma_start3A_556 = tpu.memref_squeeze %dma_start3A_555 : memref<1x128xi32, #tpu.memory_space<vmem>> -> memref<128xi32, #tpu.memory_space<vmem>>
        %dma_start3A_557 = arith.constant 0 : i32
        %dma_start3A_558 = arith.constant 0 : i32
        %dma_start3A_559 = tpu.memref_slice %arg4[%dma_start3A_557, %dma_start3A_558] : memref<320000x32xf32, #tpu.memory_space<hbm>> -> memref<320000x32xf32, #tpu.memory_space<hbm>>
        tpu.enqueue_indirect_dma source(%dma_start3A_559 : memref<320000x32xf32, #tpu.memory_space<hbm>>) target(%dma_start3A_553 : memref<128x32xf32, #tpu.memory_space<vmem>>) offsets(%dma_start3A_556 : memref<128xi32, #tpu.memory_space<vmem>>) semaphore(%arg14 : memref<!tpu.dma_semaphore, #tpu.memory_space<semaphore_mem>>)
        %dma_wait3A_560 = arith.constant 7 : i32
        %dma_wait3A_561 = arith.constant 896 : i32
        %dma_wait3A_562 = arith.constant 0 : i32
        %dma_wait3A_563 = tpu.memref_slice %arg13[%dma_wait3A_561, %dma_wait3A_562] : memref<1024x32xf32, #tpu.memory_space<vmem>> -> memref<128x32xf32, #tpu.memory_space<vmem>>
        %dma_wait3A_564 = arith.constant 0 : i32
        %dma_wait3A_565 = tpu.memref_slice %arg11[%dma_wait3A_560, %dma_wait3A_564] : memref<8x128xi32, #tpu.memory_space<vmem>> -> memref<1x128xi32, #tpu.memory_space<vmem>>
        %dma_wait3A_566 = tpu.memref_squeeze %dma_wait3A_565 : memref<1x128xi32, #tpu.memory_space<vmem>> -> memref<128xi32, #tpu.memory_space<vmem>>
        %dma_wait3A_567 = arith.constant 0 : i32
        %dma_wait3A_568 = arith.constant 0 : i32
        %dma_wait3A_569 = tpu.memref_slice %arg4[%dma_wait3A_567, %dma_wait3A_568] : memref<320000x32xf32, #tpu.memory_space<hbm>> -> memref<320000x32xf32, #tpu.memory_space<hbm>>
        tpu.wait_indirect_dma semaphore(%arg14 : memref<!tpu.dma_semaphore, #tpu.memory_space<semaphore_mem>>) src(%dma_wait3A_569 : memref<320000x32xf32, #tpu.memory_space<hbm>>) dst(%dma_wait3A_563 : memref<128x32xf32, #tpu.memory_space<vmem>>)
        %dma_start3A_570 = arith.constant 0 : i32
        %dma_start3A_571 = arith.constant 0 : i32
        %dma_start3A_572 = arith.constant 0 : i32
        %dma_start3A_573 = tpu.memref_slice %arg13[%dma_start3A_571, %dma_start3A_572] : memref<1024x32xf32, #tpu.memory_space<vmem>> -> memref<128x32xf32, #tpu.memory_space<vmem>>
        %dma_start3A_574 = arith.constant 0 : i32
        %dma_start3A_575 = tpu.memref_slice %arg12[%dma_start3A_570, %dma_start3A_574] : memref<8x128xi32, #tpu.memory_space<vmem>> -> memref<1x128xi32, #tpu.memory_space<vmem>>
        %dma_start3A_576 = tpu.memref_squeeze %dma_start3A_575 : memref<1x128xi32, #tpu.memory_space<vmem>> -> memref<128xi32, #tpu.memory_space<vmem>>
        %dma_start3A_577 = arith.constant 0 : i32
        %dma_start3A_578 = arith.constant 0 : i32
        %dma_start3A_579 = tpu.memref_slice %arg5[%dma_start3A_577, %dma_start3A_578] : memref<1280016x32xf32, #tpu.memory_space<hbm>> -> memref<1280016x32xf32, #tpu.memory_space<hbm>>
        tpu.enqueue_indirect_dma source(%dma_start3A_573 : memref<128x32xf32, #tpu.memory_space<vmem>>) target(%dma_start3A_579 : memref<1280016x32xf32, #tpu.memory_space<hbm>>) offsets(%dma_start3A_576 : memref<128xi32, #tpu.memory_space<vmem>>) semaphore(%arg14 : memref<!tpu.dma_semaphore, #tpu.memory_space<semaphore_mem>>)
        %dma_wait3A_580 = arith.constant 0 : i32
        %dma_wait3A_581 = arith.constant 0 : i32
        %dma_wait3A_582 = arith.constant 0 : i32
        %dma_wait3A_583 = tpu.memref_slice %arg13[%dma_wait3A_581, %dma_wait3A_582] : memref<1024x32xf32, #tpu.memory_space<vmem>> -> memref<128x32xf32, #tpu.memory_space<vmem>>
        %dma_wait3A_584 = arith.constant 0 : i32
        %dma_wait3A_585 = tpu.memref_slice %arg12[%dma_wait3A_580, %dma_wait3A_584] : memref<8x128xi32, #tpu.memory_space<vmem>> -> memref<1x128xi32, #tpu.memory_space<vmem>>
        %dma_wait3A_586 = tpu.memref_squeeze %dma_wait3A_585 : memref<1x128xi32, #tpu.memory_space<vmem>> -> memref<128xi32, #tpu.memory_space<vmem>>
        %dma_wait3A_587 = arith.constant 0 : i32
        %dma_wait3A_588 = arith.constant 0 : i32
        %dma_wait3A_589 = tpu.memref_slice %arg5[%dma_wait3A_587, %dma_wait3A_588] : memref<1280016x32xf32, #tpu.memory_space<hbm>> -> memref<1280016x32xf32, #tpu.memory_space<hbm>>
        tpu.wait_indirect_dma semaphore(%arg14 : memref<!tpu.dma_semaphore, #tpu.memory_space<semaphore_mem>>) src(%dma_wait3A_583 : memref<128x32xf32, #tpu.memory_space<vmem>>) dst(%dma_wait3A_589 : memref<1280016x32xf32, #tpu.memory_space<hbm>>)
        %dma_start3A_590 = arith.constant 1 : i32
        %dma_start3A_591 = arith.constant 128 : i32
        %dma_start3A_592 = arith.constant 0 : i32
        %dma_start3A_593 = tpu.memref_slice %arg13[%dma_start3A_591, %dma_start3A_592] : memref<1024x32xf32, #tpu.memory_space<vmem>> -> memref<128x32xf32, #tpu.memory_space<vmem>>
        %dma_start3A_594 = arith.constant 0 : i32
        %dma_start3A_595 = tpu.memref_slice %arg12[%dma_start3A_590, %dma_start3A_594] : memref<8x128xi32, #tpu.memory_space<vmem>> -> memref<1x128xi32, #tpu.memory_space<vmem>>
        %dma_start3A_596 = tpu.memref_squeeze %dma_start3A_595 : memref<1x128xi32, #tpu.memory_space<vmem>> -> memref<128xi32, #tpu.memory_space<vmem>>
        %dma_start3A_597 = arith.constant 0 : i32
        %dma_start3A_598 = arith.constant 0 : i32
        %dma_start3A_599 = tpu.memref_slice %arg5[%dma_start3A_597, %dma_start3A_598] : memref<1280016x32xf32, #tpu.memory_space<hbm>> -> memref<1280016x32xf32, #tpu.memory_space<hbm>>
        tpu.enqueue_indirect_dma source(%dma_start3A_593 : memref<128x32xf32, #tpu.memory_space<vmem>>) target(%dma_start3A_599 : memref<1280016x32xf32, #tpu.memory_space<hbm>>) offsets(%dma_start3A_596 : memref<128xi32, #tpu.memory_space<vmem>>) semaphore(%arg14 : memref<!tpu.dma_semaphore, #tpu.memory_space<semaphore_mem>>)
        %dma_wait3A_600 = arith.constant 1 : i32
        %dma_wait3A_601 = arith.constant 128 : i32
        %dma_wait3A_602 = arith.constant 0 : i32
        %dma_wait3A_603 = tpu.memref_slice %arg13[%dma_wait3A_601, %dma_wait3A_602] : memref<1024x32xf32, #tpu.memory_space<vmem>> -> memref<128x32xf32, #tpu.memory_space<vmem>>
        %dma_wait3A_604 = arith.constant 0 : i32
        %dma_wait3A_605 = tpu.memref_slice %arg12[%dma_wait3A_600, %dma_wait3A_604] : memref<8x128xi32, #tpu.memory_space<vmem>> -> memref<1x128xi32, #tpu.memory_space<vmem>>
        %dma_wait3A_606 = tpu.memref_squeeze %dma_wait3A_605 : memref<1x128xi32, #tpu.memory_space<vmem>> -> memref<128xi32, #tpu.memory_space<vmem>>
        %dma_wait3A_607 = arith.constant 0 : i32
        %dma_wait3A_608 = arith.constant 0 : i32
        %dma_wait3A_609 = tpu.memref_slice %arg5[%dma_wait3A_607, %dma_wait3A_608] : memref<1280016x32xf32, #tpu.memory_space<hbm>> -> memref<1280016x32xf32, #tpu.memory_space<hbm>>
        tpu.wait_indirect_dma semaphore(%arg14 : memref<!tpu.dma_semaphore, #tpu.memory_space<semaphore_mem>>) src(%dma_wait3A_603 : memref<128x32xf32, #tpu.memory_space<vmem>>) dst(%dma_wait3A_609 : memref<1280016x32xf32, #tpu.memory_space<hbm>>)
        %dma_start3A_610 = arith.constant 2 : i32
        %dma_start3A_611 = arith.constant 256 : i32
        %dma_start3A_612 = arith.constant 0 : i32
        %dma_start3A_613 = tpu.memref_slice %arg13[%dma_start3A_611, %dma_start3A_612] : memref<1024x32xf32, #tpu.memory_space<vmem>> -> memref<128x32xf32, #tpu.memory_space<vmem>>
        %dma_start3A_614 = arith.constant 0 : i32
        %dma_start3A_615 = tpu.memref_slice %arg12[%dma_start3A_610, %dma_start3A_614] : memref<8x128xi32, #tpu.memory_space<vmem>> -> memref<1x128xi32, #tpu.memory_space<vmem>>
        %dma_start3A_616 = tpu.memref_squeeze %dma_start3A_615 : memref<1x128xi32, #tpu.memory_space<vmem>> -> memref<128xi32, #tpu.memory_space<vmem>>
        %dma_start3A_617 = arith.constant 0 : i32
        %dma_start3A_618 = arith.constant 0 : i32
        %dma_start3A_619 = tpu.memref_slice %arg5[%dma_start3A_617, %dma_start3A_618] : memref<1280016x32xf32, #tpu.memory_space<hbm>> -> memref<1280016x32xf32, #tpu.memory_space<hbm>>
        tpu.enqueue_indirect_dma source(%dma_start3A_613 : memref<128x32xf32, #tpu.memory_space<vmem>>) target(%dma_start3A_619 : memref<1280016x32xf32, #tpu.memory_space<hbm>>) offsets(%dma_start3A_616 : memref<128xi32, #tpu.memory_space<vmem>>) semaphore(%arg14 : memref<!tpu.dma_semaphore, #tpu.memory_space<semaphore_mem>>)
        %dma_wait3A_620 = arith.constant 2 : i32
        %dma_wait3A_621 = arith.constant 256 : i32
        %dma_wait3A_622 = arith.constant 0 : i32
        %dma_wait3A_623 = tpu.memref_slice %arg13[%dma_wait3A_621, %dma_wait3A_622] : memref<1024x32xf32, #tpu.memory_space<vmem>> -> memref<128x32xf32, #tpu.memory_space<vmem>>
        %dma_wait3A_624 = arith.constant 0 : i32
        %dma_wait3A_625 = tpu.memref_slice %arg12[%dma_wait3A_620, %dma_wait3A_624] : memref<8x128xi32, #tpu.memory_space<vmem>> -> memref<1x128xi32, #tpu.memory_space<vmem>>
        %dma_wait3A_626 = tpu.memref_squeeze %dma_wait3A_625 : memref<1x128xi32, #tpu.memory_space<vmem>> -> memref<128xi32, #tpu.memory_space<vmem>>
        %dma_wait3A_627 = arith.constant 0 : i32
        %dma_wait3A_628 = arith.constant 0 : i32
        %dma_wait3A_629 = tpu.memref_slice %arg5[%dma_wait3A_627, %dma_wait3A_628] : memref<1280016x32xf32, #tpu.memory_space<hbm>> -> memref<1280016x32xf32, #tpu.memory_space<hbm>>
        tpu.wait_indirect_dma semaphore(%arg14 : memref<!tpu.dma_semaphore, #tpu.memory_space<semaphore_mem>>) src(%dma_wait3A_623 : memref<128x32xf32, #tpu.memory_space<vmem>>) dst(%dma_wait3A_629 : memref<1280016x32xf32, #tpu.memory_space<hbm>>)
        %dma_start3A_630 = arith.constant 3 : i32
        %dma_start3A_631 = arith.constant 384 : i32
        %dma_start3A_632 = arith.constant 0 : i32
        %dma_start3A_633 = tpu.memref_slice %arg13[%dma_start3A_631, %dma_start3A_632] : memref<1024x32xf32, #tpu.memory_space<vmem>> -> memref<128x32xf32, #tpu.memory_space<vmem>>
        %dma_start3A_634 = arith.constant 0 : i32
        %dma_start3A_635 = tpu.memref_slice %arg12[%dma_start3A_630, %dma_start3A_634] : memref<8x128xi32, #tpu.memory_space<vmem>> -> memref<1x128xi32, #tpu.memory_space<vmem>>
        %dma_start3A_636 = tpu.memref_squeeze %dma_start3A_635 : memref<1x128xi32, #tpu.memory_space<vmem>> -> memref<128xi32, #tpu.memory_space<vmem>>
        %dma_start3A_637 = arith.constant 0 : i32
        %dma_start3A_638 = arith.constant 0 : i32
        %dma_start3A_639 = tpu.memref_slice %arg5[%dma_start3A_637, %dma_start3A_638] : memref<1280016x32xf32, #tpu.memory_space<hbm>> -> memref<1280016x32xf32, #tpu.memory_space<hbm>>
        tpu.enqueue_indirect_dma source(%dma_start3A_633 : memref<128x32xf32, #tpu.memory_space<vmem>>) target(%dma_start3A_639 : memref<1280016x32xf32, #tpu.memory_space<hbm>>) offsets(%dma_start3A_636 : memref<128xi32, #tpu.memory_space<vmem>>) semaphore(%arg14 : memref<!tpu.dma_semaphore, #tpu.memory_space<semaphore_mem>>)
        %dma_wait3A_640 = arith.constant 3 : i32
        %dma_wait3A_641 = arith.constant 384 : i32
        %dma_wait3A_642 = arith.constant 0 : i32
        %dma_wait3A_643 = tpu.memref_slice %arg13[%dma_wait3A_641, %dma_wait3A_642] : memref<1024x32xf32, #tpu.memory_space<vmem>> -> memref<128x32xf32, #tpu.memory_space<vmem>>
        %dma_wait3A_644 = arith.constant 0 : i32
        %dma_wait3A_645 = tpu.memref_slice %arg12[%dma_wait3A_640, %dma_wait3A_644] : memref<8x128xi32, #tpu.memory_space<vmem>> -> memref<1x128xi32, #tpu.memory_space<vmem>>
        %dma_wait3A_646 = tpu.memref_squeeze %dma_wait3A_645 : memref<1x128xi32, #tpu.memory_space<vmem>> -> memref<128xi32, #tpu.memory_space<vmem>>
        %dma_wait3A_647 = arith.constant 0 : i32
        %dma_wait3A_648 = arith.constant 0 : i32
        %dma_wait3A_649 = tpu.memref_slice %arg5[%dma_wait3A_647, %dma_wait3A_648] : memref<1280016x32xf32, #tpu.memory_space<hbm>> -> memref<1280016x32xf32, #tpu.memory_space<hbm>>
        tpu.wait_indirect_dma semaphore(%arg14 : memref<!tpu.dma_semaphore, #tpu.memory_space<semaphore_mem>>) src(%dma_wait3A_643 : memref<128x32xf32, #tpu.memory_space<vmem>>) dst(%dma_wait3A_649 : memref<1280016x32xf32, #tpu.memory_space<hbm>>)
        %dma_start3A_650 = arith.constant 4 : i32
        %dma_start3A_651 = arith.constant 512 : i32
        %dma_start3A_652 = arith.constant 0 : i32
        %dma_start3A_653 = tpu.memref_slice %arg13[%dma_start3A_651, %dma_start3A_652] : memref<1024x32xf32, #tpu.memory_space<vmem>> -> memref<128x32xf32, #tpu.memory_space<vmem>>
        %dma_start3A_654 = arith.constant 0 : i32
        %dma_start3A_655 = tpu.memref_slice %arg12[%dma_start3A_650, %dma_start3A_654] : memref<8x128xi32, #tpu.memory_space<vmem>> -> memref<1x128xi32, #tpu.memory_space<vmem>>
        %dma_start3A_656 = tpu.memref_squeeze %dma_start3A_655 : memref<1x128xi32, #tpu.memory_space<vmem>> -> memref<128xi32, #tpu.memory_space<vmem>>
        %dma_start3A_657 = arith.constant 0 : i32
        %dma_start3A_658 = arith.constant 0 : i32
        %dma_start3A_659 = tpu.memref_slice %arg5[%dma_start3A_657, %dma_start3A_658] : memref<1280016x32xf32, #tpu.memory_space<hbm>> -> memref<1280016x32xf32, #tpu.memory_space<hbm>>
        tpu.enqueue_indirect_dma source(%dma_start3A_653 : memref<128x32xf32, #tpu.memory_space<vmem>>) target(%dma_start3A_659 : memref<1280016x32xf32, #tpu.memory_space<hbm>>) offsets(%dma_start3A_656 : memref<128xi32, #tpu.memory_space<vmem>>) semaphore(%arg14 : memref<!tpu.dma_semaphore, #tpu.memory_space<semaphore_mem>>)
        %dma_wait3A_660 = arith.constant 4 : i32
        %dma_wait3A_661 = arith.constant 512 : i32
        %dma_wait3A_662 = arith.constant 0 : i32
        %dma_wait3A_663 = tpu.memref_slice %arg13[%dma_wait3A_661, %dma_wait3A_662] : memref<1024x32xf32, #tpu.memory_space<vmem>> -> memref<128x32xf32, #tpu.memory_space<vmem>>
        %dma_wait3A_664 = arith.constant 0 : i32
        %dma_wait3A_665 = tpu.memref_slice %arg12[%dma_wait3A_660, %dma_wait3A_664] : memref<8x128xi32, #tpu.memory_space<vmem>> -> memref<1x128xi32, #tpu.memory_space<vmem>>
        %dma_wait3A_666 = tpu.memref_squeeze %dma_wait3A_665 : memref<1x128xi32, #tpu.memory_space<vmem>> -> memref<128xi32, #tpu.memory_space<vmem>>
        %dma_wait3A_667 = arith.constant 0 : i32
        %dma_wait3A_668 = arith.constant 0 : i32
        %dma_wait3A_669 = tpu.memref_slice %arg5[%dma_wait3A_667, %dma_wait3A_668] : memref<1280016x32xf32, #tpu.memory_space<hbm>> -> memref<1280016x32xf32, #tpu.memory_space<hbm>>
        tpu.wait_indirect_dma semaphore(%arg14 : memref<!tpu.dma_semaphore, #tpu.memory_space<semaphore_mem>>) src(%dma_wait3A_663 : memref<128x32xf32, #tpu.memory_space<vmem>>) dst(%dma_wait3A_669 : memref<1280016x32xf32, #tpu.memory_space<hbm>>)
        %dma_start3A_670 = arith.constant 5 : i32
        %dma_start3A_671 = arith.constant 640 : i32
        %dma_start3A_672 = arith.constant 0 : i32
        %dma_start3A_673 = tpu.memref_slice %arg13[%dma_start3A_671, %dma_start3A_672] : memref<1024x32xf32, #tpu.memory_space<vmem>> -> memref<128x32xf32, #tpu.memory_space<vmem>>
        %dma_start3A_674 = arith.constant 0 : i32
        %dma_start3A_675 = tpu.memref_slice %arg12[%dma_start3A_670, %dma_start3A_674] : memref<8x128xi32, #tpu.memory_space<vmem>> -> memref<1x128xi32, #tpu.memory_space<vmem>>
        %dma_start3A_676 = tpu.memref_squeeze %dma_start3A_675 : memref<1x128xi32, #tpu.memory_space<vmem>> -> memref<128xi32, #tpu.memory_space<vmem>>
        %dma_start3A_677 = arith.constant 0 : i32
        %dma_start3A_678 = arith.constant 0 : i32
        %dma_start3A_679 = tpu.memref_slice %arg5[%dma_start3A_677, %dma_start3A_678] : memref<1280016x32xf32, #tpu.memory_space<hbm>> -> memref<1280016x32xf32, #tpu.memory_space<hbm>>
        tpu.enqueue_indirect_dma source(%dma_start3A_673 : memref<128x32xf32, #tpu.memory_space<vmem>>) target(%dma_start3A_679 : memref<1280016x32xf32, #tpu.memory_space<hbm>>) offsets(%dma_start3A_676 : memref<128xi32, #tpu.memory_space<vmem>>) semaphore(%arg14 : memref<!tpu.dma_semaphore, #tpu.memory_space<semaphore_mem>>)
        %dma_wait3A_680 = arith.constant 5 : i32
        %dma_wait3A_681 = arith.constant 640 : i32
        %dma_wait3A_682 = arith.constant 0 : i32
        %dma_wait3A_683 = tpu.memref_slice %arg13[%dma_wait3A_681, %dma_wait3A_682] : memref<1024x32xf32, #tpu.memory_space<vmem>> -> memref<128x32xf32, #tpu.memory_space<vmem>>
        %dma_wait3A_684 = arith.constant 0 : i32
        %dma_wait3A_685 = tpu.memref_slice %arg12[%dma_wait3A_680, %dma_wait3A_684] : memref<8x128xi32, #tpu.memory_space<vmem>> -> memref<1x128xi32, #tpu.memory_space<vmem>>
        %dma_wait3A_686 = tpu.memref_squeeze %dma_wait3A_685 : memref<1x128xi32, #tpu.memory_space<vmem>> -> memref<128xi32, #tpu.memory_space<vmem>>
        %dma_wait3A_687 = arith.constant 0 : i32
        %dma_wait3A_688 = arith.constant 0 : i32
        %dma_wait3A_689 = tpu.memref_slice %arg5[%dma_wait3A_687, %dma_wait3A_688] : memref<1280016x32xf32, #tpu.memory_space<hbm>> -> memref<1280016x32xf32, #tpu.memory_space<hbm>>
        tpu.wait_indirect_dma semaphore(%arg14 : memref<!tpu.dma_semaphore, #tpu.memory_space<semaphore_mem>>) src(%dma_wait3A_683 : memref<128x32xf32, #tpu.memory_space<vmem>>) dst(%dma_wait3A_689 : memref<1280016x32xf32, #tpu.memory_space<hbm>>)
        %dma_start3A_690 = arith.constant 6 : i32
        %dma_start3A_691 = arith.constant 768 : i32
        %dma_start3A_692 = arith.constant 0 : i32
        %dma_start3A_693 = tpu.memref_slice %arg13[%dma_start3A_691, %dma_start3A_692] : memref<1024x32xf32, #tpu.memory_space<vmem>> -> memref<128x32xf32, #tpu.memory_space<vmem>>
        %dma_start3A_694 = arith.constant 0 : i32
        %dma_start3A_695 = tpu.memref_slice %arg12[%dma_start3A_690, %dma_start3A_694] : memref<8x128xi32, #tpu.memory_space<vmem>> -> memref<1x128xi32, #tpu.memory_space<vmem>>
        %dma_start3A_696 = tpu.memref_squeeze %dma_start3A_695 : memref<1x128xi32, #tpu.memory_space<vmem>> -> memref<128xi32, #tpu.memory_space<vmem>>
        %dma_start3A_697 = arith.constant 0 : i32
        %dma_start3A_698 = arith.constant 0 : i32
        %dma_start3A_699 = tpu.memref_slice %arg5[%dma_start3A_697, %dma_start3A_698] : memref<1280016x32xf32, #tpu.memory_space<hbm>> -> memref<1280016x32xf32, #tpu.memory_space<hbm>>
        tpu.enqueue_indirect_dma source(%dma_start3A_693 : memref<128x32xf32, #tpu.memory_space<vmem>>) target(%dma_start3A_699 : memref<1280016x32xf32, #tpu.memory_space<hbm>>) offsets(%dma_start3A_696 : memref<128xi32, #tpu.memory_space<vmem>>) semaphore(%arg14 : memref<!tpu.dma_semaphore, #tpu.memory_space<semaphore_mem>>)
        %dma_wait3A_700 = arith.constant 6 : i32
        %dma_wait3A_701 = arith.constant 768 : i32
        %dma_wait3A_702 = arith.constant 0 : i32
        %dma_wait3A_703 = tpu.memref_slice %arg13[%dma_wait3A_701, %dma_wait3A_702] : memref<1024x32xf32, #tpu.memory_space<vmem>> -> memref<128x32xf32, #tpu.memory_space<vmem>>
        %dma_wait3A_704 = arith.constant 0 : i32
        %dma_wait3A_705 = tpu.memref_slice %arg12[%dma_wait3A_700, %dma_wait3A_704] : memref<8x128xi32, #tpu.memory_space<vmem>> -> memref<1x128xi32, #tpu.memory_space<vmem>>
        %dma_wait3A_706 = tpu.memref_squeeze %dma_wait3A_705 : memref<1x128xi32, #tpu.memory_space<vmem>> -> memref<128xi32, #tpu.memory_space<vmem>>
        %dma_wait3A_707 = arith.constant 0 : i32
        %dma_wait3A_708 = arith.constant 0 : i32
        %dma_wait3A_709 = tpu.memref_slice %arg5[%dma_wait3A_707, %dma_wait3A_708] : memref<1280016x32xf32, #tpu.memory_space<hbm>> -> memref<1280016x32xf32, #tpu.memory_space<hbm>>
        tpu.wait_indirect_dma semaphore(%arg14 : memref<!tpu.dma_semaphore, #tpu.memory_space<semaphore_mem>>) src(%dma_wait3A_703 : memref<128x32xf32, #tpu.memory_space<vmem>>) dst(%dma_wait3A_709 : memref<1280016x32xf32, #tpu.memory_space<hbm>>)
        %dma_start3A_710 = arith.constant 7 : i32
        %dma_start3A_711 = arith.constant 896 : i32
        %dma_start3A_712 = arith.constant 0 : i32
        %dma_start3A_713 = tpu.memref_slice %arg13[%dma_start3A_711, %dma_start3A_712] : memref<1024x32xf32, #tpu.memory_space<vmem>> -> memref<128x32xf32, #tpu.memory_space<vmem>>
        %dma_start3A_714 = arith.constant 0 : i32
        %dma_start3A_715 = tpu.memref_slice %arg12[%dma_start3A_710, %dma_start3A_714] : memref<8x128xi32, #tpu.memory_space<vmem>> -> memref<1x128xi32, #tpu.memory_space<vmem>>
        %dma_start3A_716 = tpu.memref_squeeze %dma_start3A_715 : memref<1x128xi32, #tpu.memory_space<vmem>> -> memref<128xi32, #tpu.memory_space<vmem>>
        %dma_start3A_717 = arith.constant 0 : i32
        %dma_start3A_718 = arith.constant 0 : i32
        %dma_start3A_719 = tpu.memref_slice %arg5[%dma_start3A_717, %dma_start3A_718] : memref<1280016x32xf32, #tpu.memory_space<hbm>> -> memref<1280016x32xf32, #tpu.memory_space<hbm>>
        tpu.enqueue_indirect_dma source(%dma_start3A_713 : memref<128x32xf32, #tpu.memory_space<vmem>>) target(%dma_start3A_719 : memref<1280016x32xf32, #tpu.memory_space<hbm>>) offsets(%dma_start3A_716 : memref<128xi32, #tpu.memory_space<vmem>>) semaphore(%arg14 : memref<!tpu.dma_semaphore, #tpu.memory_space<semaphore_mem>>)
        %dma_wait3A_720 = arith.constant 7 : i32
        %dma_wait3A_721 = arith.constant 896 : i32
        %dma_wait3A_722 = arith.constant 0 : i32
        %dma_wait3A_723 = tpu.memref_slice %arg13[%dma_wait3A_721, %dma_wait3A_722] : memref<1024x32xf32, #tpu.memory_space<vmem>> -> memref<128x32xf32, #tpu.memory_space<vmem>>
        %dma_wait3A_724 = arith.constant 0 : i32
        %dma_wait3A_725 = tpu.memref_slice %arg12[%dma_wait3A_720, %dma_wait3A_724] : memref<8x128xi32, #tpu.memory_space<vmem>> -> memref<1x128xi32, #tpu.memory_space<vmem>>
        %dma_wait3A_726 = tpu.memref_squeeze %dma_wait3A_725 : memref<1x128xi32, #tpu.memory_space<vmem>> -> memref<128xi32, #tpu.memory_space<vmem>>
        %dma_wait3A_727 = arith.constant 0 : i32
        %dma_wait3A_728 = arith.constant 0 : i32
        %dma_wait3A_729 = tpu.memref_slice %arg5[%dma_wait3A_727, %dma_wait3A_728] : memref<1280016x32xf32, #tpu.memory_space<hbm>> -> memref<1280016x32xf32, #tpu.memory_space<hbm>>
        tpu.wait_indirect_dma semaphore(%arg14 : memref<!tpu.dma_semaphore, #tpu.memory_space<semaphore_mem>>) src(%dma_wait3A_723 : memref<128x32xf32, #tpu.memory_space<vmem>>) dst(%dma_wait3A_729 : memref<1280016x32xf32, #tpu.memory_space<hbm>>)
        %scan3A_730 = arith.constant 0 : i32
        %scan3A_731 = arith.constant 0 : i32
        %scan3A_732 = arith.constant 64 : i32
        %scan3A_733 = arith.addi %scan3A_731, %scan3A_732 : i32
        %scan3A_734 = arith.constant 1 : i32
        %scan3A_735 = scf.for %scan3A_738 = %scan3A_731 to %scan3A_733 step %scan3A_734 iter_args(%scan3A_739 = %scan3A_730) -> (i32)  : i32 {
          %mul3A_740 = arith.constant 16 : i32
          %mul3A_741 = arith.muli %scan3A_738, %mul3A_740 : i32
          %swap3A_742 = arith.index_cast %mul3A_741 : i32 to index
          %swap3A_743 = tpu.vector_load %arg9[%swap3A_742] {strides = array<i32>} : memref<1024xi32, #tpu.memory_space<vmem>>, vector<16xi32>,
          tpu.vector_store %arg9[%swap3A_742], %broadcast_in_dim3A_3 {strides = array<i32>} : memref<1024xi32, #tpu.memory_space<vmem>>, vector<16xi32>,
          %add3A_744 = arith.constant 1280000 : i32
          %add3A_745 = vector.broadcast %add3A_744 : i32 to vector<16xi32>
          %add3A_746 = arith.addi %add3A_745, %iota3A : vector<16xi32>
          %mul3A_747 = arith.constant 16 : i32
          %mul3A_748 = arith.muli %scan3A_738, %mul3A_747 : i32
          %swap3A_749 = arith.index_cast %mul3A_748 : i32 to index
          %swap3A_750 = tpu.vector_load %arg10[%swap3A_749] {strides = array<i32>} : memref<1024xi32, #tpu.memory_space<vmem>>, vector<16xi32>,
          tpu.vector_store %arg10[%swap3A_749], %add3A_746 {strides = array<i32>} : memref<1024xi32, #tpu.memory_space<vmem>>, vector<16xi32>,
          %scan3A_751 = arith.constant 0 : i32
          scf.yield %scan3A_751 : i32
        }
        %scan3A_736 = arith.constant 64 : i32
        %cond3A_737 = arith.constant 0 : i32
        scf.yield %cond3A_737 : i32
      } else {
        scf.yield %add3A_397 : i32
      }
      scf.yield %cond3A_402 : i32
    }
    %scan3A_44 = arith.constant 2500 : i32
    %scan3A_45 = arith.constant 0 : i32
    %scan3A_46 = arith.constant 0 : i32
    %scan3A_47 = arith.constant 64 : i32
    %scan3A_48 = arith.addi %scan3A_46, %scan3A_47 : i32
    %scan3A_49 = arith.constant 1 : i32
    %scan3A_50 = scf.for %scan3A_377 = %scan3A_46 to %scan3A_48 step %scan3A_49 iter_args(%scan3A_378 = %scan3A_45) -> (i32)  : i32 {
      %jit3A = arith.constant 8 : i32
      %div3A = arith.divsi %scan3A_377, %jit3A : i32
      %sign3A = arith.constant 0 : i32
      %sign3A_379 = arith.cmpi sgt, %scan3A_377, %sign3A : i32
      %sign3A_380 = arith.extui %sign3A_379 : i1 to i32
      %sign3A_381 = arith.constant 0 : i32
      %sign3A_382 = arith.cmpi slt, %scan3A_377, %sign3A_381 : i32
      %sign3A_383 = arith.extui %sign3A_382 : i1 to i32
      %sign3A_384 = arith.subi %sign3A_380, %sign3A_383 : i32
      %sign3A_385 = arith.constant 0 : i32
      %sign3A_386 = arith.cmpi sgt, %jit3A, %sign3A_385 : i32
      %sign3A_387 = arith.extui %sign3A_386 : i1 to i32
      %sign3A_388 = arith.constant 0 : i32
      %sign3A_389 = arith.cmpi slt, %jit3A, %sign3A_388 : i32
      %sign3A_390 = arith.extui %sign3A_389 : i1 to i32
      %sign3A_391 = arith.subi %sign3A_387, %sign3A_390 : i32
      %ne3A = arith.cmpi ne, %sign3A_384, %sign3A_391 : i32
      %rem3A = arith.remsi %scan3A_377, %jit3A : i32
      %ne3A_392 = arith.constant 0 : i32
      %ne3A_393 = arith.cmpi ne, %rem3A, %ne3A_392 : i32
      %and3A = arith.andi %ne3A, %ne3A_393 : i1
      %sub3A = arith.constant 1 : i32
      %sub3A_394 = arith.subi %div3A, %sub3A : i32
      %select_n3A = arith.select %and3A, %sub3A_394, %div3A : i32
      %jit3A_395 = arith.constant 8 : i32
      %eq3A = arith.constant 0 : i32
      %eq3A_396 = arith.cmpi eq, %jit3A_395, %eq3A : i32
      %jit3A_397 = arith.constant 1 : i32
      %select_n3A_398 = arith.select %eq3A_396, %jit3A_397, %jit3A_395 : i32
      %rem3A_399 = arith.remsi %scan3A_377, %select_n3A_398 : i32
      %ne3A_400 = arith.constant 0 : i32
      %ne3A_401 = arith.cmpi ne, %rem3A_399, %ne3A_400 : i32
      %lt3A = arith.constant 0 : i32
      %lt3A_402 = arith.cmpi slt, %rem3A_399, %lt3A : i32
      %lt3A_403 = arith.constant 0 : i32
      %lt3A_404 = arith.cmpi slt, %select_n3A_398, %lt3A_403 : i32
      %ne3A_405 = arith.xori %lt3A_402, %lt3A_404 : i1
      %and3A_406 = arith.andi %ne3A_405, %ne3A_401 : i1
      %add3A_407 = arith.addi %rem3A_399, %select_n3A_398 : i32
      %select_n3A_408 = arith.select %and3A_406, %add3A_407, %rem3A_399 : i32
      %mul3A_409 = arith.constant 16 : i32
      %mul3A_410 = arith.muli %scan3A_377, %mul3A_409 : i32
      %get3A = arith.index_cast %mul3A_410 : i32 to index
      %get3A_411 = tpu.vector_load %arg9[%get3A] {strides = array<i32>} : memref<1024xi32, #tpu.memory_space<vmem>>, vector<16xi32>,
      %mul3A_412 = arith.constant 16 : i32
      %mul3A_413 = arith.muli %select_n3A_408, %mul3A_412 : i32
      %swap3A = arith.index_cast %select_n3A : i32 to index
      %swap3A_414 = arith.index_cast %mul3A_413 : i32 to index
      %swap3A_415 = tpu.vector_load %arg11[%swap3A, %swap3A_414] {strides = array<i32>} : memref<8x128xi32, #tpu.memory_space<vmem>>, vector<16xi32>,
      tpu.vector_store %arg11[%swap3A, %swap3A_414], %get3A_411 {strides = array<i32>} : memref<8x128xi32, #tpu.memory_space<vmem>>, vector<16xi32>,
      %mul3A_416 = arith.constant 16 : i32
      %mul3A_417 = arith.muli %scan3A_377, %mul3A_416 : i32
      %get3A_418 = arith.index_cast %mul3A_417 : i32 to index
      %get3A_419 = tpu.vector_load %arg10[%get3A_418] {strides = array<i32>} : memref<1024xi32, #tpu.memory_space<vmem>>, vector<16xi32>,
      %mul3A_420 = arith.constant 16 : i32
      %mul3A_421 = arith.muli %select_n3A_408, %mul3A_420 : i32
      %swap3A_422 = arith.index_cast %select_n3A : i32 to index
      %swap3A_423 = arith.index_cast %mul3A_421 : i32 to index
      %swap3A_424 = tpu.vector_load %arg12[%swap3A_422, %swap3A_423] {strides = array<i32>} : memref<8x128xi32, #tpu.memory_space<vmem>>, vector<16xi32>,
      tpu.vector_store %arg12[%swap3A_422, %swap3A_423], %get3A_419 {strides = array<i32>} : memref<8x128xi32, #tpu.memory_space<vmem>>, vector<16xi32>,
      %scan3A_425 = arith.constant 0 : i32
      scf.yield %scan3A_425 : i32
    }
    %scan3A_51 = arith.constant 64 : i32
    %dma_start3A = arith.constant 0 : i32
    %dma_start3A_52 = arith.constant 0 : i32
    %dma_start3A_53 = arith.constant 0 : i32
    %dma_start3A_54 = tpu.memref_slice %arg13[%dma_start3A_52, %dma_start3A_53] : memref<1024x32xf32, #tpu.memory_space<vmem>> -> memref<128x32xf32, #tpu.memory_space<vmem>>
    %dma_start3A_55 = arith.constant 0 : i32
    %dma_start3A_56 = tpu.memref_slice %arg11[%dma_start3A, %dma_start3A_55] : memref<8x128xi32, #tpu.memory_space<vmem>> -> memref<1x128xi32, #tpu.memory_space<vmem>>
    %dma_start3A_57 = tpu.memref_squeeze %dma_start3A_56 : memref<1x128xi32, #tpu.memory_space<vmem>> -> memref<128xi32, #tpu.memory_space<vmem>>
    %dma_start3A_58 = arith.constant 0 : i32
    %dma_start3A_59 = arith.constant 0 : i32
    %dma_start3A_60 = tpu.memref_slice %arg4[%dma_start3A_58, %dma_start3A_59] : memref<320000x32xf32, #tpu.memory_space<hbm>> -> memref<320000x32xf32, #tpu.memory_space<hbm>>
    tpu.enqueue_indirect_dma source(%dma_start3A_60 : memref<320000x32xf32, #tpu.memory_space<hbm>>) target(%dma_start3A_54 : memref<128x32xf32, #tpu.memory_space<vmem>>) offsets(%dma_start3A_57 : memref<128xi32, #tpu.memory_space<vmem>>) semaphore(%arg14 : memref<!tpu.dma_semaphore, #tpu.memory_space<semaphore_mem>>)
    %dma_wait3A = arith.constant 0 : i32
    %dma_wait3A_61 = arith.constant 0 : i32
    %dma_wait3A_62 = arith.constant 0 : i32
    %dma_wait3A_63 = tpu.memref_slice %arg13[%dma_wait3A_61, %dma_wait3A_62] : memref<1024x32xf32, #tpu.memory_space<vmem>> -> memref<128x32xf32, #tpu.memory_space<vmem>>
    %dma_wait3A_64 = arith.constant 0 : i32
    %dma_wait3A_65 = tpu.memref_slice %arg11[%dma_wait3A, %dma_wait3A_64] : memref<8x128xi32, #tpu.memory_space<vmem>> -> memref<1x128xi32, #tpu.memory_space<vmem>>
    %dma_wait3A_66 = tpu.memref_squeeze %dma_wait3A_65 : memref<1x128xi32, #tpu.memory_space<vmem>> -> memref<128xi32, #tpu.memory_space<vmem>>
    %dma_wait3A_67 = arith.constant 0 : i32
    %dma_wait3A_68 = arith.constant 0 : i32
    %dma_wait3A_69 = tpu.memref_slice %arg4[%dma_wait3A_67, %dma_wait3A_68] : memref<320000x32xf32, #tpu.memory_space<hbm>> -> memref<320000x32xf32, #tpu.memory_space<hbm>>
    tpu.wait_indirect_dma semaphore(%arg14 : memref<!tpu.dma_semaphore, #tpu.memory_space<semaphore_mem>>) src(%dma_wait3A_69 : memref<320000x32xf32, #tpu.memory_space<hbm>>) dst(%dma_wait3A_63 : memref<128x32xf32, #tpu.memory_space<vmem>>)
    %dma_start3A_70 = arith.constant 1 : i32
    %dma_start3A_71 = arith.constant 128 : i32
    %dma_start3A_72 = arith.constant 0 : i32
    %dma_start3A_73 = tpu.memref_slice %arg13[%dma_start3A_71, %dma_start3A_72] : memref<1024x32xf32, #tpu.memory_space<vmem>> -> memref<128x32xf32, #tpu.memory_space<vmem>>
    %dma_start3A_74 = arith.constant 0 : i32
    %dma_start3A_75 = tpu.memref_slice %arg11[%dma_start3A_70, %dma_start3A_74] : memref<8x128xi32, #tpu.memory_space<vmem>> -> memref<1x128xi32, #tpu.memory_space<vmem>>
    %dma_start3A_76 = tpu.memref_squeeze %dma_start3A_75 : memref<1x128xi32, #tpu.memory_space<vmem>> -> memref<128xi32, #tpu.memory_space<vmem>>
    %dma_start3A_77 = arith.constant 0 : i32
    %dma_start3A_78 = arith.constant 0 : i32
    %dma_start3A_79 = tpu.memref_slice %arg4[%dma_start3A_77, %dma_start3A_78] : memref<320000x32xf32, #tpu.memory_space<hbm>> -> memref<320000x32xf32, #tpu.memory_space<hbm>>
    tpu.enqueue_indirect_dma source(%dma_start3A_79 : memref<320000x32xf32, #tpu.memory_space<hbm>>) target(%dma_start3A_73 : memref<128x32xf32, #tpu.memory_space<vmem>>) offsets(%dma_start3A_76 : memref<128xi32, #tpu.memory_space<vmem>>) semaphore(%arg14 : memref<!tpu.dma_semaphore, #tpu.memory_space<semaphore_mem>>)
    %dma_wait3A_80 = arith.constant 1 : i32
    %dma_wait3A_81 = arith.constant 128 : i32
    %dma_wait3A_82 = arith.constant 0 : i32
    %dma_wait3A_83 = tpu.memref_slice %arg13[%dma_wait3A_81, %dma_wait3A_82] : memref<1024x32xf32, #tpu.memory_space<vmem>> -> memref<128x32xf32, #tpu.memory_space<vmem>>
    %dma_wait3A_84 = arith.constant 0 : i32
    %dma_wait3A_85 = tpu.memref_slice %arg11[%dma_wait3A_80, %dma_wait3A_84] : memref<8x128xi32, #tpu.memory_space<vmem>> -> memref<1x128xi32, #tpu.memory_space<vmem>>
    %dma_wait3A_86 = tpu.memref_squeeze %dma_wait3A_85 : memref<1x128xi32, #tpu.memory_space<vmem>> -> memref<128xi32, #tpu.memory_space<vmem>>
    %dma_wait3A_87 = arith.constant 0 : i32
    %dma_wait3A_88 = arith.constant 0 : i32
    %dma_wait3A_89 = tpu.memref_slice %arg4[%dma_wait3A_87, %dma_wait3A_88] : memref<320000x32xf32, #tpu.memory_space<hbm>> -> memref<320000x32xf32, #tpu.memory_space<hbm>>
    tpu.wait_indirect_dma semaphore(%arg14 : memref<!tpu.dma_semaphore, #tpu.memory_space<semaphore_mem>>) src(%dma_wait3A_89 : memref<320000x32xf32, #tpu.memory_space<hbm>>) dst(%dma_wait3A_83 : memref<128x32xf32, #tpu.memory_space<vmem>>)
    %dma_start3A_90 = arith.constant 2 : i32
    %dma_start3A_91 = arith.constant 256 : i32
    %dma_start3A_92 = arith.constant 0 : i32
    %dma_start3A_93 = tpu.memref_slice %arg13[%dma_start3A_91, %dma_start3A_92] : memref<1024x32xf32, #tpu.memory_space<vmem>> -> memref<128x32xf32, #tpu.memory_space<vmem>>
    %dma_start3A_94 = arith.constant 0 : i32
    %dma_start3A_95 = tpu.memref_slice %arg11[%dma_start3A_90, %dma_start3A_94] : memref<8x128xi32, #tpu.memory_space<vmem>> -> memref<1x128xi32, #tpu.memory_space<vmem>>
    %dma_start3A_96 = tpu.memref_squeeze %dma_start3A_95 : memref<1x128xi32, #tpu.memory_space<vmem>> -> memref<128xi32, #tpu.memory_space<vmem>>
    %dma_start3A_97 = arith.constant 0 : i32
    %dma_start3A_98 = arith.constant 0 : i32
    %dma_start3A_99 = tpu.memref_slice %arg4[%dma_start3A_97, %dma_start3A_98] : memref<320000x32xf32, #tpu.memory_space<hbm>> -> memref<320000x32xf32, #tpu.memory_space<hbm>>
    tpu.enqueue_indirect_dma source(%dma_start3A_99 : memref<320000x32xf32, #tpu.memory_space<hbm>>) target(%dma_start3A_93 : memref<128x32xf32, #tpu.memory_space<vmem>>) offsets(%dma_start3A_96 : memref<128xi32, #tpu.memory_space<vmem>>) semaphore(%arg14 : memref<!tpu.dma_semaphore, #tpu.memory_space<semaphore_mem>>)
    %dma_wait3A_100 = arith.constant 2 : i32
    %dma_wait3A_101 = arith.constant 256 : i32
    %dma_wait3A_102 = arith.constant 0 : i32
    %dma_wait3A_103 = tpu.memref_slice %arg13[%dma_wait3A_101, %dma_wait3A_102] : memref<1024x32xf32, #tpu.memory_space<vmem>> -> memref<128x32xf32, #tpu.memory_space<vmem>>
    %dma_wait3A_104 = arith.constant 0 : i32
    %dma_wait3A_105 = tpu.memref_slice %arg11[%dma_wait3A_100, %dma_wait3A_104] : memref<8x128xi32, #tpu.memory_space<vmem>> -> memref<1x128xi32, #tpu.memory_space<vmem>>
    %dma_wait3A_106 = tpu.memref_squeeze %dma_wait3A_105 : memref<1x128xi32, #tpu.memory_space<vmem>> -> memref<128xi32, #tpu.memory_space<vmem>>
    %dma_wait3A_107 = arith.constant 0 : i32
    %dma_wait3A_108 = arith.constant 0 : i32
    %dma_wait3A_109 = tpu.memref_slice %arg4[%dma_wait3A_107, %dma_wait3A_108] : memref<320000x32xf32, #tpu.memory_space<hbm>> -> memref<320000x32xf32, #tpu.memory_space<hbm>>
    tpu.wait_indirect_dma semaphore(%arg14 : memref<!tpu.dma_semaphore, #tpu.memory_space<semaphore_mem>>) src(%dma_wait3A_109 : memref<320000x32xf32, #tpu.memory_space<hbm>>) dst(%dma_wait3A_103 : memref<128x32xf32, #tpu.memory_space<vmem>>)
    %dma_start3A_110 = arith.constant 3 : i32
    %dma_start3A_111 = arith.constant 384 : i32
    %dma_start3A_112 = arith.constant 0 : i32
    %dma_start3A_113 = tpu.memref_slice %arg13[%dma_start3A_111, %dma_start3A_112] : memref<1024x32xf32, #tpu.memory_space<vmem>> -> memref<128x32xf32, #tpu.memory_space<vmem>>
    %dma_start3A_114 = arith.constant 0 : i32
    %dma_start3A_115 = tpu.memref_slice %arg11[%dma_start3A_110, %dma_start3A_114] : memref<8x128xi32, #tpu.memory_space<vmem>> -> memref<1x128xi32, #tpu.memory_space<vmem>>
    %dma_start3A_116 = tpu.memref_squeeze %dma_start3A_115 : memref<1x128xi32, #tpu.memory_space<vmem>> -> memref<128xi32, #tpu.memory_space<vmem>>
    %dma_start3A_117 = arith.constant 0 : i32
    %dma_start3A_118 = arith.constant 0 : i32
    %dma_start3A_119 = tpu.memref_slice %arg4[%dma_start3A_117, %dma_start3A_118] : memref<320000x32xf32, #tpu.memory_space<hbm>> -> memref<320000x32xf32, #tpu.memory_space<hbm>>
    tpu.enqueue_indirect_dma source(%dma_start3A_119 : memref<320000x32xf32, #tpu.memory_space<hbm>>) target(%dma_start3A_113 : memref<128x32xf32, #tpu.memory_space<vmem>>) offsets(%dma_start3A_116 : memref<128xi32, #tpu.memory_space<vmem>>) semaphore(%arg14 : memref<!tpu.dma_semaphore, #tpu.memory_space<semaphore_mem>>)
    %dma_wait3A_120 = arith.constant 3 : i32
    %dma_wait3A_121 = arith.constant 384 : i32
    %dma_wait3A_122 = arith.constant 0 : i32
    %dma_wait3A_123 = tpu.memref_slice %arg13[%dma_wait3A_121, %dma_wait3A_122] : memref<1024x32xf32, #tpu.memory_space<vmem>> -> memref<128x32xf32, #tpu.memory_space<vmem>>
    %dma_wait3A_124 = arith.constant 0 : i32
    %dma_wait3A_125 = tpu.memref_slice %arg11[%dma_wait3A_120, %dma_wait3A_124] : memref<8x128xi32, #tpu.memory_space<vmem>> -> memref<1x128xi32, #tpu.memory_space<vmem>>
    %dma_wait3A_126 = tpu.memref_squeeze %dma_wait3A_125 : memref<1x128xi32, #tpu.memory_space<vmem>> -> memref<128xi32, #tpu.memory_space<vmem>>
    %dma_wait3A_127 = arith.constant 0 : i32
    %dma_wait3A_128 = arith.constant 0 : i32
    %dma_wait3A_129 = tpu.memref_slice %arg4[%dma_wait3A_127, %dma_wait3A_128] : memref<320000x32xf32, #tpu.memory_space<hbm>> -> memref<320000x32xf32, #tpu.memory_space<hbm>>
    tpu.wait_indirect_dma semaphore(%arg14 : memref<!tpu.dma_semaphore, #tpu.memory_space<semaphore_mem>>) src(%dma_wait3A_129 : memref<320000x32xf32, #tpu.memory_space<hbm>>) dst(%dma_wait3A_123 : memref<128x32xf32, #tpu.memory_space<vmem>>)
    %dma_start3A_130 = arith.constant 4 : i32
    %dma_start3A_131 = arith.constant 512 : i32
    %dma_start3A_132 = arith.constant 0 : i32
    %dma_start3A_133 = tpu.memref_slice %arg13[%dma_start3A_131, %dma_start3A_132] : memref<1024x32xf32, #tpu.memory_space<vmem>> -> memref<128x32xf32, #tpu.memory_space<vmem>>
    %dma_start3A_134 = arith.constant 0 : i32
    %dma_start3A_135 = tpu.memref_slice %arg11[%dma_start3A_130, %dma_start3A_134] : memref<8x128xi32, #tpu.memory_space<vmem>> -> memref<1x128xi32, #tpu.memory_space<vmem>>
    %dma_start3A_136 = tpu.memref_squeeze %dma_start3A_135 : memref<1x128xi32, #tpu.memory_space<vmem>> -> memref<128xi32, #tpu.memory_space<vmem>>
    %dma_start3A_137 = arith.constant 0 : i32
    %dma_start3A_138 = arith.constant 0 : i32
    %dma_start3A_139 = tpu.memref_slice %arg4[%dma_start3A_137, %dma_start3A_138] : memref<320000x32xf32, #tpu.memory_space<hbm>> -> memref<320000x32xf32, #tpu.memory_space<hbm>>
    tpu.enqueue_indirect_dma source(%dma_start3A_139 : memref<320000x32xf32, #tpu.memory_space<hbm>>) target(%dma_start3A_133 : memref<128x32xf32, #tpu.memory_space<vmem>>) offsets(%dma_start3A_136 : memref<128xi32, #tpu.memory_space<vmem>>) semaphore(%arg14 : memref<!tpu.dma_semaphore, #tpu.memory_space<semaphore_mem>>)
    %dma_wait3A_140 = arith.constant 4 : i32
    %dma_wait3A_141 = arith.constant 512 : i32
    %dma_wait3A_142 = arith.constant 0 : i32
    %dma_wait3A_143 = tpu.memref_slice %arg13[%dma_wait3A_141, %dma_wait3A_142] : memref<1024x32xf32, #tpu.memory_space<vmem>> -> memref<128x32xf32, #tpu.memory_space<vmem>>
    %dma_wait3A_144 = arith.constant 0 : i32
    %dma_wait3A_145 = tpu.memref_slice %arg11[%dma_wait3A_140, %dma_wait3A_144] : memref<8x128xi32, #tpu.memory_space<vmem>> -> memref<1x128xi32, #tpu.memory_space<vmem>>
    %dma_wait3A_146 = tpu.memref_squeeze %dma_wait3A_145 : memref<1x128xi32, #tpu.memory_space<vmem>> -> memref<128xi32, #tpu.memory_space<vmem>>
    %dma_wait3A_147 = arith.constant 0 : i32
    %dma_wait3A_148 = arith.constant 0 : i32
    %dma_wait3A_149 = tpu.memref_slice %arg4[%dma_wait3A_147, %dma_wait3A_148] : memref<320000x32xf32, #tpu.memory_space<hbm>> -> memref<320000x32xf32, #tpu.memory_space<hbm>>
    tpu.wait_indirect_dma semaphore(%arg14 : memref<!tpu.dma_semaphore, #tpu.memory_space<semaphore_mem>>) src(%dma_wait3A_149 : memref<320000x32xf32, #tpu.memory_space<hbm>>) dst(%dma_wait3A_143 : memref<128x32xf32, #tpu.memory_space<vmem>>)
    %dma_start3A_150 = arith.constant 5 : i32
    %dma_start3A_151 = arith.constant 640 : i32
    %dma_start3A_152 = arith.constant 0 : i32
    %dma_start3A_153 = tpu.memref_slice %arg13[%dma_start3A_151, %dma_start3A_152] : memref<1024x32xf32, #tpu.memory_space<vmem>> -> memref<128x32xf32, #tpu.memory_space<vmem>>
    %dma_start3A_154 = arith.constant 0 : i32
    %dma_start3A_155 = tpu.memref_slice %arg11[%dma_start3A_150, %dma_start3A_154] : memref<8x128xi32, #tpu.memory_space<vmem>> -> memref<1x128xi32, #tpu.memory_space<vmem>>
    %dma_start3A_156 = tpu.memref_squeeze %dma_start3A_155 : memref<1x128xi32, #tpu.memory_space<vmem>> -> memref<128xi32, #tpu.memory_space<vmem>>
    %dma_start3A_157 = arith.constant 0 : i32
    %dma_start3A_158 = arith.constant 0 : i32
    %dma_start3A_159 = tpu.memref_slice %arg4[%dma_start3A_157, %dma_start3A_158] : memref<320000x32xf32, #tpu.memory_space<hbm>> -> memref<320000x32xf32, #tpu.memory_space<hbm>>
    tpu.enqueue_indirect_dma source(%dma_start3A_159 : memref<320000x32xf32, #tpu.memory_space<hbm>>) target(%dma_start3A_153 : memref<128x32xf32, #tpu.memory_space<vmem>>) offsets(%dma_start3A_156 : memref<128xi32, #tpu.memory_space<vmem>>) semaphore(%arg14 : memref<!tpu.dma_semaphore, #tpu.memory_space<semaphore_mem>>)
    %dma_wait3A_160 = arith.constant 5 : i32
    %dma_wait3A_161 = arith.constant 640 : i32
    %dma_wait3A_162 = arith.constant 0 : i32
    %dma_wait3A_163 = tpu.memref_slice %arg13[%dma_wait3A_161, %dma_wait3A_162] : memref<1024x32xf32, #tpu.memory_space<vmem>> -> memref<128x32xf32, #tpu.memory_space<vmem>>
    %dma_wait3A_164 = arith.constant 0 : i32
    %dma_wait3A_165 = tpu.memref_slice %arg11[%dma_wait3A_160, %dma_wait3A_164] : memref<8x128xi32, #tpu.memory_space<vmem>> -> memref<1x128xi32, #tpu.memory_space<vmem>>
    %dma_wait3A_166 = tpu.memref_squeeze %dma_wait3A_165 : memref<1x128xi32, #tpu.memory_space<vmem>> -> memref<128xi32, #tpu.memory_space<vmem>>
    %dma_wait3A_167 = arith.constant 0 : i32
    %dma_wait3A_168 = arith.constant 0 : i32
    %dma_wait3A_169 = tpu.memref_slice %arg4[%dma_wait3A_167, %dma_wait3A_168] : memref<320000x32xf32, #tpu.memory_space<hbm>> -> memref<320000x32xf32, #tpu.memory_space<hbm>>
    tpu.wait_indirect_dma semaphore(%arg14 : memref<!tpu.dma_semaphore, #tpu.memory_space<semaphore_mem>>) src(%dma_wait3A_169 : memref<320000x32xf32, #tpu.memory_space<hbm>>) dst(%dma_wait3A_163 : memref<128x32xf32, #tpu.memory_space<vmem>>)
    %dma_start3A_170 = arith.constant 6 : i32
    %dma_start3A_171 = arith.constant 768 : i32
    %dma_start3A_172 = arith.constant 0 : i32
    %dma_start3A_173 = tpu.memref_slice %arg13[%dma_start3A_171, %dma_start3A_172] : memref<1024x32xf32, #tpu.memory_space<vmem>> -> memref<128x32xf32, #tpu.memory_space<vmem>>
    %dma_start3A_174 = arith.constant 0 : i32
    %dma_start3A_175 = tpu.memref_slice %arg11[%dma_start3A_170, %dma_start3A_174] : memref<8x128xi32, #tpu.memory_space<vmem>> -> memref<1x128xi32, #tpu.memory_space<vmem>>
    %dma_start3A_176 = tpu.memref_squeeze %dma_start3A_175 : memref<1x128xi32, #tpu.memory_space<vmem>> -> memref<128xi32, #tpu.memory_space<vmem>>
    %dma_start3A_177 = arith.constant 0 : i32
    %dma_start3A_178 = arith.constant 0 : i32
    %dma_start3A_179 = tpu.memref_slice %arg4[%dma_start3A_177, %dma_start3A_178] : memref<320000x32xf32, #tpu.memory_space<hbm>> -> memref<320000x32xf32, #tpu.memory_space<hbm>>
    tpu.enqueue_indirect_dma source(%dma_start3A_179 : memref<320000x32xf32, #tpu.memory_space<hbm>>) target(%dma_start3A_173 : memref<128x32xf32, #tpu.memory_space<vmem>>) offsets(%dma_start3A_176 : memref<128xi32, #tpu.memory_space<vmem>>) semaphore(%arg14 : memref<!tpu.dma_semaphore, #tpu.memory_space<semaphore_mem>>)
    %dma_wait3A_180 = arith.constant 6 : i32
    %dma_wait3A_181 = arith.constant 768 : i32
    %dma_wait3A_182 = arith.constant 0 : i32
    %dma_wait3A_183 = tpu.memref_slice %arg13[%dma_wait3A_181, %dma_wait3A_182] : memref<1024x32xf32, #tpu.memory_space<vmem>> -> memref<128x32xf32, #tpu.memory_space<vmem>>
    %dma_wait3A_184 = arith.constant 0 : i32
    %dma_wait3A_185 = tpu.memref_slice %arg11[%dma_wait3A_180, %dma_wait3A_184] : memref<8x128xi32, #tpu.memory_space<vmem>> -> memref<1x128xi32, #tpu.memory_space<vmem>>
    %dma_wait3A_186 = tpu.memref_squeeze %dma_wait3A_185 : memref<1x128xi32, #tpu.memory_space<vmem>> -> memref<128xi32, #tpu.memory_space<vmem>>
    %dma_wait3A_187 = arith.constant 0 : i32
    %dma_wait3A_188 = arith.constant 0 : i32
    %dma_wait3A_189 = tpu.memref_slice %arg4[%dma_wait3A_187, %dma_wait3A_188] : memref<320000x32xf32, #tpu.memory_space<hbm>> -> memref<320000x32xf32, #tpu.memory_space<hbm>>
    tpu.wait_indirect_dma semaphore(%arg14 : memref<!tpu.dma_semaphore, #tpu.memory_space<semaphore_mem>>) src(%dma_wait3A_189 : memref<320000x32xf32, #tpu.memory_space<hbm>>) dst(%dma_wait3A_183 : memref<128x32xf32, #tpu.memory_space<vmem>>)
    %dma_start3A_190 = arith.constant 7 : i32
    %dma_start3A_191 = arith.constant 896 : i32
    %dma_start3A_192 = arith.constant 0 : i32
    %dma_start3A_193 = tpu.memref_slice %arg13[%dma_start3A_191, %dma_start3A_192] : memref<1024x32xf32, #tpu.memory_space<vmem>> -> memref<128x32xf32, #tpu.memory_space<vmem>>
    %dma_start3A_194 = arith.constant 0 : i32
    %dma_start3A_195 = tpu.memref_slice %arg11[%dma_start3A_190, %dma_start3A_194] : memref<8x128xi32, #tpu.memory_space<vmem>> -> memref<1x128xi32, #tpu.memory_space<vmem>>
    %dma_start3A_196 = tpu.memref_squeeze %dma_start3A_195 : memref<1x128xi32, #tpu.memory_space<vmem>> -> memref<128xi32, #tpu.memory_space<vmem>>
    %dma_start3A_197 = arith.constant 0 : i32
    %dma_start3A_198 = arith.constant 0 : i32
    %dma_start3A_199 = tpu.memref_slice %arg4[%dma_start3A_197, %dma_start3A_198] : memref<320000x32xf32, #tpu.memory_space<hbm>> -> memref<320000x32xf32, #tpu.memory_space<hbm>>
    tpu.enqueue_indirect_dma source(%dma_start3A_199 : memref<320000x32xf32, #tpu.memory_space<hbm>>) target(%dma_start3A_193 : memref<128x32xf32, #tpu.memory_space<vmem>>) offsets(%dma_start3A_196 : memref<128xi32, #tpu.memory_space<vmem>>) semaphore(%arg14 : memref<!tpu.dma_semaphore, #tpu.memory_space<semaphore_mem>>)
    %dma_wait3A_200 = arith.constant 7 : i32
    %dma_wait3A_201 = arith.constant 896 : i32
    %dma_wait3A_202 = arith.constant 0 : i32
    %dma_wait3A_203 = tpu.memref_slice %arg13[%dma_wait3A_201, %dma_wait3A_202] : memref<1024x32xf32, #tpu.memory_space<vmem>> -> memref<128x32xf32, #tpu.memory_space<vmem>>
    %dma_wait3A_204 = arith.constant 0 : i32
    %dma_wait3A_205 = tpu.memref_slice %arg11[%dma_wait3A_200, %dma_wait3A_204] : memref<8x128xi32, #tpu.memory_space<vmem>> -> memref<1x128xi32, #tpu.memory_space<vmem>>
    %dma_wait3A_206 = tpu.memref_squeeze %dma_wait3A_205 : memref<1x128xi32, #tpu.memory_space<vmem>> -> memref<128xi32, #tpu.memory_space<vmem>>
    %dma_wait3A_207 = arith.constant 0 : i32
    %dma_wait3A_208 = arith.constant 0 : i32
    %dma_wait3A_209 = tpu.memref_slice %arg4[%dma_wait3A_207, %dma_wait3A_208] : memref<320000x32xf32, #tpu.memory_space<hbm>> -> memref<320000x32xf32, #tpu.memory_space<hbm>>
    tpu.wait_indirect_dma semaphore(%arg14 : memref<!tpu.dma_semaphore, #tpu.memory_space<semaphore_mem>>) src(%dma_wait3A_209 : memref<320000x32xf32, #tpu.memory_space<hbm>>) dst(%dma_wait3A_203 : memref<128x32xf32, #tpu.memory_space<vmem>>)
    %dma_start3A_210 = arith.constant 0 : i32
    %dma_start3A_211 = arith.constant 0 : i32
    %dma_start3A_212 = arith.constant 0 : i32
    %dma_start3A_213 = tpu.memref_slice %arg13[%dma_start3A_211, %dma_start3A_212] : memref<1024x32xf32, #tpu.memory_space<vmem>> -> memref<128x32xf32, #tpu.memory_space<vmem>>
    %dma_start3A_214 = arith.constant 0 : i32
    %dma_start3A_215 = tpu.memref_slice %arg12[%dma_start3A_210, %dma_start3A_214] : memref<8x128xi32, #tpu.memory_space<vmem>> -> memref<1x128xi32, #tpu.memory_space<vmem>>
    %dma_start3A_216 = tpu.memref_squeeze %dma_start3A_215 : memref<1x128xi32, #tpu.memory_space<vmem>> -> memref<128xi32, #tpu.memory_space<vmem>>
    %dma_start3A_217 = arith.constant 0 : i32
    %dma_start3A_218 = arith.constant 0 : i32
    %dma_start3A_219 = tpu.memref_slice %arg5[%dma_start3A_217, %dma_start3A_218] : memref<1280016x32xf32, #tpu.memory_space<hbm>> -> memref<1280016x32xf32, #tpu.memory_space<hbm>>
    tpu.enqueue_indirect_dma source(%dma_start3A_213 : memref<128x32xf32, #tpu.memory_space<vmem>>) target(%dma_start3A_219 : memref<1280016x32xf32, #tpu.memory_space<hbm>>) offsets(%dma_start3A_216 : memref<128xi32, #tpu.memory_space<vmem>>) semaphore(%arg14 : memref<!tpu.dma_semaphore, #tpu.memory_space<semaphore_mem>>)
    %dma_wait3A_220 = arith.constant 0 : i32
    %dma_wait3A_221 = arith.constant 0 : i32
    %dma_wait3A_222 = arith.constant 0 : i32
    %dma_wait3A_223 = tpu.memref_slice %arg13[%dma_wait3A_221, %dma_wait3A_222] : memref<1024x32xf32, #tpu.memory_space<vmem>> -> memref<128x32xf32, #tpu.memory_space<vmem>>
    %dma_wait3A_224 = arith.constant 0 : i32
    %dma_wait3A_225 = tpu.memref_slice %arg12[%dma_wait3A_220, %dma_wait3A_224] : memref<8x128xi32, #tpu.memory_space<vmem>> -> memref<1x128xi32, #tpu.memory_space<vmem>>
    %dma_wait3A_226 = tpu.memref_squeeze %dma_wait3A_225 : memref<1x128xi32, #tpu.memory_space<vmem>> -> memref<128xi32, #tpu.memory_space<vmem>>
    %dma_wait3A_227 = arith.constant 0 : i32
    %dma_wait3A_228 = arith.constant 0 : i32
    %dma_wait3A_229 = tpu.memref_slice %arg5[%dma_wait3A_227, %dma_wait3A_228] : memref<1280016x32xf32, #tpu.memory_space<hbm>> -> memref<1280016x32xf32, #tpu.memory_space<hbm>>
    tpu.wait_indirect_dma semaphore(%arg14 : memref<!tpu.dma_semaphore, #tpu.memory_space<semaphore_mem>>) src(%dma_wait3A_223 : memref<128x32xf32, #tpu.memory_space<vmem>>) dst(%dma_wait3A_229 : memref<1280016x32xf32, #tpu.memory_space<hbm>>)
    %dma_start3A_230 = arith.constant 1 : i32
    %dma_start3A_231 = arith.constant 128 : i32
    %dma_start3A_232 = arith.constant 0 : i32
    %dma_start3A_233 = tpu.memref_slice %arg13[%dma_start3A_231, %dma_start3A_232] : memref<1024x32xf32, #tpu.memory_space<vmem>> -> memref<128x32xf32, #tpu.memory_space<vmem>>
    %dma_start3A_234 = arith.constant 0 : i32
    %dma_start3A_235 = tpu.memref_slice %arg12[%dma_start3A_230, %dma_start3A_234] : memref<8x128xi32, #tpu.memory_space<vmem>> -> memref<1x128xi32, #tpu.memory_space<vmem>>
    %dma_start3A_236 = tpu.memref_squeeze %dma_start3A_235 : memref<1x128xi32, #tpu.memory_space<vmem>> -> memref<128xi32, #tpu.memory_space<vmem>>
    %dma_start3A_237 = arith.constant 0 : i32
    %dma_start3A_238 = arith.constant 0 : i32
    %dma_start3A_239 = tpu.memref_slice %arg5[%dma_start3A_237, %dma_start3A_238] : memref<1280016x32xf32, #tpu.memory_space<hbm>> -> memref<1280016x32xf32, #tpu.memory_space<hbm>>
    tpu.enqueue_indirect_dma source(%dma_start3A_233 : memref<128x32xf32, #tpu.memory_space<vmem>>) target(%dma_start3A_239 : memref<1280016x32xf32, #tpu.memory_space<hbm>>) offsets(%dma_start3A_236 : memref<128xi32, #tpu.memory_space<vmem>>) semaphore(%arg14 : memref<!tpu.dma_semaphore, #tpu.memory_space<semaphore_mem>>)
    %dma_wait3A_240 = arith.constant 1 : i32
    %dma_wait3A_241 = arith.constant 128 : i32
    %dma_wait3A_242 = arith.constant 0 : i32
    %dma_wait3A_243 = tpu.memref_slice %arg13[%dma_wait3A_241, %dma_wait3A_242] : memref<1024x32xf32, #tpu.memory_space<vmem>> -> memref<128x32xf32, #tpu.memory_space<vmem>>
    %dma_wait3A_244 = arith.constant 0 : i32
    %dma_wait3A_245 = tpu.memref_slice %arg12[%dma_wait3A_240, %dma_wait3A_244] : memref<8x128xi32, #tpu.memory_space<vmem>> -> memref<1x128xi32, #tpu.memory_space<vmem>>
    %dma_wait3A_246 = tpu.memref_squeeze %dma_wait3A_245 : memref<1x128xi32, #tpu.memory_space<vmem>> -> memref<128xi32, #tpu.memory_space<vmem>>
    %dma_wait3A_247 = arith.constant 0 : i32
    %dma_wait3A_248 = arith.constant 0 : i32
    %dma_wait3A_249 = tpu.memref_slice %arg5[%dma_wait3A_247, %dma_wait3A_248] : memref<1280016x32xf32, #tpu.memory_space<hbm>> -> memref<1280016x32xf32, #tpu.memory_space<hbm>>
    tpu.wait_indirect_dma semaphore(%arg14 : memref<!tpu.dma_semaphore, #tpu.memory_space<semaphore_mem>>) src(%dma_wait3A_243 : memref<128x32xf32, #tpu.memory_space<vmem>>) dst(%dma_wait3A_249 : memref<1280016x32xf32, #tpu.memory_space<hbm>>)
    %dma_start3A_250 = arith.constant 2 : i32
    %dma_start3A_251 = arith.constant 256 : i32
    %dma_start3A_252 = arith.constant 0 : i32
    %dma_start3A_253 = tpu.memref_slice %arg13[%dma_start3A_251, %dma_start3A_252] : memref<1024x32xf32, #tpu.memory_space<vmem>> -> memref<128x32xf32, #tpu.memory_space<vmem>>
    %dma_start3A_254 = arith.constant 0 : i32
    %dma_start3A_255 = tpu.memref_slice %arg12[%dma_start3A_250, %dma_start3A_254] : memref<8x128xi32, #tpu.memory_space<vmem>> -> memref<1x128xi32, #tpu.memory_space<vmem>>
    %dma_start3A_256 = tpu.memref_squeeze %dma_start3A_255 : memref<1x128xi32, #tpu.memory_space<vmem>> -> memref<128xi32, #tpu.memory_space<vmem>>
    %dma_start3A_257 = arith.constant 0 : i32
    %dma_start3A_258 = arith.constant 0 : i32
    %dma_start3A_259 = tpu.memref_slice %arg5[%dma_start3A_257, %dma_start3A_258] : memref<1280016x32xf32, #tpu.memory_space<hbm>> -> memref<1280016x32xf32, #tpu.memory_space<hbm>>
    tpu.enqueue_indirect_dma source(%dma_start3A_253 : memref<128x32xf32, #tpu.memory_space<vmem>>) target(%dma_start3A_259 : memref<1280016x32xf32, #tpu.memory_space<hbm>>) offsets(%dma_start3A_256 : memref<128xi32, #tpu.memory_space<vmem>>) semaphore(%arg14 : memref<!tpu.dma_semaphore, #tpu.memory_space<semaphore_mem>>)
    %dma_wait3A_260 = arith.constant 2 : i32
    %dma_wait3A_261 = arith.constant 256 : i32
    %dma_wait3A_262 = arith.constant 0 : i32
    %dma_wait3A_263 = tpu.memref_slice %arg13[%dma_wait3A_261, %dma_wait3A_262] : memref<1024x32xf32, #tpu.memory_space<vmem>> -> memref<128x32xf32, #tpu.memory_space<vmem>>
    %dma_wait3A_264 = arith.constant 0 : i32
    %dma_wait3A_265 = tpu.memref_slice %arg12[%dma_wait3A_260, %dma_wait3A_264] : memref<8x128xi32, #tpu.memory_space<vmem>> -> memref<1x128xi32, #tpu.memory_space<vmem>>
    %dma_wait3A_266 = tpu.memref_squeeze %dma_wait3A_265 : memref<1x128xi32, #tpu.memory_space<vmem>> -> memref<128xi32, #tpu.memory_space<vmem>>
    %dma_wait3A_267 = arith.constant 0 : i32
    %dma_wait3A_268 = arith.constant 0 : i32
    %dma_wait3A_269 = tpu.memref_slice %arg5[%dma_wait3A_267, %dma_wait3A_268] : memref<1280016x32xf32, #tpu.memory_space<hbm>> -> memref<1280016x32xf32, #tpu.memory_space<hbm>>
    tpu.wait_indirect_dma semaphore(%arg14 : memref<!tpu.dma_semaphore, #tpu.memory_space<semaphore_mem>>) src(%dma_wait3A_263 : memref<128x32xf32, #tpu.memory_space<vmem>>) dst(%dma_wait3A_269 : memref<1280016x32xf32, #tpu.memory_space<hbm>>)
    %dma_start3A_270 = arith.constant 3 : i32
    %dma_start3A_271 = arith.constant 384 : i32
    %dma_start3A_272 = arith.constant 0 : i32
    %dma_start3A_273 = tpu.memref_slice %arg13[%dma_start3A_271, %dma_start3A_272] : memref<1024x32xf32, #tpu.memory_space<vmem>> -> memref<128x32xf32, #tpu.memory_space<vmem>>
    %dma_start3A_274 = arith.constant 0 : i32
    %dma_start3A_275 = tpu.memref_slice %arg12[%dma_start3A_270, %dma_start3A_274] : memref<8x128xi32, #tpu.memory_space<vmem>> -> memref<1x128xi32, #tpu.memory_space<vmem>>
    %dma_start3A_276 = tpu.memref_squeeze %dma_start3A_275 : memref<1x128xi32, #tpu.memory_space<vmem>> -> memref<128xi32, #tpu.memory_space<vmem>>
    %dma_start3A_277 = arith.constant 0 : i32
    %dma_start3A_278 = arith.constant 0 : i32
    %dma_start3A_279 = tpu.memref_slice %arg5[%dma_start3A_277, %dma_start3A_278] : memref<1280016x32xf32, #tpu.memory_space<hbm>> -> memref<1280016x32xf32, #tpu.memory_space<hbm>>
    tpu.enqueue_indirect_dma source(%dma_start3A_273 : memref<128x32xf32, #tpu.memory_space<vmem>>) target(%dma_start3A_279 : memref<1280016x32xf32, #tpu.memory_space<hbm>>) offsets(%dma_start3A_276 : memref<128xi32, #tpu.memory_space<vmem>>) semaphore(%arg14 : memref<!tpu.dma_semaphore, #tpu.memory_space<semaphore_mem>>)
    %dma_wait3A_280 = arith.constant 3 : i32
    %dma_wait3A_281 = arith.constant 384 : i32
    %dma_wait3A_282 = arith.constant 0 : i32
    %dma_wait3A_283 = tpu.memref_slice %arg13[%dma_wait3A_281, %dma_wait3A_282] : memref<1024x32xf32, #tpu.memory_space<vmem>> -> memref<128x32xf32, #tpu.memory_space<vmem>>
    %dma_wait3A_284 = arith.constant 0 : i32
    %dma_wait3A_285 = tpu.memref_slice %arg12[%dma_wait3A_280, %dma_wait3A_284] : memref<8x128xi32, #tpu.memory_space<vmem>> -> memref<1x128xi32, #tpu.memory_space<vmem>>
    %dma_wait3A_286 = tpu.memref_squeeze %dma_wait3A_285 : memref<1x128xi32, #tpu.memory_space<vmem>> -> memref<128xi32, #tpu.memory_space<vmem>>
    %dma_wait3A_287 = arith.constant 0 : i32
    %dma_wait3A_288 = arith.constant 0 : i32
    %dma_wait3A_289 = tpu.memref_slice %arg5[%dma_wait3A_287, %dma_wait3A_288] : memref<1280016x32xf32, #tpu.memory_space<hbm>> -> memref<1280016x32xf32, #tpu.memory_space<hbm>>
    tpu.wait_indirect_dma semaphore(%arg14 : memref<!tpu.dma_semaphore, #tpu.memory_space<semaphore_mem>>) src(%dma_wait3A_283 : memref<128x32xf32, #tpu.memory_space<vmem>>) dst(%dma_wait3A_289 : memref<1280016x32xf32, #tpu.memory_space<hbm>>)
    %dma_start3A_290 = arith.constant 4 : i32
    %dma_start3A_291 = arith.constant 512 : i32
    %dma_start3A_292 = arith.constant 0 : i32
    %dma_start3A_293 = tpu.memref_slice %arg13[%dma_start3A_291, %dma_start3A_292] : memref<1024x32xf32, #tpu.memory_space<vmem>> -> memref<128x32xf32, #tpu.memory_space<vmem>>
    %dma_start3A_294 = arith.constant 0 : i32
    %dma_start3A_295 = tpu.memref_slice %arg12[%dma_start3A_290, %dma_start3A_294] : memref<8x128xi32, #tpu.memory_space<vmem>> -> memref<1x128xi32, #tpu.memory_space<vmem>>
    %dma_start3A_296 = tpu.memref_squeeze %dma_start3A_295 : memref<1x128xi32, #tpu.memory_space<vmem>> -> memref<128xi32, #tpu.memory_space<vmem>>
    %dma_start3A_297 = arith.constant 0 : i32
    %dma_start3A_298 = arith.constant 0 : i32
    %dma_start3A_299 = tpu.memref_slice %arg5[%dma_start3A_297, %dma_start3A_298] : memref<1280016x32xf32, #tpu.memory_space<hbm>> -> memref<1280016x32xf32, #tpu.memory_space<hbm>>
    tpu.enqueue_indirect_dma source(%dma_start3A_293 : memref<128x32xf32, #tpu.memory_space<vmem>>) target(%dma_start3A_299 : memref<1280016x32xf32, #tpu.memory_space<hbm>>) offsets(%dma_start3A_296 : memref<128xi32, #tpu.memory_space<vmem>>) semaphore(%arg14 : memref<!tpu.dma_semaphore, #tpu.memory_space<semaphore_mem>>)
    %dma_wait3A_300 = arith.constant 4 : i32
    %dma_wait3A_301 = arith.constant 512 : i32
    %dma_wait3A_302 = arith.constant 0 : i32
    %dma_wait3A_303 = tpu.memref_slice %arg13[%dma_wait3A_301, %dma_wait3A_302] : memref<1024x32xf32, #tpu.memory_space<vmem>> -> memref<128x32xf32, #tpu.memory_space<vmem>>
    %dma_wait3A_304 = arith.constant 0 : i32
    %dma_wait3A_305 = tpu.memref_slice %arg12[%dma_wait3A_300, %dma_wait3A_304] : memref<8x128xi32, #tpu.memory_space<vmem>> -> memref<1x128xi32, #tpu.memory_space<vmem>>
    %dma_wait3A_306 = tpu.memref_squeeze %dma_wait3A_305 : memref<1x128xi32, #tpu.memory_space<vmem>> -> memref<128xi32, #tpu.memory_space<vmem>>
    %dma_wait3A_307 = arith.constant 0 : i32
    %dma_wait3A_308 = arith.constant 0 : i32
    %dma_wait3A_309 = tpu.memref_slice %arg5[%dma_wait3A_307, %dma_wait3A_308] : memref<1280016x32xf32, #tpu.memory_space<hbm>> -> memref<1280016x32xf32, #tpu.memory_space<hbm>>
    tpu.wait_indirect_dma semaphore(%arg14 : memref<!tpu.dma_semaphore, #tpu.memory_space<semaphore_mem>>) src(%dma_wait3A_303 : memref<128x32xf32, #tpu.memory_space<vmem>>) dst(%dma_wait3A_309 : memref<1280016x32xf32, #tpu.memory_space<hbm>>)
    %dma_start3A_310 = arith.constant 5 : i32
    %dma_start3A_311 = arith.constant 640 : i32
    %dma_start3A_312 = arith.constant 0 : i32
    %dma_start3A_313 = tpu.memref_slice %arg13[%dma_start3A_311, %dma_start3A_312] : memref<1024x32xf32, #tpu.memory_space<vmem>> -> memref<128x32xf32, #tpu.memory_space<vmem>>
    %dma_start3A_314 = arith.constant 0 : i32
    %dma_start3A_315 = tpu.memref_slice %arg12[%dma_start3A_310, %dma_start3A_314] : memref<8x128xi32, #tpu.memory_space<vmem>> -> memref<1x128xi32, #tpu.memory_space<vmem>>
    %dma_start3A_316 = tpu.memref_squeeze %dma_start3A_315 : memref<1x128xi32, #tpu.memory_space<vmem>> -> memref<128xi32, #tpu.memory_space<vmem>>
    %dma_start3A_317 = arith.constant 0 : i32
    %dma_start3A_318 = arith.constant 0 : i32
    %dma_start3A_319 = tpu.memref_slice %arg5[%dma_start3A_317, %dma_start3A_318] : memref<1280016x32xf32, #tpu.memory_space<hbm>> -> memref<1280016x32xf32, #tpu.memory_space<hbm>>
    tpu.enqueue_indirect_dma source(%dma_start3A_313 : memref<128x32xf32, #tpu.memory_space<vmem>>) target(%dma_start3A_319 : memref<1280016x32xf32, #tpu.memory_space<hbm>>) offsets(%dma_start3A_316 : memref<128xi32, #tpu.memory_space<vmem>>) semaphore(%arg14 : memref<!tpu.dma_semaphore, #tpu.memory_space<semaphore_mem>>)
    %dma_wait3A_320 = arith.constant 5 : i32
    %dma_wait3A_321 = arith.constant 640 : i32
    %dma_wait3A_322 = arith.constant 0 : i32
    %dma_wait3A_323 = tpu.memref_slice %arg13[%dma_wait3A_321, %dma_wait3A_322] : memref<1024x32xf32, #tpu.memory_space<vmem>> -> memref<128x32xf32, #tpu.memory_space<vmem>>
    %dma_wait3A_324 = arith.constant 0 : i32
    %dma_wait3A_325 = tpu.memref_slice %arg12[%dma_wait3A_320, %dma_wait3A_324] : memref<8x128xi32, #tpu.memory_space<vmem>> -> memref<1x128xi32, #tpu.memory_space<vmem>>
    %dma_wait3A_326 = tpu.memref_squeeze %dma_wait3A_325 : memref<1x128xi32, #tpu.memory_space<vmem>> -> memref<128xi32, #tpu.memory_space<vmem>>
    %dma_wait3A_327 = arith.constant 0 : i32
    %dma_wait3A_328 = arith.constant 0 : i32
    %dma_wait3A_329 = tpu.memref_slice %arg5[%dma_wait3A_327, %dma_wait3A_328] : memref<1280016x32xf32, #tpu.memory_space<hbm>> -> memref<1280016x32xf32, #tpu.memory_space<hbm>>
    tpu.wait_indirect_dma semaphore(%arg14 : memref<!tpu.dma_semaphore, #tpu.memory_space<semaphore_mem>>) src(%dma_wait3A_323 : memref<128x32xf32, #tpu.memory_space<vmem>>) dst(%dma_wait3A_329 : memref<1280016x32xf32, #tpu.memory_space<hbm>>)
    %dma_start3A_330 = arith.constant 6 : i32
    %dma_start3A_331 = arith.constant 768 : i32
    %dma_start3A_332 = arith.constant 0 : i32
    %dma_start3A_333 = tpu.memref_slice %arg13[%dma_start3A_331, %dma_start3A_332] : memref<1024x32xf32, #tpu.memory_space<vmem>> -> memref<128x32xf32, #tpu.memory_space<vmem>>
    %dma_start3A_334 = arith.constant 0 : i32
    %dma_start3A_335 = tpu.memref_slice %arg12[%dma_start3A_330, %dma_start3A_334] : memref<8x128xi32, #tpu.memory_space<vmem>> -> memref<1x128xi32, #tpu.memory_space<vmem>>
    %dma_start3A_336 = tpu.memref_squeeze %dma_start3A_335 : memref<1x128xi32, #tpu.memory_space<vmem>> -> memref<128xi32, #tpu.memory_space<vmem>>
    %dma_start3A_337 = arith.constant 0 : i32
    %dma_start3A_338 = arith.constant 0 : i32
    %dma_start3A_339 = tpu.memref_slice %arg5[%dma_start3A_337, %dma_start3A_338] : memref<1280016x32xf32, #tpu.memory_space<hbm>> -> memref<1280016x32xf32, #tpu.memory_space<hbm>>
    tpu.enqueue_indirect_dma source(%dma_start3A_333 : memref<128x32xf32, #tpu.memory_space<vmem>>) target(%dma_start3A_339 : memref<1280016x32xf32, #tpu.memory_space<hbm>>) offsets(%dma_start3A_336 : memref<128xi32, #tpu.memory_space<vmem>>) semaphore(%arg14 : memref<!tpu.dma_semaphore, #tpu.memory_space<semaphore_mem>>)
    %dma_wait3A_340 = arith.constant 6 : i32
    %dma_wait3A_341 = arith.constant 768 : i32
    %dma_wait3A_342 = arith.constant 0 : i32
    %dma_wait3A_343 = tpu.memref_slice %arg13[%dma_wait3A_341, %dma_wait3A_342] : memref<1024x32xf32, #tpu.memory_space<vmem>> -> memref<128x32xf32, #tpu.memory_space<vmem>>
    %dma_wait3A_344 = arith.constant 0 : i32
    %dma_wait3A_345 = tpu.memref_slice %arg12[%dma_wait3A_340, %dma_wait3A_344] : memref<8x128xi32, #tpu.memory_space<vmem>> -> memref<1x128xi32, #tpu.memory_space<vmem>>
    %dma_wait3A_346 = tpu.memref_squeeze %dma_wait3A_345 : memref<1x128xi32, #tpu.memory_space<vmem>> -> memref<128xi32, #tpu.memory_space<vmem>>
    %dma_wait3A_347 = arith.constant 0 : i32
    %dma_wait3A_348 = arith.constant 0 : i32
    %dma_wait3A_349 = tpu.memref_slice %arg5[%dma_wait3A_347, %dma_wait3A_348] : memref<1280016x32xf32, #tpu.memory_space<hbm>> -> memref<1280016x32xf32, #tpu.memory_space<hbm>>
    tpu.wait_indirect_dma semaphore(%arg14 : memref<!tpu.dma_semaphore, #tpu.memory_space<semaphore_mem>>) src(%dma_wait3A_343 : memref<128x32xf32, #tpu.memory_space<vmem>>) dst(%dma_wait3A_349 : memref<1280016x32xf32, #tpu.memory_space<hbm>>)
    %dma_start3A_350 = arith.constant 7 : i32
    %dma_start3A_351 = arith.constant 896 : i32
    %dma_start3A_352 = arith.constant 0 : i32
    %dma_start3A_353 = tpu.memref_slice %arg13[%dma_start3A_351, %dma_start3A_352] : memref<1024x32xf32, #tpu.memory_space<vmem>> -> memref<128x32xf32, #tpu.memory_space<vmem>>
    %dma_start3A_354 = arith.constant 0 : i32
    %dma_start3A_355 = tpu.memref_slice %arg12[%dma_start3A_350, %dma_start3A_354] : memref<8x128xi32, #tpu.memory_space<vmem>> -> memref<1x128xi32, #tpu.memory_space<vmem>>
    %dma_start3A_356 = tpu.memref_squeeze %dma_start3A_355 : memref<1x128xi32, #tpu.memory_space<vmem>> -> memref<128xi32, #tpu.memory_space<vmem>>
    %dma_start3A_357 = arith.constant 0 : i32
    %dma_start3A_358 = arith.constant 0 : i32
    %dma_start3A_359 = tpu.memref_slice %arg5[%dma_start3A_357, %dma_start3A_358] : memref<1280016x32xf32, #tpu.memory_space<hbm>> -> memref<1280016x32xf32, #tpu.memory_space<hbm>>
    tpu.enqueue_indirect_dma source(%dma_start3A_353 : memref<128x32xf32, #tpu.memory_space<vmem>>) target(%dma_start3A_359 : memref<1280016x32xf32, #tpu.memory_space<hbm>>) offsets(%dma_start3A_356 : memref<128xi32, #tpu.memory_space<vmem>>) semaphore(%arg14 : memref<!tpu.dma_semaphore, #tpu.memory_space<semaphore_mem>>)
    %dma_wait3A_360 = arith.constant 7 : i32
    %dma_wait3A_361 = arith.constant 896 : i32
    %dma_wait3A_362 = arith.constant 0 : i32
    %dma_wait3A_363 = tpu.memref_slice %arg13[%dma_wait3A_361, %dma_wait3A_362] : memref<1024x32xf32, #tpu.memory_space<vmem>> -> memref<128x32xf32, #tpu.memory_space<vmem>>
    %dma_wait3A_364 = arith.constant 0 : i32
    %dma_wait3A_365 = tpu.memref_slice %arg12[%dma_wait3A_360, %dma_wait3A_364] : memref<8x128xi32, #tpu.memory_space<vmem>> -> memref<1x128xi32, #tpu.memory_space<vmem>>
    %dma_wait3A_366 = tpu.memref_squeeze %dma_wait3A_365 : memref<1x128xi32, #tpu.memory_space<vmem>> -> memref<128xi32, #tpu.memory_space<vmem>>
    %dma_wait3A_367 = arith.constant 0 : i32
    %dma_wait3A_368 = arith.constant 0 : i32
    %dma_wait3A_369 = tpu.memref_slice %arg5[%dma_wait3A_367, %dma_wait3A_368] : memref<1280016x32xf32, #tpu.memory_space<hbm>> -> memref<1280016x32xf32, #tpu.memory_space<hbm>>
    tpu.wait_indirect_dma semaphore(%arg14 : memref<!tpu.dma_semaphore, #tpu.memory_space<semaphore_mem>>) src(%dma_wait3A_363 : memref<128x32xf32, #tpu.memory_space<vmem>>) dst(%dma_wait3A_369 : memref<1280016x32xf32, #tpu.memory_space<hbm>>)
    %scan3A_370 = arith.constant 0 : i32
    %scan3A_371 = arith.constant 0 : i32
    %scan3A_372 = arith.constant 64 : i32
    %scan3A_373 = arith.addi %scan3A_371, %scan3A_372 : i32
    %scan3A_374 = arith.constant 1 : i32
    %scan3A_375 = scf.for %scan3A_377 = %scan3A_371 to %scan3A_373 step %scan3A_374 iter_args(%scan3A_378 = %scan3A_370) -> (i32)  : i32 {
      %mul3A_379 = arith.constant 16 : i32
      %mul3A_380 = arith.muli %scan3A_377, %mul3A_379 : i32
      %swap3A = arith.index_cast %mul3A_380 : i32 to index
      %swap3A_381 = tpu.vector_load %arg9[%swap3A] {strides = array<i32>} : memref<1024xi32, #tpu.memory_space<vmem>>, vector<16xi32>,
      tpu.vector_store %arg9[%swap3A], %broadcast_in_dim3A_3 {strides = array<i32>} : memref<1024xi32, #tpu.memory_space<vmem>>, vector<16xi32>,
      %add3A_382 = arith.constant 1280000 : i32
      %add3A_383 = vector.broadcast %add3A_382 : i32 to vector<16xi32>
      %add3A_384 = arith.addi %add3A_383, %iota3A : vector<16xi32>
      %mul3A_385 = arith.constant 16 : i32
      %mul3A_386 = arith.muli %scan3A_377, %mul3A_385 : i32
      %swap3A_387 = arith.index_cast %mul3A_386 : i32 to index
      %swap3A_388 = tpu.vector_load %arg10[%swap3A_387] {strides = array<i32>} : memref<1024xi32, #tpu.memory_space<vmem>>, vector<16xi32>,
      tpu.vector_store %arg10[%swap3A_387], %add3A_384 {strides = array<i32>} : memref<1024xi32, #tpu.memory_space<vmem>>, vector<16xi32>,
      %scan3A_389 = arith.constant 0 : i32
      scf.yield %scan3A_389 : i32
    }
    %scan3A_376 = arith.constant 64 : i32
    return
  }
}

module attributes {stable_mosaic.version = 14 : i64} {
  func.func @body(%arg0: i32, %arg1: memref<800x224xf32, #tpu.memory_space<vmem>>, %arg2: memref<800x56xf32, #tpu.memory_space<vmem>>, %arg3: memref<800x256xf32, #tpu.memory_space<vmem>>, %arg4: memref<1024x32xf32, #tpu.memory_space<vmem>>, %arg5: memref<800x32xf32, #tpu.memory_space<vmem>>, %arg6: memref<800x1024xf32, #tpu.memory_space<vmem>>) attributes {dimension_semantics = [#tpu.dimension_semantics<arbitrary>], iteration_bounds = array<i64: 200>, scalar_prefetch = 0 : i64, scratch_operands = 1 : i64, tpu.core_type = #tpu.core_type<tc>, window_params = [{transform_indices = @transform_0, window_bounds = array<i64: 800, 224>}, {transform_indices = @transform_1, window_bounds = array<i64: 800, 56>}, {transform_indices = @transform_2, window_bounds = array<i64: 800, 256>}, {pipeline_mode = #tpu.pipeline_mode<synchronous>, transform_indices = @transform_3, window_bounds = array<i64: 1024, 32>}, {transform_indices = @transform_4, window_bounds = array<i64: 800, 32>}]} {
    %get3A = arith.constant 0 : index
    %get3A_0 = arith.constant 0 : index
    %get3A_1 = vector.load %arg1[%get3A, %get3A_0] : memref<800x224xf32, #tpu.memory_space<vmem>>, vector<800x224xf32>
    %get3A_2 = arith.constant 0 : index
    %get3A_3 = arith.constant 0 : index
    %get3A_4 = vector.load %arg2[%get3A_2, %get3A_3] : memref<800x56xf32, #tpu.memory_space<vmem>>, vector<800x56xf32>
    %get3A_5 = arith.constant 0 : index
    %get3A_6 = arith.constant 0 : index
    %get3A_7 = vector.load %arg3[%get3A_5, %get3A_6] : memref<800x256xf32, #tpu.memory_space<vmem>>, vector<800x256xf32>
    %slice3A = vector.extract_strided_slice %get3A_4 {offsets = [0, 0], sizes = [800, 1], strides = [1, 1]} : vector<800x56xf32> to vector<800x1xf32>
    %slice3A_8 = vector.extract_strided_slice %get3A_7 {offsets = [0, 0], sizes = [800, 32], strides = [1, 1]} : vector<800x256xf32> to vector<800x32xf32>
    %mul3A = vector.broadcast %slice3A : vector<800x1xf32> to vector<800x32xf32>
    %mul3A_9 = arith.mulf %mul3A, %slice3A_8 : vector<800x32xf32>
    %slice3A_10 = vector.extract_strided_slice %get3A_4 {offsets = [0, 1], sizes = [800, 1], strides = [1, 1]} : vector<800x56xf32> to vector<800x1xf32>
    %slice3A_11 = vector.extract_strided_slice %get3A_7 {offsets = [0, 32], sizes = [800, 32], strides = [1, 1]} : vector<800x256xf32> to vector<800x32xf32>
    %mul3A_12 = vector.broadcast %slice3A_10 : vector<800x1xf32> to vector<800x32xf32>
    %mul3A_13 = arith.mulf %mul3A_12, %slice3A_11 : vector<800x32xf32>
    %add3A = arith.addf %mul3A_9, %mul3A_13 : vector<800x32xf32>
    %slice3A_14 = vector.extract_strided_slice %get3A_4 {offsets = [0, 2], sizes = [800, 1], strides = [1, 1]} : vector<800x56xf32> to vector<800x1xf32>
    %slice3A_15 = vector.extract_strided_slice %get3A_7 {offsets = [0, 64], sizes = [800, 32], strides = [1, 1]} : vector<800x256xf32> to vector<800x32xf32>
    %mul3A_16 = vector.broadcast %slice3A_14 : vector<800x1xf32> to vector<800x32xf32>
    %mul3A_17 = arith.mulf %mul3A_16, %slice3A_15 : vector<800x32xf32>
    %add3A_18 = arith.addf %add3A, %mul3A_17 : vector<800x32xf32>
    %slice3A_19 = vector.extract_strided_slice %get3A_4 {offsets = [0, 3], sizes = [800, 1], strides = [1, 1]} : vector<800x56xf32> to vector<800x1xf32>
    %slice3A_20 = vector.extract_strided_slice %get3A_7 {offsets = [0, 96], sizes = [800, 32], strides = [1, 1]} : vector<800x256xf32> to vector<800x32xf32>
    %mul3A_21 = vector.broadcast %slice3A_19 : vector<800x1xf32> to vector<800x32xf32>
    %mul3A_22 = arith.mulf %mul3A_21, %slice3A_20 : vector<800x32xf32>
    %add3A_23 = arith.addf %add3A_18, %mul3A_22 : vector<800x32xf32>
    %slice3A_24 = vector.extract_strided_slice %get3A_4 {offsets = [0, 4], sizes = [800, 1], strides = [1, 1]} : vector<800x56xf32> to vector<800x1xf32>
    %slice3A_25 = vector.extract_strided_slice %get3A_7 {offsets = [0, 128], sizes = [800, 32], strides = [1, 1]} : vector<800x256xf32> to vector<800x32xf32>
    %mul3A_26 = vector.broadcast %slice3A_24 : vector<800x1xf32> to vector<800x32xf32>
    %mul3A_27 = arith.mulf %mul3A_26, %slice3A_25 : vector<800x32xf32>
    %add3A_28 = arith.addf %add3A_23, %mul3A_27 : vector<800x32xf32>
    %slice3A_29 = vector.extract_strided_slice %get3A_4 {offsets = [0, 5], sizes = [800, 1], strides = [1, 1]} : vector<800x56xf32> to vector<800x1xf32>
    %slice3A_30 = vector.extract_strided_slice %get3A_7 {offsets = [0, 160], sizes = [800, 32], strides = [1, 1]} : vector<800x256xf32> to vector<800x32xf32>
    %mul3A_31 = vector.broadcast %slice3A_29 : vector<800x1xf32> to vector<800x32xf32>
    %mul3A_32 = arith.mulf %mul3A_31, %slice3A_30 : vector<800x32xf32>
    %add3A_33 = arith.addf %add3A_28, %mul3A_32 : vector<800x32xf32>
    %slice3A_34 = vector.extract_strided_slice %get3A_4 {offsets = [0, 6], sizes = [800, 1], strides = [1, 1]} : vector<800x56xf32> to vector<800x1xf32>
    %slice3A_35 = vector.extract_strided_slice %get3A_7 {offsets = [0, 192], sizes = [800, 32], strides = [1, 1]} : vector<800x256xf32> to vector<800x32xf32>
    %mul3A_36 = vector.broadcast %slice3A_34 : vector<800x1xf32> to vector<800x32xf32>
    %mul3A_37 = arith.mulf %mul3A_36, %slice3A_35 : vector<800x32xf32>
    %add3A_38 = arith.addf %add3A_33, %mul3A_37 : vector<800x32xf32>
    %slice3A_39 = vector.extract_strided_slice %get3A_4 {offsets = [0, 7], sizes = [800, 1], strides = [1, 1]} : vector<800x56xf32> to vector<800x1xf32>
    %slice3A_40 = vector.extract_strided_slice %get3A_7 {offsets = [0, 224], sizes = [800, 32], strides = [1, 1]} : vector<800x256xf32> to vector<800x32xf32>
    %mul3A_41 = vector.broadcast %slice3A_39 : vector<800x1xf32> to vector<800x32xf32>
    %mul3A_42 = arith.mulf %mul3A_41, %slice3A_40 : vector<800x32xf32>
    %add3A_43 = arith.addf %add3A_38, %mul3A_42 : vector<800x32xf32>
    %slice3A_44 = vector.extract_strided_slice %get3A_4 {offsets = [0, 8], sizes = [800, 1], strides = [1, 1]} : vector<800x56xf32> to vector<800x1xf32>
    %slice3A_45 = vector.extract_strided_slice %get3A_7 {offsets = [0, 0], sizes = [800, 32], strides = [1, 1]} : vector<800x256xf32> to vector<800x32xf32>
    %mul3A_46 = vector.broadcast %slice3A_44 : vector<800x1xf32> to vector<800x32xf32>
    %mul3A_47 = arith.mulf %mul3A_46, %slice3A_45 : vector<800x32xf32>
    %slice3A_48 = vector.extract_strided_slice %get3A_4 {offsets = [0, 9], sizes = [800, 1], strides = [1, 1]} : vector<800x56xf32> to vector<800x1xf32>
    %slice3A_49 = vector.extract_strided_slice %get3A_7 {offsets = [0, 32], sizes = [800, 32], strides = [1, 1]} : vector<800x256xf32> to vector<800x32xf32>
    %mul3A_50 = vector.broadcast %slice3A_48 : vector<800x1xf32> to vector<800x32xf32>
    %mul3A_51 = arith.mulf %mul3A_50, %slice3A_49 : vector<800x32xf32>
    %add3A_52 = arith.addf %mul3A_47, %mul3A_51 : vector<800x32xf32>
    %slice3A_53 = vector.extract_strided_slice %get3A_4 {offsets = [0, 10], sizes = [800, 1], strides = [1, 1]} : vector<800x56xf32> to vector<800x1xf32>
    %slice3A_54 = vector.extract_strided_slice %get3A_7 {offsets = [0, 64], sizes = [800, 32], strides = [1, 1]} : vector<800x256xf32> to vector<800x32xf32>
    %mul3A_55 = vector.broadcast %slice3A_53 : vector<800x1xf32> to vector<800x32xf32>
    %mul3A_56 = arith.mulf %mul3A_55, %slice3A_54 : vector<800x32xf32>
    %add3A_57 = arith.addf %add3A_52, %mul3A_56 : vector<800x32xf32>
    %slice3A_58 = vector.extract_strided_slice %get3A_4 {offsets = [0, 11], sizes = [800, 1], strides = [1, 1]} : vector<800x56xf32> to vector<800x1xf32>
    %slice3A_59 = vector.extract_strided_slice %get3A_7 {offsets = [0, 96], sizes = [800, 32], strides = [1, 1]} : vector<800x256xf32> to vector<800x32xf32>
    %mul3A_60 = vector.broadcast %slice3A_58 : vector<800x1xf32> to vector<800x32xf32>
    %mul3A_61 = arith.mulf %mul3A_60, %slice3A_59 : vector<800x32xf32>
    %add3A_62 = arith.addf %add3A_57, %mul3A_61 : vector<800x32xf32>
    %slice3A_63 = vector.extract_strided_slice %get3A_4 {offsets = [0, 12], sizes = [800, 1], strides = [1, 1]} : vector<800x56xf32> to vector<800x1xf32>
    %slice3A_64 = vector.extract_strided_slice %get3A_7 {offsets = [0, 128], sizes = [800, 32], strides = [1, 1]} : vector<800x256xf32> to vector<800x32xf32>
    %mul3A_65 = vector.broadcast %slice3A_63 : vector<800x1xf32> to vector<800x32xf32>
    %mul3A_66 = arith.mulf %mul3A_65, %slice3A_64 : vector<800x32xf32>
    %add3A_67 = arith.addf %add3A_62, %mul3A_66 : vector<800x32xf32>
    %slice3A_68 = vector.extract_strided_slice %get3A_4 {offsets = [0, 13], sizes = [800, 1], strides = [1, 1]} : vector<800x56xf32> to vector<800x1xf32>
    %slice3A_69 = vector.extract_strided_slice %get3A_7 {offsets = [0, 160], sizes = [800, 32], strides = [1, 1]} : vector<800x256xf32> to vector<800x32xf32>
    %mul3A_70 = vector.broadcast %slice3A_68 : vector<800x1xf32> to vector<800x32xf32>
    %mul3A_71 = arith.mulf %mul3A_70, %slice3A_69 : vector<800x32xf32>
    %add3A_72 = arith.addf %add3A_67, %mul3A_71 : vector<800x32xf32>
    %slice3A_73 = vector.extract_strided_slice %get3A_4 {offsets = [0, 14], sizes = [800, 1], strides = [1, 1]} : vector<800x56xf32> to vector<800x1xf32>
    %slice3A_74 = vector.extract_strided_slice %get3A_7 {offsets = [0, 192], sizes = [800, 32], strides = [1, 1]} : vector<800x256xf32> to vector<800x32xf32>
    %mul3A_75 = vector.broadcast %slice3A_73 : vector<800x1xf32> to vector<800x32xf32>
    %mul3A_76 = arith.mulf %mul3A_75, %slice3A_74 : vector<800x32xf32>
    %add3A_77 = arith.addf %add3A_72, %mul3A_76 : vector<800x32xf32>
    %slice3A_78 = vector.extract_strided_slice %get3A_4 {offsets = [0, 15], sizes = [800, 1], strides = [1, 1]} : vector<800x56xf32> to vector<800x1xf32>
    %slice3A_79 = vector.extract_strided_slice %get3A_7 {offsets = [0, 224], sizes = [800, 32], strides = [1, 1]} : vector<800x256xf32> to vector<800x32xf32>
    %mul3A_80 = vector.broadcast %slice3A_78 : vector<800x1xf32> to vector<800x32xf32>
    %mul3A_81 = arith.mulf %mul3A_80, %slice3A_79 : vector<800x32xf32>
    %add3A_82 = arith.addf %add3A_77, %mul3A_81 : vector<800x32xf32>
    %slice3A_83 = vector.extract_strided_slice %get3A_4 {offsets = [0, 16], sizes = [800, 1], strides = [1, 1]} : vector<800x56xf32> to vector<800x1xf32>
    %slice3A_84 = vector.extract_strided_slice %get3A_7 {offsets = [0, 0], sizes = [800, 32], strides = [1, 1]} : vector<800x256xf32> to vector<800x32xf32>
    %mul3A_85 = vector.broadcast %slice3A_83 : vector<800x1xf32> to vector<800x32xf32>
    %mul3A_86 = arith.mulf %mul3A_85, %slice3A_84 : vector<800x32xf32>
    %slice3A_87 = vector.extract_strided_slice %get3A_4 {offsets = [0, 17], sizes = [800, 1], strides = [1, 1]} : vector<800x56xf32> to vector<800x1xf32>
    %slice3A_88 = vector.extract_strided_slice %get3A_7 {offsets = [0, 32], sizes = [800, 32], strides = [1, 1]} : vector<800x256xf32> to vector<800x32xf32>
    %mul3A_89 = vector.broadcast %slice3A_87 : vector<800x1xf32> to vector<800x32xf32>
    %mul3A_90 = arith.mulf %mul3A_89, %slice3A_88 : vector<800x32xf32>
    %add3A_91 = arith.addf %mul3A_86, %mul3A_90 : vector<800x32xf32>
    %slice3A_92 = vector.extract_strided_slice %get3A_4 {offsets = [0, 18], sizes = [800, 1], strides = [1, 1]} : vector<800x56xf32> to vector<800x1xf32>
    %slice3A_93 = vector.extract_strided_slice %get3A_7 {offsets = [0, 64], sizes = [800, 32], strides = [1, 1]} : vector<800x256xf32> to vector<800x32xf32>
    %mul3A_94 = vector.broadcast %slice3A_92 : vector<800x1xf32> to vector<800x32xf32>
    %mul3A_95 = arith.mulf %mul3A_94, %slice3A_93 : vector<800x32xf32>
    %add3A_96 = arith.addf %add3A_91, %mul3A_95 : vector<800x32xf32>
    %slice3A_97 = vector.extract_strided_slice %get3A_4 {offsets = [0, 19], sizes = [800, 1], strides = [1, 1]} : vector<800x56xf32> to vector<800x1xf32>
    %slice3A_98 = vector.extract_strided_slice %get3A_7 {offsets = [0, 96], sizes = [800, 32], strides = [1, 1]} : vector<800x256xf32> to vector<800x32xf32>
    %mul3A_99 = vector.broadcast %slice3A_97 : vector<800x1xf32> to vector<800x32xf32>
    %mul3A_100 = arith.mulf %mul3A_99, %slice3A_98 : vector<800x32xf32>
    %add3A_101 = arith.addf %add3A_96, %mul3A_100 : vector<800x32xf32>
    %slice3A_102 = vector.extract_strided_slice %get3A_4 {offsets = [0, 20], sizes = [800, 1], strides = [1, 1]} : vector<800x56xf32> to vector<800x1xf32>
    %slice3A_103 = vector.extract_strided_slice %get3A_7 {offsets = [0, 128], sizes = [800, 32], strides = [1, 1]} : vector<800x256xf32> to vector<800x32xf32>
    %mul3A_104 = vector.broadcast %slice3A_102 : vector<800x1xf32> to vector<800x32xf32>
    %mul3A_105 = arith.mulf %mul3A_104, %slice3A_103 : vector<800x32xf32>
    %add3A_106 = arith.addf %add3A_101, %mul3A_105 : vector<800x32xf32>
    %slice3A_107 = vector.extract_strided_slice %get3A_4 {offsets = [0, 21], sizes = [800, 1], strides = [1, 1]} : vector<800x56xf32> to vector<800x1xf32>
    %slice3A_108 = vector.extract_strided_slice %get3A_7 {offsets = [0, 160], sizes = [800, 32], strides = [1, 1]} : vector<800x256xf32> to vector<800x32xf32>
    %mul3A_109 = vector.broadcast %slice3A_107 : vector<800x1xf32> to vector<800x32xf32>
    %mul3A_110 = arith.mulf %mul3A_109, %slice3A_108 : vector<800x32xf32>
    %add3A_111 = arith.addf %add3A_106, %mul3A_110 : vector<800x32xf32>
    %slice3A_112 = vector.extract_strided_slice %get3A_4 {offsets = [0, 22], sizes = [800, 1], strides = [1, 1]} : vector<800x56xf32> to vector<800x1xf32>
    %slice3A_113 = vector.extract_strided_slice %get3A_7 {offsets = [0, 192], sizes = [800, 32], strides = [1, 1]} : vector<800x256xf32> to vector<800x32xf32>
    %mul3A_114 = vector.broadcast %slice3A_112 : vector<800x1xf32> to vector<800x32xf32>
    %mul3A_115 = arith.mulf %mul3A_114, %slice3A_113 : vector<800x32xf32>
    %add3A_116 = arith.addf %add3A_111, %mul3A_115 : vector<800x32xf32>
    %slice3A_117 = vector.extract_strided_slice %get3A_4 {offsets = [0, 23], sizes = [800, 1], strides = [1, 1]} : vector<800x56xf32> to vector<800x1xf32>
    %slice3A_118 = vector.extract_strided_slice %get3A_7 {offsets = [0, 224], sizes = [800, 32], strides = [1, 1]} : vector<800x256xf32> to vector<800x32xf32>
    %mul3A_119 = vector.broadcast %slice3A_117 : vector<800x1xf32> to vector<800x32xf32>
    %mul3A_120 = arith.mulf %mul3A_119, %slice3A_118 : vector<800x32xf32>
    %add3A_121 = arith.addf %add3A_116, %mul3A_120 : vector<800x32xf32>
    %slice3A_122 = vector.extract_strided_slice %get3A_4 {offsets = [0, 24], sizes = [800, 1], strides = [1, 1]} : vector<800x56xf32> to vector<800x1xf32>
    %slice3A_123 = vector.extract_strided_slice %get3A_7 {offsets = [0, 0], sizes = [800, 32], strides = [1, 1]} : vector<800x256xf32> to vector<800x32xf32>
    %mul3A_124 = vector.broadcast %slice3A_122 : vector<800x1xf32> to vector<800x32xf32>
    %mul3A_125 = arith.mulf %mul3A_124, %slice3A_123 : vector<800x32xf32>
    %slice3A_126 = vector.extract_strided_slice %get3A_4 {offsets = [0, 25], sizes = [800, 1], strides = [1, 1]} : vector<800x56xf32> to vector<800x1xf32>
    %slice3A_127 = vector.extract_strided_slice %get3A_7 {offsets = [0, 32], sizes = [800, 32], strides = [1, 1]} : vector<800x256xf32> to vector<800x32xf32>
    %mul3A_128 = vector.broadcast %slice3A_126 : vector<800x1xf32> to vector<800x32xf32>
    %mul3A_129 = arith.mulf %mul3A_128, %slice3A_127 : vector<800x32xf32>
    %add3A_130 = arith.addf %mul3A_125, %mul3A_129 : vector<800x32xf32>
    %slice3A_131 = vector.extract_strided_slice %get3A_4 {offsets = [0, 26], sizes = [800, 1], strides = [1, 1]} : vector<800x56xf32> to vector<800x1xf32>
    %slice3A_132 = vector.extract_strided_slice %get3A_7 {offsets = [0, 64], sizes = [800, 32], strides = [1, 1]} : vector<800x256xf32> to vector<800x32xf32>
    %mul3A_133 = vector.broadcast %slice3A_131 : vector<800x1xf32> to vector<800x32xf32>
    %mul3A_134 = arith.mulf %mul3A_133, %slice3A_132 : vector<800x32xf32>
    %add3A_135 = arith.addf %add3A_130, %mul3A_134 : vector<800x32xf32>
    %slice3A_136 = vector.extract_strided_slice %get3A_4 {offsets = [0, 27], sizes = [800, 1], strides = [1, 1]} : vector<800x56xf32> to vector<800x1xf32>
    %slice3A_137 = vector.extract_strided_slice %get3A_7 {offsets = [0, 96], sizes = [800, 32], strides = [1, 1]} : vector<800x256xf32> to vector<800x32xf32>
    %mul3A_138 = vector.broadcast %slice3A_136 : vector<800x1xf32> to vector<800x32xf32>
    %mul3A_139 = arith.mulf %mul3A_138, %slice3A_137 : vector<800x32xf32>
    %add3A_140 = arith.addf %add3A_135, %mul3A_139 : vector<800x32xf32>
    %slice3A_141 = vector.extract_strided_slice %get3A_4 {offsets = [0, 28], sizes = [800, 1], strides = [1, 1]} : vector<800x56xf32> to vector<800x1xf32>
    %slice3A_142 = vector.extract_strided_slice %get3A_7 {offsets = [0, 128], sizes = [800, 32], strides = [1, 1]} : vector<800x256xf32> to vector<800x32xf32>
    %mul3A_143 = vector.broadcast %slice3A_141 : vector<800x1xf32> to vector<800x32xf32>
    %mul3A_144 = arith.mulf %mul3A_143, %slice3A_142 : vector<800x32xf32>
    %add3A_145 = arith.addf %add3A_140, %mul3A_144 : vector<800x32xf32>
    %slice3A_146 = vector.extract_strided_slice %get3A_4 {offsets = [0, 29], sizes = [800, 1], strides = [1, 1]} : vector<800x56xf32> to vector<800x1xf32>
    %slice3A_147 = vector.extract_strided_slice %get3A_7 {offsets = [0, 160], sizes = [800, 32], strides = [1, 1]} : vector<800x256xf32> to vector<800x32xf32>
    %mul3A_148 = vector.broadcast %slice3A_146 : vector<800x1xf32> to vector<800x32xf32>
    %mul3A_149 = arith.mulf %mul3A_148, %slice3A_147 : vector<800x32xf32>
    %add3A_150 = arith.addf %add3A_145, %mul3A_149 : vector<800x32xf32>
    %slice3A_151 = vector.extract_strided_slice %get3A_4 {offsets = [0, 30], sizes = [800, 1], strides = [1, 1]} : vector<800x56xf32> to vector<800x1xf32>
    %slice3A_152 = vector.extract_strided_slice %get3A_7 {offsets = [0, 192], sizes = [800, 32], strides = [1, 1]} : vector<800x256xf32> to vector<800x32xf32>
    %mul3A_153 = vector.broadcast %slice3A_151 : vector<800x1xf32> to vector<800x32xf32>
    %mul3A_154 = arith.mulf %mul3A_153, %slice3A_152 : vector<800x32xf32>
    %add3A_155 = arith.addf %add3A_150, %mul3A_154 : vector<800x32xf32>
    %slice3A_156 = vector.extract_strided_slice %get3A_4 {offsets = [0, 31], sizes = [800, 1], strides = [1, 1]} : vector<800x56xf32> to vector<800x1xf32>
    %slice3A_157 = vector.extract_strided_slice %get3A_7 {offsets = [0, 224], sizes = [800, 32], strides = [1, 1]} : vector<800x256xf32> to vector<800x32xf32>
    %mul3A_158 = vector.broadcast %slice3A_156 : vector<800x1xf32> to vector<800x32xf32>
    %mul3A_159 = arith.mulf %mul3A_158, %slice3A_157 : vector<800x32xf32>
    %add3A_160 = arith.addf %add3A_155, %mul3A_159 : vector<800x32xf32>
    %slice3A_161 = vector.extract_strided_slice %get3A_4 {offsets = [0, 32], sizes = [800, 1], strides = [1, 1]} : vector<800x56xf32> to vector<800x1xf32>
    %slice3A_162 = vector.extract_strided_slice %get3A_7 {offsets = [0, 0], sizes = [800, 32], strides = [1, 1]} : vector<800x256xf32> to vector<800x32xf32>
    %mul3A_163 = vector.broadcast %slice3A_161 : vector<800x1xf32> to vector<800x32xf32>
    %mul3A_164 = arith.mulf %mul3A_163, %slice3A_162 : vector<800x32xf32>
    %slice3A_165 = vector.extract_strided_slice %get3A_4 {offsets = [0, 33], sizes = [800, 1], strides = [1, 1]} : vector<800x56xf32> to vector<800x1xf32>
    %slice3A_166 = vector.extract_strided_slice %get3A_7 {offsets = [0, 32], sizes = [800, 32], strides = [1, 1]} : vector<800x256xf32> to vector<800x32xf32>
    %mul3A_167 = vector.broadcast %slice3A_165 : vector<800x1xf32> to vector<800x32xf32>
    %mul3A_168 = arith.mulf %mul3A_167, %slice3A_166 : vector<800x32xf32>
    %add3A_169 = arith.addf %mul3A_164, %mul3A_168 : vector<800x32xf32>
    %slice3A_170 = vector.extract_strided_slice %get3A_4 {offsets = [0, 34], sizes = [800, 1], strides = [1, 1]} : vector<800x56xf32> to vector<800x1xf32>
    %slice3A_171 = vector.extract_strided_slice %get3A_7 {offsets = [0, 64], sizes = [800, 32], strides = [1, 1]} : vector<800x256xf32> to vector<800x32xf32>
    %mul3A_172 = vector.broadcast %slice3A_170 : vector<800x1xf32> to vector<800x32xf32>
    %mul3A_173 = arith.mulf %mul3A_172, %slice3A_171 : vector<800x32xf32>
    %add3A_174 = arith.addf %add3A_169, %mul3A_173 : vector<800x32xf32>
    %slice3A_175 = vector.extract_strided_slice %get3A_4 {offsets = [0, 35], sizes = [800, 1], strides = [1, 1]} : vector<800x56xf32> to vector<800x1xf32>
    %slice3A_176 = vector.extract_strided_slice %get3A_7 {offsets = [0, 96], sizes = [800, 32], strides = [1, 1]} : vector<800x256xf32> to vector<800x32xf32>
    %mul3A_177 = vector.broadcast %slice3A_175 : vector<800x1xf32> to vector<800x32xf32>
    %mul3A_178 = arith.mulf %mul3A_177, %slice3A_176 : vector<800x32xf32>
    %add3A_179 = arith.addf %add3A_174, %mul3A_178 : vector<800x32xf32>
    %slice3A_180 = vector.extract_strided_slice %get3A_4 {offsets = [0, 36], sizes = [800, 1], strides = [1, 1]} : vector<800x56xf32> to vector<800x1xf32>
    %slice3A_181 = vector.extract_strided_slice %get3A_7 {offsets = [0, 128], sizes = [800, 32], strides = [1, 1]} : vector<800x256xf32> to vector<800x32xf32>
    %mul3A_182 = vector.broadcast %slice3A_180 : vector<800x1xf32> to vector<800x32xf32>
    %mul3A_183 = arith.mulf %mul3A_182, %slice3A_181 : vector<800x32xf32>
    %add3A_184 = arith.addf %add3A_179, %mul3A_183 : vector<800x32xf32>
    %slice3A_185 = vector.extract_strided_slice %get3A_4 {offsets = [0, 37], sizes = [800, 1], strides = [1, 1]} : vector<800x56xf32> to vector<800x1xf32>
    %slice3A_186 = vector.extract_strided_slice %get3A_7 {offsets = [0, 160], sizes = [800, 32], strides = [1, 1]} : vector<800x256xf32> to vector<800x32xf32>
    %mul3A_187 = vector.broadcast %slice3A_185 : vector<800x1xf32> to vector<800x32xf32>
    %mul3A_188 = arith.mulf %mul3A_187, %slice3A_186 : vector<800x32xf32>
    %add3A_189 = arith.addf %add3A_184, %mul3A_188 : vector<800x32xf32>
    %slice3A_190 = vector.extract_strided_slice %get3A_4 {offsets = [0, 38], sizes = [800, 1], strides = [1, 1]} : vector<800x56xf32> to vector<800x1xf32>
    %slice3A_191 = vector.extract_strided_slice %get3A_7 {offsets = [0, 192], sizes = [800, 32], strides = [1, 1]} : vector<800x256xf32> to vector<800x32xf32>
    %mul3A_192 = vector.broadcast %slice3A_190 : vector<800x1xf32> to vector<800x32xf32>
    %mul3A_193 = arith.mulf %mul3A_192, %slice3A_191 : vector<800x32xf32>
    %add3A_194 = arith.addf %add3A_189, %mul3A_193 : vector<800x32xf32>
    %slice3A_195 = vector.extract_strided_slice %get3A_4 {offsets = [0, 39], sizes = [800, 1], strides = [1, 1]} : vector<800x56xf32> to vector<800x1xf32>
    %slice3A_196 = vector.extract_strided_slice %get3A_7 {offsets = [0, 224], sizes = [800, 32], strides = [1, 1]} : vector<800x256xf32> to vector<800x32xf32>
    %mul3A_197 = vector.broadcast %slice3A_195 : vector<800x1xf32> to vector<800x32xf32>
    %mul3A_198 = arith.mulf %mul3A_197, %slice3A_196 : vector<800x32xf32>
    %add3A_199 = arith.addf %add3A_194, %mul3A_198 : vector<800x32xf32>
    %slice3A_200 = vector.extract_strided_slice %get3A_4 {offsets = [0, 40], sizes = [800, 1], strides = [1, 1]} : vector<800x56xf32> to vector<800x1xf32>
    %slice3A_201 = vector.extract_strided_slice %get3A_7 {offsets = [0, 0], sizes = [800, 32], strides = [1, 1]} : vector<800x256xf32> to vector<800x32xf32>
    %mul3A_202 = vector.broadcast %slice3A_200 : vector<800x1xf32> to vector<800x32xf32>
    %mul3A_203 = arith.mulf %mul3A_202, %slice3A_201 : vector<800x32xf32>
    %slice3A_204 = vector.extract_strided_slice %get3A_4 {offsets = [0, 41], sizes = [800, 1], strides = [1, 1]} : vector<800x56xf32> to vector<800x1xf32>
    %slice3A_205 = vector.extract_strided_slice %get3A_7 {offsets = [0, 32], sizes = [800, 32], strides = [1, 1]} : vector<800x256xf32> to vector<800x32xf32>
    %mul3A_206 = vector.broadcast %slice3A_204 : vector<800x1xf32> to vector<800x32xf32>
    %mul3A_207 = arith.mulf %mul3A_206, %slice3A_205 : vector<800x32xf32>
    %add3A_208 = arith.addf %mul3A_203, %mul3A_207 : vector<800x32xf32>
    %slice3A_209 = vector.extract_strided_slice %get3A_4 {offsets = [0, 42], sizes = [800, 1], strides = [1, 1]} : vector<800x56xf32> to vector<800x1xf32>
    %slice3A_210 = vector.extract_strided_slice %get3A_7 {offsets = [0, 64], sizes = [800, 32], strides = [1, 1]} : vector<800x256xf32> to vector<800x32xf32>
    %mul3A_211 = vector.broadcast %slice3A_209 : vector<800x1xf32> to vector<800x32xf32>
    %mul3A_212 = arith.mulf %mul3A_211, %slice3A_210 : vector<800x32xf32>
    %add3A_213 = arith.addf %add3A_208, %mul3A_212 : vector<800x32xf32>
    %slice3A_214 = vector.extract_strided_slice %get3A_4 {offsets = [0, 43], sizes = [800, 1], strides = [1, 1]} : vector<800x56xf32> to vector<800x1xf32>
    %slice3A_215 = vector.extract_strided_slice %get3A_7 {offsets = [0, 96], sizes = [800, 32], strides = [1, 1]} : vector<800x256xf32> to vector<800x32xf32>
    %mul3A_216 = vector.broadcast %slice3A_214 : vector<800x1xf32> to vector<800x32xf32>
    %mul3A_217 = arith.mulf %mul3A_216, %slice3A_215 : vector<800x32xf32>
    %add3A_218 = arith.addf %add3A_213, %mul3A_217 : vector<800x32xf32>
    %slice3A_219 = vector.extract_strided_slice %get3A_4 {offsets = [0, 44], sizes = [800, 1], strides = [1, 1]} : vector<800x56xf32> to vector<800x1xf32>
    %slice3A_220 = vector.extract_strided_slice %get3A_7 {offsets = [0, 128], sizes = [800, 32], strides = [1, 1]} : vector<800x256xf32> to vector<800x32xf32>
    %mul3A_221 = vector.broadcast %slice3A_219 : vector<800x1xf32> to vector<800x32xf32>
    %mul3A_222 = arith.mulf %mul3A_221, %slice3A_220 : vector<800x32xf32>
    %add3A_223 = arith.addf %add3A_218, %mul3A_222 : vector<800x32xf32>
    %slice3A_224 = vector.extract_strided_slice %get3A_4 {offsets = [0, 45], sizes = [800, 1], strides = [1, 1]} : vector<800x56xf32> to vector<800x1xf32>
    %slice3A_225 = vector.extract_strided_slice %get3A_7 {offsets = [0, 160], sizes = [800, 32], strides = [1, 1]} : vector<800x256xf32> to vector<800x32xf32>
    %mul3A_226 = vector.broadcast %slice3A_224 : vector<800x1xf32> to vector<800x32xf32>
    %mul3A_227 = arith.mulf %mul3A_226, %slice3A_225 : vector<800x32xf32>
    %add3A_228 = arith.addf %add3A_223, %mul3A_227 : vector<800x32xf32>
    %slice3A_229 = vector.extract_strided_slice %get3A_4 {offsets = [0, 46], sizes = [800, 1], strides = [1, 1]} : vector<800x56xf32> to vector<800x1xf32>
    %slice3A_230 = vector.extract_strided_slice %get3A_7 {offsets = [0, 192], sizes = [800, 32], strides = [1, 1]} : vector<800x256xf32> to vector<800x32xf32>
    %mul3A_231 = vector.broadcast %slice3A_229 : vector<800x1xf32> to vector<800x32xf32>
    %mul3A_232 = arith.mulf %mul3A_231, %slice3A_230 : vector<800x32xf32>
    %add3A_233 = arith.addf %add3A_228, %mul3A_232 : vector<800x32xf32>
    %slice3A_234 = vector.extract_strided_slice %get3A_4 {offsets = [0, 47], sizes = [800, 1], strides = [1, 1]} : vector<800x56xf32> to vector<800x1xf32>
    %slice3A_235 = vector.extract_strided_slice %get3A_7 {offsets = [0, 224], sizes = [800, 32], strides = [1, 1]} : vector<800x256xf32> to vector<800x32xf32>
    %mul3A_236 = vector.broadcast %slice3A_234 : vector<800x1xf32> to vector<800x32xf32>
    %mul3A_237 = arith.mulf %mul3A_236, %slice3A_235 : vector<800x32xf32>
    %add3A_238 = arith.addf %add3A_233, %mul3A_237 : vector<800x32xf32>
    %slice3A_239 = vector.extract_strided_slice %get3A_4 {offsets = [0, 48], sizes = [800, 1], strides = [1, 1]} : vector<800x56xf32> to vector<800x1xf32>
    %slice3A_240 = vector.extract_strided_slice %get3A_7 {offsets = [0, 0], sizes = [800, 32], strides = [1, 1]} : vector<800x256xf32> to vector<800x32xf32>
    %mul3A_241 = vector.broadcast %slice3A_239 : vector<800x1xf32> to vector<800x32xf32>
    %mul3A_242 = arith.mulf %mul3A_241, %slice3A_240 : vector<800x32xf32>
    %slice3A_243 = vector.extract_strided_slice %get3A_4 {offsets = [0, 49], sizes = [800, 1], strides = [1, 1]} : vector<800x56xf32> to vector<800x1xf32>
    %slice3A_244 = vector.extract_strided_slice %get3A_7 {offsets = [0, 32], sizes = [800, 32], strides = [1, 1]} : vector<800x256xf32> to vector<800x32xf32>
    %mul3A_245 = vector.broadcast %slice3A_243 : vector<800x1xf32> to vector<800x32xf32>
    %mul3A_246 = arith.mulf %mul3A_245, %slice3A_244 : vector<800x32xf32>
    %add3A_247 = arith.addf %mul3A_242, %mul3A_246 : vector<800x32xf32>
    %slice3A_248 = vector.extract_strided_slice %get3A_4 {offsets = [0, 50], sizes = [800, 1], strides = [1, 1]} : vector<800x56xf32> to vector<800x1xf32>
    %slice3A_249 = vector.extract_strided_slice %get3A_7 {offsets = [0, 64], sizes = [800, 32], strides = [1, 1]} : vector<800x256xf32> to vector<800x32xf32>
    %mul3A_250 = vector.broadcast %slice3A_248 : vector<800x1xf32> to vector<800x32xf32>
    %mul3A_251 = arith.mulf %mul3A_250, %slice3A_249 : vector<800x32xf32>
    %add3A_252 = arith.addf %add3A_247, %mul3A_251 : vector<800x32xf32>
    %slice3A_253 = vector.extract_strided_slice %get3A_4 {offsets = [0, 51], sizes = [800, 1], strides = [1, 1]} : vector<800x56xf32> to vector<800x1xf32>
    %slice3A_254 = vector.extract_strided_slice %get3A_7 {offsets = [0, 96], sizes = [800, 32], strides = [1, 1]} : vector<800x256xf32> to vector<800x32xf32>
    %mul3A_255 = vector.broadcast %slice3A_253 : vector<800x1xf32> to vector<800x32xf32>
    %mul3A_256 = arith.mulf %mul3A_255, %slice3A_254 : vector<800x32xf32>
    %add3A_257 = arith.addf %add3A_252, %mul3A_256 : vector<800x32xf32>
    %slice3A_258 = vector.extract_strided_slice %get3A_4 {offsets = [0, 52], sizes = [800, 1], strides = [1, 1]} : vector<800x56xf32> to vector<800x1xf32>
    %slice3A_259 = vector.extract_strided_slice %get3A_7 {offsets = [0, 128], sizes = [800, 32], strides = [1, 1]} : vector<800x256xf32> to vector<800x32xf32>
    %mul3A_260 = vector.broadcast %slice3A_258 : vector<800x1xf32> to vector<800x32xf32>
    %mul3A_261 = arith.mulf %mul3A_260, %slice3A_259 : vector<800x32xf32>
    %add3A_262 = arith.addf %add3A_257, %mul3A_261 : vector<800x32xf32>
    %slice3A_263 = vector.extract_strided_slice %get3A_4 {offsets = [0, 53], sizes = [800, 1], strides = [1, 1]} : vector<800x56xf32> to vector<800x1xf32>
    %slice3A_264 = vector.extract_strided_slice %get3A_7 {offsets = [0, 160], sizes = [800, 32], strides = [1, 1]} : vector<800x256xf32> to vector<800x32xf32>
    %mul3A_265 = vector.broadcast %slice3A_263 : vector<800x1xf32> to vector<800x32xf32>
    %mul3A_266 = arith.mulf %mul3A_265, %slice3A_264 : vector<800x32xf32>
    %add3A_267 = arith.addf %add3A_262, %mul3A_266 : vector<800x32xf32>
    %slice3A_268 = vector.extract_strided_slice %get3A_4 {offsets = [0, 54], sizes = [800, 1], strides = [1, 1]} : vector<800x56xf32> to vector<800x1xf32>
    %slice3A_269 = vector.extract_strided_slice %get3A_7 {offsets = [0, 192], sizes = [800, 32], strides = [1, 1]} : vector<800x256xf32> to vector<800x32xf32>
    %mul3A_270 = vector.broadcast %slice3A_268 : vector<800x1xf32> to vector<800x32xf32>
    %mul3A_271 = arith.mulf %mul3A_270, %slice3A_269 : vector<800x32xf32>
    %add3A_272 = arith.addf %add3A_267, %mul3A_271 : vector<800x32xf32>
    %slice3A_273 = vector.extract_strided_slice %get3A_4 {offsets = [0, 55], sizes = [800, 1], strides = [1, 1]} : vector<800x56xf32> to vector<800x1xf32>
    %slice3A_274 = vector.extract_strided_slice %get3A_7 {offsets = [0, 224], sizes = [800, 32], strides = [1, 1]} : vector<800x256xf32> to vector<800x32xf32>
    %mul3A_275 = vector.broadcast %slice3A_273 : vector<800x1xf32> to vector<800x32xf32>
    %mul3A_276 = arith.mulf %mul3A_275, %slice3A_274 : vector<800x32xf32>
    %add3A_277 = arith.addf %add3A_272, %mul3A_276 : vector<800x32xf32>
    %slice3A_278 = vector.extract_strided_slice %get3A_1 {offsets = [0, 0], sizes = [800, 1], strides = [1, 1]} : vector<800x224xf32> to vector<800x1xf32>
    %mul3A_279 = vector.broadcast %slice3A_278 : vector<800x1xf32> to vector<800x32xf32>
    %mul3A_280 = arith.mulf %mul3A_279, %add3A_43 : vector<800x32xf32>
    %slice3A_281 = vector.extract_strided_slice %get3A_1 {offsets = [0, 1], sizes = [800, 1], strides = [1, 1]} : vector<800x224xf32> to vector<800x1xf32>
    %mul3A_282 = vector.broadcast %slice3A_281 : vector<800x1xf32> to vector<800x32xf32>
    %mul3A_283 = arith.mulf %mul3A_282, %add3A_82 : vector<800x32xf32>
    %add3A_284 = arith.addf %mul3A_280, %mul3A_283 : vector<800x32xf32>
    %slice3A_285 = vector.extract_strided_slice %get3A_1 {offsets = [0, 2], sizes = [800, 1], strides = [1, 1]} : vector<800x224xf32> to vector<800x1xf32>
    %mul3A_286 = vector.broadcast %slice3A_285 : vector<800x1xf32> to vector<800x32xf32>
    %mul3A_287 = arith.mulf %mul3A_286, %add3A_121 : vector<800x32xf32>
    %add3A_288 = arith.addf %add3A_284, %mul3A_287 : vector<800x32xf32>
    %slice3A_289 = vector.extract_strided_slice %get3A_1 {offsets = [0, 3], sizes = [800, 1], strides = [1, 1]} : vector<800x224xf32> to vector<800x1xf32>
    %mul3A_290 = vector.broadcast %slice3A_289 : vector<800x1xf32> to vector<800x32xf32>
    %mul3A_291 = arith.mulf %mul3A_290, %add3A_160 : vector<800x32xf32>
    %add3A_292 = arith.addf %add3A_288, %mul3A_291 : vector<800x32xf32>
    %slice3A_293 = vector.extract_strided_slice %get3A_1 {offsets = [0, 4], sizes = [800, 1], strides = [1, 1]} : vector<800x224xf32> to vector<800x1xf32>
    %mul3A_294 = vector.broadcast %slice3A_293 : vector<800x1xf32> to vector<800x32xf32>
    %mul3A_295 = arith.mulf %mul3A_294, %add3A_199 : vector<800x32xf32>
    %add3A_296 = arith.addf %add3A_292, %mul3A_295 : vector<800x32xf32>
    %slice3A_297 = vector.extract_strided_slice %get3A_1 {offsets = [0, 5], sizes = [800, 1], strides = [1, 1]} : vector<800x224xf32> to vector<800x1xf32>
    %mul3A_298 = vector.broadcast %slice3A_297 : vector<800x1xf32> to vector<800x32xf32>
    %mul3A_299 = arith.mulf %mul3A_298, %add3A_238 : vector<800x32xf32>
    %add3A_300 = arith.addf %add3A_296, %mul3A_299 : vector<800x32xf32>
    %slice3A_301 = vector.extract_strided_slice %get3A_1 {offsets = [0, 6], sizes = [800, 1], strides = [1, 1]} : vector<800x224xf32> to vector<800x1xf32>
    %mul3A_302 = vector.broadcast %slice3A_301 : vector<800x1xf32> to vector<800x32xf32>
    %mul3A_303 = arith.mulf %mul3A_302, %add3A_277 : vector<800x32xf32>
    %add3A_304 = arith.addf %add3A_300, %mul3A_303 : vector<800x32xf32>
    %swap3A = arith.constant 0 : index
    %swap3A_305 = arith.constant 0 : index
    %swap3A_306 = vector.load %arg6[%swap3A, %swap3A_305] : memref<800x1024xf32, #tpu.memory_space<vmem>>, vector<800x32xf32>
    tpu.vector_store %arg6[%swap3A, %swap3A_305], %add3A_304 {strides = array<i32>} : memref<800x1024xf32, #tpu.memory_space<vmem>>, vector<800x32xf32>,
    %slice3A_307 = vector.extract_strided_slice %get3A_1 {offsets = [0, 7], sizes = [800, 1], strides = [1, 1]} : vector<800x224xf32> to vector<800x1xf32>
    %mul3A_308 = vector.broadcast %slice3A_307 : vector<800x1xf32> to vector<800x32xf32>
    %mul3A_309 = arith.mulf %mul3A_308, %add3A_43 : vector<800x32xf32>
    %slice3A_310 = vector.extract_strided_slice %get3A_1 {offsets = [0, 8], sizes = [800, 1], strides = [1, 1]} : vector<800x224xf32> to vector<800x1xf32>
    %mul3A_311 = vector.broadcast %slice3A_310 : vector<800x1xf32> to vector<800x32xf32>
    %mul3A_312 = arith.mulf %mul3A_311, %add3A_82 : vector<800x32xf32>
    %add3A_313 = arith.addf %mul3A_309, %mul3A_312 : vector<800x32xf32>
    %slice3A_314 = vector.extract_strided_slice %get3A_1 {offsets = [0, 9], sizes = [800, 1], strides = [1, 1]} : vector<800x224xf32> to vector<800x1xf32>
    %mul3A_315 = vector.broadcast %slice3A_314 : vector<800x1xf32> to vector<800x32xf32>
    %mul3A_316 = arith.mulf %mul3A_315, %add3A_121 : vector<800x32xf32>
    %add3A_317 = arith.addf %add3A_313, %mul3A_316 : vector<800x32xf32>
    %slice3A_318 = vector.extract_strided_slice %get3A_1 {offsets = [0, 10], sizes = [800, 1], strides = [1, 1]} : vector<800x224xf32> to vector<800x1xf32>
    %mul3A_319 = vector.broadcast %slice3A_318 : vector<800x1xf32> to vector<800x32xf32>
    %mul3A_320 = arith.mulf %mul3A_319, %add3A_160 : vector<800x32xf32>
    %add3A_321 = arith.addf %add3A_317, %mul3A_320 : vector<800x32xf32>
    %slice3A_322 = vector.extract_strided_slice %get3A_1 {offsets = [0, 11], sizes = [800, 1], strides = [1, 1]} : vector<800x224xf32> to vector<800x1xf32>
    %mul3A_323 = vector.broadcast %slice3A_322 : vector<800x1xf32> to vector<800x32xf32>
    %mul3A_324 = arith.mulf %mul3A_323, %add3A_199 : vector<800x32xf32>
    %add3A_325 = arith.addf %add3A_321, %mul3A_324 : vector<800x32xf32>
    %slice3A_326 = vector.extract_strided_slice %get3A_1 {offsets = [0, 12], sizes = [800, 1], strides = [1, 1]} : vector<800x224xf32> to vector<800x1xf32>
    %mul3A_327 = vector.broadcast %slice3A_326 : vector<800x1xf32> to vector<800x32xf32>
    %mul3A_328 = arith.mulf %mul3A_327, %add3A_238 : vector<800x32xf32>
    %add3A_329 = arith.addf %add3A_325, %mul3A_328 : vector<800x32xf32>
    %slice3A_330 = vector.extract_strided_slice %get3A_1 {offsets = [0, 13], sizes = [800, 1], strides = [1, 1]} : vector<800x224xf32> to vector<800x1xf32>
    %mul3A_331 = vector.broadcast %slice3A_330 : vector<800x1xf32> to vector<800x32xf32>
    %mul3A_332 = arith.mulf %mul3A_331, %add3A_277 : vector<800x32xf32>
    %add3A_333 = arith.addf %add3A_329, %mul3A_332 : vector<800x32xf32>
    %swap3A_334 = arith.constant 0 : index
    %swap3A_335 = arith.constant 32 : index
    %swap3A_336 = vector.load %arg6[%swap3A_334, %swap3A_335] : memref<800x1024xf32, #tpu.memory_space<vmem>>, vector<800x32xf32>
    tpu.vector_store %arg6[%swap3A_334, %swap3A_335], %add3A_333 {strides = array<i32>} : memref<800x1024xf32, #tpu.memory_space<vmem>>, vector<800x32xf32>,
    %slice3A_337 = vector.extract_strided_slice %get3A_1 {offsets = [0, 14], sizes = [800, 1], strides = [1, 1]} : vector<800x224xf32> to vector<800x1xf32>
    %mul3A_338 = vector.broadcast %slice3A_337 : vector<800x1xf32> to vector<800x32xf32>
    %mul3A_339 = arith.mulf %mul3A_338, %add3A_43 : vector<800x32xf32>
    %slice3A_340 = vector.extract_strided_slice %get3A_1 {offsets = [0, 15], sizes = [800, 1], strides = [1, 1]} : vector<800x224xf32> to vector<800x1xf32>
    %mul3A_341 = vector.broadcast %slice3A_340 : vector<800x1xf32> to vector<800x32xf32>
    %mul3A_342 = arith.mulf %mul3A_341, %add3A_82 : vector<800x32xf32>
    %add3A_343 = arith.addf %mul3A_339, %mul3A_342 : vector<800x32xf32>
    %slice3A_344 = vector.extract_strided_slice %get3A_1 {offsets = [0, 16], sizes = [800, 1], strides = [1, 1]} : vector<800x224xf32> to vector<800x1xf32>
    %mul3A_345 = vector.broadcast %slice3A_344 : vector<800x1xf32> to vector<800x32xf32>
    %mul3A_346 = arith.mulf %mul3A_345, %add3A_121 : vector<800x32xf32>
    %add3A_347 = arith.addf %add3A_343, %mul3A_346 : vector<800x32xf32>
    %slice3A_348 = vector.extract_strided_slice %get3A_1 {offsets = [0, 17], sizes = [800, 1], strides = [1, 1]} : vector<800x224xf32> to vector<800x1xf32>
    %mul3A_349 = vector.broadcast %slice3A_348 : vector<800x1xf32> to vector<800x32xf32>
    %mul3A_350 = arith.mulf %mul3A_349, %add3A_160 : vector<800x32xf32>
    %add3A_351 = arith.addf %add3A_347, %mul3A_350 : vector<800x32xf32>
    %slice3A_352 = vector.extract_strided_slice %get3A_1 {offsets = [0, 18], sizes = [800, 1], strides = [1, 1]} : vector<800x224xf32> to vector<800x1xf32>
    %mul3A_353 = vector.broadcast %slice3A_352 : vector<800x1xf32> to vector<800x32xf32>
    %mul3A_354 = arith.mulf %mul3A_353, %add3A_199 : vector<800x32xf32>
    %add3A_355 = arith.addf %add3A_351, %mul3A_354 : vector<800x32xf32>
    %slice3A_356 = vector.extract_strided_slice %get3A_1 {offsets = [0, 19], sizes = [800, 1], strides = [1, 1]} : vector<800x224xf32> to vector<800x1xf32>
    %mul3A_357 = vector.broadcast %slice3A_356 : vector<800x1xf32> to vector<800x32xf32>
    %mul3A_358 = arith.mulf %mul3A_357, %add3A_238 : vector<800x32xf32>
    %add3A_359 = arith.addf %add3A_355, %mul3A_358 : vector<800x32xf32>
    %slice3A_360 = vector.extract_strided_slice %get3A_1 {offsets = [0, 20], sizes = [800, 1], strides = [1, 1]} : vector<800x224xf32> to vector<800x1xf32>
    %mul3A_361 = vector.broadcast %slice3A_360 : vector<800x1xf32> to vector<800x32xf32>
    %mul3A_362 = arith.mulf %mul3A_361, %add3A_277 : vector<800x32xf32>
    %add3A_363 = arith.addf %add3A_359, %mul3A_362 : vector<800x32xf32>
    %swap3A_364 = arith.constant 0 : index
    %swap3A_365 = arith.constant 64 : index
    %swap3A_366 = vector.load %arg6[%swap3A_364, %swap3A_365] : memref<800x1024xf32, #tpu.memory_space<vmem>>, vector<800x32xf32>
    tpu.vector_store %arg6[%swap3A_364, %swap3A_365], %add3A_363 {strides = array<i32>} : memref<800x1024xf32, #tpu.memory_space<vmem>>, vector<800x32xf32>,
    %slice3A_367 = vector.extract_strided_slice %get3A_1 {offsets = [0, 21], sizes = [800, 1], strides = [1, 1]} : vector<800x224xf32> to vector<800x1xf32>
    %mul3A_368 = vector.broadcast %slice3A_367 : vector<800x1xf32> to vector<800x32xf32>
    %mul3A_369 = arith.mulf %mul3A_368, %add3A_43 : vector<800x32xf32>
    %slice3A_370 = vector.extract_strided_slice %get3A_1 {offsets = [0, 22], sizes = [800, 1], strides = [1, 1]} : vector<800x224xf32> to vector<800x1xf32>
    %mul3A_371 = vector.broadcast %slice3A_370 : vector<800x1xf32> to vector<800x32xf32>
    %mul3A_372 = arith.mulf %mul3A_371, %add3A_82 : vector<800x32xf32>
    %add3A_373 = arith.addf %mul3A_369, %mul3A_372 : vector<800x32xf32>
    %slice3A_374 = vector.extract_strided_slice %get3A_1 {offsets = [0, 23], sizes = [800, 1], strides = [1, 1]} : vector<800x224xf32> to vector<800x1xf32>
    %mul3A_375 = vector.broadcast %slice3A_374 : vector<800x1xf32> to vector<800x32xf32>
    %mul3A_376 = arith.mulf %mul3A_375, %add3A_121 : vector<800x32xf32>
    %add3A_377 = arith.addf %add3A_373, %mul3A_376 : vector<800x32xf32>
    %slice3A_378 = vector.extract_strided_slice %get3A_1 {offsets = [0, 24], sizes = [800, 1], strides = [1, 1]} : vector<800x224xf32> to vector<800x1xf32>
    %mul3A_379 = vector.broadcast %slice3A_378 : vector<800x1xf32> to vector<800x32xf32>
    %mul3A_380 = arith.mulf %mul3A_379, %add3A_160 : vector<800x32xf32>
    %add3A_381 = arith.addf %add3A_377, %mul3A_380 : vector<800x32xf32>
    %slice3A_382 = vector.extract_strided_slice %get3A_1 {offsets = [0, 25], sizes = [800, 1], strides = [1, 1]} : vector<800x224xf32> to vector<800x1xf32>
    %mul3A_383 = vector.broadcast %slice3A_382 : vector<800x1xf32> to vector<800x32xf32>
    %mul3A_384 = arith.mulf %mul3A_383, %add3A_199 : vector<800x32xf32>
    %add3A_385 = arith.addf %add3A_381, %mul3A_384 : vector<800x32xf32>
    %slice3A_386 = vector.extract_strided_slice %get3A_1 {offsets = [0, 26], sizes = [800, 1], strides = [1, 1]} : vector<800x224xf32> to vector<800x1xf32>
    %mul3A_387 = vector.broadcast %slice3A_386 : vector<800x1xf32> to vector<800x32xf32>
    %mul3A_388 = arith.mulf %mul3A_387, %add3A_238 : vector<800x32xf32>
    %add3A_389 = arith.addf %add3A_385, %mul3A_388 : vector<800x32xf32>
    %slice3A_390 = vector.extract_strided_slice %get3A_1 {offsets = [0, 27], sizes = [800, 1], strides = [1, 1]} : vector<800x224xf32> to vector<800x1xf32>
    %mul3A_391 = vector.broadcast %slice3A_390 : vector<800x1xf32> to vector<800x32xf32>
    %mul3A_392 = arith.mulf %mul3A_391, %add3A_277 : vector<800x32xf32>
    %add3A_393 = arith.addf %add3A_389, %mul3A_392 : vector<800x32xf32>
    %swap3A_394 = arith.constant 0 : index
    %swap3A_395 = arith.constant 96 : index
    %swap3A_396 = vector.load %arg6[%swap3A_394, %swap3A_395] : memref<800x1024xf32, #tpu.memory_space<vmem>>, vector<800x32xf32>
    tpu.vector_store %arg6[%swap3A_394, %swap3A_395], %add3A_393 {strides = array<i32>} : memref<800x1024xf32, #tpu.memory_space<vmem>>, vector<800x32xf32>,
    %slice3A_397 = vector.extract_strided_slice %get3A_1 {offsets = [0, 28], sizes = [800, 1], strides = [1, 1]} : vector<800x224xf32> to vector<800x1xf32>
    %mul3A_398 = vector.broadcast %slice3A_397 : vector<800x1xf32> to vector<800x32xf32>
    %mul3A_399 = arith.mulf %mul3A_398, %add3A_43 : vector<800x32xf32>
    %slice3A_400 = vector.extract_strided_slice %get3A_1 {offsets = [0, 29], sizes = [800, 1], strides = [1, 1]} : vector<800x224xf32> to vector<800x1xf32>
    %mul3A_401 = vector.broadcast %slice3A_400 : vector<800x1xf32> to vector<800x32xf32>
    %mul3A_402 = arith.mulf %mul3A_401, %add3A_82 : vector<800x32xf32>
    %add3A_403 = arith.addf %mul3A_399, %mul3A_402 : vector<800x32xf32>
    %slice3A_404 = vector.extract_strided_slice %get3A_1 {offsets = [0, 30], sizes = [800, 1], strides = [1, 1]} : vector<800x224xf32> to vector<800x1xf32>
    %mul3A_405 = vector.broadcast %slice3A_404 : vector<800x1xf32> to vector<800x32xf32>
    %mul3A_406 = arith.mulf %mul3A_405, %add3A_121 : vector<800x32xf32>
    %add3A_407 = arith.addf %add3A_403, %mul3A_406 : vector<800x32xf32>
    %slice3A_408 = vector.extract_strided_slice %get3A_1 {offsets = [0, 31], sizes = [800, 1], strides = [1, 1]} : vector<800x224xf32> to vector<800x1xf32>
    %mul3A_409 = vector.broadcast %slice3A_408 : vector<800x1xf32> to vector<800x32xf32>
    %mul3A_410 = arith.mulf %mul3A_409, %add3A_160 : vector<800x32xf32>
    %add3A_411 = arith.addf %add3A_407, %mul3A_410 : vector<800x32xf32>
    %slice3A_412 = vector.extract_strided_slice %get3A_1 {offsets = [0, 32], sizes = [800, 1], strides = [1, 1]} : vector<800x224xf32> to vector<800x1xf32>
    %mul3A_413 = vector.broadcast %slice3A_412 : vector<800x1xf32> to vector<800x32xf32>
    %mul3A_414 = arith.mulf %mul3A_413, %add3A_199 : vector<800x32xf32>
    %add3A_415 = arith.addf %add3A_411, %mul3A_414 : vector<800x32xf32>
    %slice3A_416 = vector.extract_strided_slice %get3A_1 {offsets = [0, 33], sizes = [800, 1], strides = [1, 1]} : vector<800x224xf32> to vector<800x1xf32>
    %mul3A_417 = vector.broadcast %slice3A_416 : vector<800x1xf32> to vector<800x32xf32>
    %mul3A_418 = arith.mulf %mul3A_417, %add3A_238 : vector<800x32xf32>
    %add3A_419 = arith.addf %add3A_415, %mul3A_418 : vector<800x32xf32>
    %slice3A_420 = vector.extract_strided_slice %get3A_1 {offsets = [0, 34], sizes = [800, 1], strides = [1, 1]} : vector<800x224xf32> to vector<800x1xf32>
    %mul3A_421 = vector.broadcast %slice3A_420 : vector<800x1xf32> to vector<800x32xf32>
    %mul3A_422 = arith.mulf %mul3A_421, %add3A_277 : vector<800x32xf32>
    %add3A_423 = arith.addf %add3A_419, %mul3A_422 : vector<800x32xf32>
    %swap3A_424 = arith.constant 0 : index
    %swap3A_425 = arith.constant 128 : index
    %swap3A_426 = vector.load %arg6[%swap3A_424, %swap3A_425] : memref<800x1024xf32, #tpu.memory_space<vmem>>, vector<800x32xf32>
    tpu.vector_store %arg6[%swap3A_424, %swap3A_425], %add3A_423 {strides = array<i32>} : memref<800x1024xf32, #tpu.memory_space<vmem>>, vector<800x32xf32>,
    %slice3A_427 = vector.extract_strided_slice %get3A_1 {offsets = [0, 35], sizes = [800, 1], strides = [1, 1]} : vector<800x224xf32> to vector<800x1xf32>
    %mul3A_428 = vector.broadcast %slice3A_427 : vector<800x1xf32> to vector<800x32xf32>
    %mul3A_429 = arith.mulf %mul3A_428, %add3A_43 : vector<800x32xf32>
    %slice3A_430 = vector.extract_strided_slice %get3A_1 {offsets = [0, 36], sizes = [800, 1], strides = [1, 1]} : vector<800x224xf32> to vector<800x1xf32>
    %mul3A_431 = vector.broadcast %slice3A_430 : vector<800x1xf32> to vector<800x32xf32>
    %mul3A_432 = arith.mulf %mul3A_431, %add3A_82 : vector<800x32xf32>
    %add3A_433 = arith.addf %mul3A_429, %mul3A_432 : vector<800x32xf32>
    %slice3A_434 = vector.extract_strided_slice %get3A_1 {offsets = [0, 37], sizes = [800, 1], strides = [1, 1]} : vector<800x224xf32> to vector<800x1xf32>
    %mul3A_435 = vector.broadcast %slice3A_434 : vector<800x1xf32> to vector<800x32xf32>
    %mul3A_436 = arith.mulf %mul3A_435, %add3A_121 : vector<800x32xf32>
    %add3A_437 = arith.addf %add3A_433, %mul3A_436 : vector<800x32xf32>
    %slice3A_438 = vector.extract_strided_slice %get3A_1 {offsets = [0, 38], sizes = [800, 1], strides = [1, 1]} : vector<800x224xf32> to vector<800x1xf32>
    %mul3A_439 = vector.broadcast %slice3A_438 : vector<800x1xf32> to vector<800x32xf32>
    %mul3A_440 = arith.mulf %mul3A_439, %add3A_160 : vector<800x32xf32>
    %add3A_441 = arith.addf %add3A_437, %mul3A_440 : vector<800x32xf32>
    %slice3A_442 = vector.extract_strided_slice %get3A_1 {offsets = [0, 39], sizes = [800, 1], strides = [1, 1]} : vector<800x224xf32> to vector<800x1xf32>
    %mul3A_443 = vector.broadcast %slice3A_442 : vector<800x1xf32> to vector<800x32xf32>
    %mul3A_444 = arith.mulf %mul3A_443, %add3A_199 : vector<800x32xf32>
    %add3A_445 = arith.addf %add3A_441, %mul3A_444 : vector<800x32xf32>
    %slice3A_446 = vector.extract_strided_slice %get3A_1 {offsets = [0, 40], sizes = [800, 1], strides = [1, 1]} : vector<800x224xf32> to vector<800x1xf32>
    %mul3A_447 = vector.broadcast %slice3A_446 : vector<800x1xf32> to vector<800x32xf32>
    %mul3A_448 = arith.mulf %mul3A_447, %add3A_238 : vector<800x32xf32>
    %add3A_449 = arith.addf %add3A_445, %mul3A_448 : vector<800x32xf32>
    %slice3A_450 = vector.extract_strided_slice %get3A_1 {offsets = [0, 41], sizes = [800, 1], strides = [1, 1]} : vector<800x224xf32> to vector<800x1xf32>
    %mul3A_451 = vector.broadcast %slice3A_450 : vector<800x1xf32> to vector<800x32xf32>
    %mul3A_452 = arith.mulf %mul3A_451, %add3A_277 : vector<800x32xf32>
    %add3A_453 = arith.addf %add3A_449, %mul3A_452 : vector<800x32xf32>
    %swap3A_454 = arith.constant 0 : index
    %swap3A_455 = arith.constant 160 : index
    %swap3A_456 = vector.load %arg6[%swap3A_454, %swap3A_455] : memref<800x1024xf32, #tpu.memory_space<vmem>>, vector<800x32xf32>
    tpu.vector_store %arg6[%swap3A_454, %swap3A_455], %add3A_453 {strides = array<i32>} : memref<800x1024xf32, #tpu.memory_space<vmem>>, vector<800x32xf32>,
    %slice3A_457 = vector.extract_strided_slice %get3A_1 {offsets = [0, 42], sizes = [800, 1], strides = [1, 1]} : vector<800x224xf32> to vector<800x1xf32>
    %mul3A_458 = vector.broadcast %slice3A_457 : vector<800x1xf32> to vector<800x32xf32>
    %mul3A_459 = arith.mulf %mul3A_458, %add3A_43 : vector<800x32xf32>
    %slice3A_460 = vector.extract_strided_slice %get3A_1 {offsets = [0, 43], sizes = [800, 1], strides = [1, 1]} : vector<800x224xf32> to vector<800x1xf32>
    %mul3A_461 = vector.broadcast %slice3A_460 : vector<800x1xf32> to vector<800x32xf32>
    %mul3A_462 = arith.mulf %mul3A_461, %add3A_82 : vector<800x32xf32>
    %add3A_463 = arith.addf %mul3A_459, %mul3A_462 : vector<800x32xf32>
    %slice3A_464 = vector.extract_strided_slice %get3A_1 {offsets = [0, 44], sizes = [800, 1], strides = [1, 1]} : vector<800x224xf32> to vector<800x1xf32>
    %mul3A_465 = vector.broadcast %slice3A_464 : vector<800x1xf32> to vector<800x32xf32>
    %mul3A_466 = arith.mulf %mul3A_465, %add3A_121 : vector<800x32xf32>
    %add3A_467 = arith.addf %add3A_463, %mul3A_466 : vector<800x32xf32>
    %slice3A_468 = vector.extract_strided_slice %get3A_1 {offsets = [0, 45], sizes = [800, 1], strides = [1, 1]} : vector<800x224xf32> to vector<800x1xf32>
    %mul3A_469 = vector.broadcast %slice3A_468 : vector<800x1xf32> to vector<800x32xf32>
    %mul3A_470 = arith.mulf %mul3A_469, %add3A_160 : vector<800x32xf32>
    %add3A_471 = arith.addf %add3A_467, %mul3A_470 : vector<800x32xf32>
    %slice3A_472 = vector.extract_strided_slice %get3A_1 {offsets = [0, 46], sizes = [800, 1], strides = [1, 1]} : vector<800x224xf32> to vector<800x1xf32>
    %mul3A_473 = vector.broadcast %slice3A_472 : vector<800x1xf32> to vector<800x32xf32>
    %mul3A_474 = arith.mulf %mul3A_473, %add3A_199 : vector<800x32xf32>
    %add3A_475 = arith.addf %add3A_471, %mul3A_474 : vector<800x32xf32>
    %slice3A_476 = vector.extract_strided_slice %get3A_1 {offsets = [0, 47], sizes = [800, 1], strides = [1, 1]} : vector<800x224xf32> to vector<800x1xf32>
    %mul3A_477 = vector.broadcast %slice3A_476 : vector<800x1xf32> to vector<800x32xf32>
    %mul3A_478 = arith.mulf %mul3A_477, %add3A_238 : vector<800x32xf32>
    %add3A_479 = arith.addf %add3A_475, %mul3A_478 : vector<800x32xf32>
    %slice3A_480 = vector.extract_strided_slice %get3A_1 {offsets = [0, 48], sizes = [800, 1], strides = [1, 1]} : vector<800x224xf32> to vector<800x1xf32>
    %mul3A_481 = vector.broadcast %slice3A_480 : vector<800x1xf32> to vector<800x32xf32>
    %mul3A_482 = arith.mulf %mul3A_481, %add3A_277 : vector<800x32xf32>
    %add3A_483 = arith.addf %add3A_479, %mul3A_482 : vector<800x32xf32>
    %swap3A_484 = arith.constant 0 : index
    %swap3A_485 = arith.constant 192 : index
    %swap3A_486 = vector.load %arg6[%swap3A_484, %swap3A_485] : memref<800x1024xf32, #tpu.memory_space<vmem>>, vector<800x32xf32>
    tpu.vector_store %arg6[%swap3A_484, %swap3A_485], %add3A_483 {strides = array<i32>} : memref<800x1024xf32, #tpu.memory_space<vmem>>, vector<800x32xf32>,
    %slice3A_487 = vector.extract_strided_slice %get3A_1 {offsets = [0, 49], sizes = [800, 1], strides = [1, 1]} : vector<800x224xf32> to vector<800x1xf32>
    %mul3A_488 = vector.broadcast %slice3A_487 : vector<800x1xf32> to vector<800x32xf32>
    %mul3A_489 = arith.mulf %mul3A_488, %add3A_43 : vector<800x32xf32>
    %slice3A_490 = vector.extract_strided_slice %get3A_1 {offsets = [0, 50], sizes = [800, 1], strides = [1, 1]} : vector<800x224xf32> to vector<800x1xf32>
    %mul3A_491 = vector.broadcast %slice3A_490 : vector<800x1xf32> to vector<800x32xf32>
    %mul3A_492 = arith.mulf %mul3A_491, %add3A_82 : vector<800x32xf32>
    %add3A_493 = arith.addf %mul3A_489, %mul3A_492 : vector<800x32xf32>
    %slice3A_494 = vector.extract_strided_slice %get3A_1 {offsets = [0, 51], sizes = [800, 1], strides = [1, 1]} : vector<800x224xf32> to vector<800x1xf32>
    %mul3A_495 = vector.broadcast %slice3A_494 : vector<800x1xf32> to vector<800x32xf32>
    %mul3A_496 = arith.mulf %mul3A_495, %add3A_121 : vector<800x32xf32>
    %add3A_497 = arith.addf %add3A_493, %mul3A_496 : vector<800x32xf32>
    %slice3A_498 = vector.extract_strided_slice %get3A_1 {offsets = [0, 52], sizes = [800, 1], strides = [1, 1]} : vector<800x224xf32> to vector<800x1xf32>
    %mul3A_499 = vector.broadcast %slice3A_498 : vector<800x1xf32> to vector<800x32xf32>
    %mul3A_500 = arith.mulf %mul3A_499, %add3A_160 : vector<800x32xf32>
    %add3A_501 = arith.addf %add3A_497, %mul3A_500 : vector<800x32xf32>
    %slice3A_502 = vector.extract_strided_slice %get3A_1 {offsets = [0, 53], sizes = [800, 1], strides = [1, 1]} : vector<800x224xf32> to vector<800x1xf32>
    %mul3A_503 = vector.broadcast %slice3A_502 : vector<800x1xf32> to vector<800x32xf32>
    %mul3A_504 = arith.mulf %mul3A_503, %add3A_199 : vector<800x32xf32>
    %add3A_505 = arith.addf %add3A_501, %mul3A_504 : vector<800x32xf32>
    %slice3A_506 = vector.extract_strided_slice %get3A_1 {offsets = [0, 54], sizes = [800, 1], strides = [1, 1]} : vector<800x224xf32> to vector<800x1xf32>
    %mul3A_507 = vector.broadcast %slice3A_506 : vector<800x1xf32> to vector<800x32xf32>
    %mul3A_508 = arith.mulf %mul3A_507, %add3A_238 : vector<800x32xf32>
    %add3A_509 = arith.addf %add3A_505, %mul3A_508 : vector<800x32xf32>
    %slice3A_510 = vector.extract_strided_slice %get3A_1 {offsets = [0, 55], sizes = [800, 1], strides = [1, 1]} : vector<800x224xf32> to vector<800x1xf32>
    %mul3A_511 = vector.broadcast %slice3A_510 : vector<800x1xf32> to vector<800x32xf32>
    %mul3A_512 = arith.mulf %mul3A_511, %add3A_277 : vector<800x32xf32>
    %add3A_513 = arith.addf %add3A_509, %mul3A_512 : vector<800x32xf32>
    %swap3A_514 = arith.constant 0 : index
    %swap3A_515 = arith.constant 224 : index
    %swap3A_516 = vector.load %arg6[%swap3A_514, %swap3A_515] : memref<800x1024xf32, #tpu.memory_space<vmem>>, vector<800x32xf32>
    tpu.vector_store %arg6[%swap3A_514, %swap3A_515], %add3A_513 {strides = array<i32>} : memref<800x1024xf32, #tpu.memory_space<vmem>>, vector<800x32xf32>,
    %slice3A_517 = vector.extract_strided_slice %get3A_1 {offsets = [0, 56], sizes = [800, 1], strides = [1, 1]} : vector<800x224xf32> to vector<800x1xf32>
    %mul3A_518 = vector.broadcast %slice3A_517 : vector<800x1xf32> to vector<800x32xf32>
    %mul3A_519 = arith.mulf %mul3A_518, %add3A_43 : vector<800x32xf32>
    %slice3A_520 = vector.extract_strided_slice %get3A_1 {offsets = [0, 57], sizes = [800, 1], strides = [1, 1]} : vector<800x224xf32> to vector<800x1xf32>
    %mul3A_521 = vector.broadcast %slice3A_520 : vector<800x1xf32> to vector<800x32xf32>
    %mul3A_522 = arith.mulf %mul3A_521, %add3A_82 : vector<800x32xf32>
    %add3A_523 = arith.addf %mul3A_519, %mul3A_522 : vector<800x32xf32>
    %slice3A_524 = vector.extract_strided_slice %get3A_1 {offsets = [0, 58], sizes = [800, 1], strides = [1, 1]} : vector<800x224xf32> to vector<800x1xf32>
    %mul3A_525 = vector.broadcast %slice3A_524 : vector<800x1xf32> to vector<800x32xf32>
    %mul3A_526 = arith.mulf %mul3A_525, %add3A_121 : vector<800x32xf32>
    %add3A_527 = arith.addf %add3A_523, %mul3A_526 : vector<800x32xf32>
    %slice3A_528 = vector.extract_strided_slice %get3A_1 {offsets = [0, 59], sizes = [800, 1], strides = [1, 1]} : vector<800x224xf32> to vector<800x1xf32>
    %mul3A_529 = vector.broadcast %slice3A_528 : vector<800x1xf32> to vector<800x32xf32>
    %mul3A_530 = arith.mulf %mul3A_529, %add3A_160 : vector<800x32xf32>
    %add3A_531 = arith.addf %add3A_527, %mul3A_530 : vector<800x32xf32>
    %slice3A_532 = vector.extract_strided_slice %get3A_1 {offsets = [0, 60], sizes = [800, 1], strides = [1, 1]} : vector<800x224xf32> to vector<800x1xf32>
    %mul3A_533 = vector.broadcast %slice3A_532 : vector<800x1xf32> to vector<800x32xf32>
    %mul3A_534 = arith.mulf %mul3A_533, %add3A_199 : vector<800x32xf32>
    %add3A_535 = arith.addf %add3A_531, %mul3A_534 : vector<800x32xf32>
    %slice3A_536 = vector.extract_strided_slice %get3A_1 {offsets = [0, 61], sizes = [800, 1], strides = [1, 1]} : vector<800x224xf32> to vector<800x1xf32>
    %mul3A_537 = vector.broadcast %slice3A_536 : vector<800x1xf32> to vector<800x32xf32>
    %mul3A_538 = arith.mulf %mul3A_537, %add3A_238 : vector<800x32xf32>
    %add3A_539 = arith.addf %add3A_535, %mul3A_538 : vector<800x32xf32>
    %slice3A_540 = vector.extract_strided_slice %get3A_1 {offsets = [0, 62], sizes = [800, 1], strides = [1, 1]} : vector<800x224xf32> to vector<800x1xf32>
    %mul3A_541 = vector.broadcast %slice3A_540 : vector<800x1xf32> to vector<800x32xf32>
    %mul3A_542 = arith.mulf %mul3A_541, %add3A_277 : vector<800x32xf32>
    %add3A_543 = arith.addf %add3A_539, %mul3A_542 : vector<800x32xf32>
    %swap3A_544 = arith.constant 0 : index
    %swap3A_545 = arith.constant 256 : index
    %swap3A_546 = vector.load %arg6[%swap3A_544, %swap3A_545] : memref<800x1024xf32, #tpu.memory_space<vmem>>, vector<800x32xf32>
    tpu.vector_store %arg6[%swap3A_544, %swap3A_545], %add3A_543 {strides = array<i32>} : memref<800x1024xf32, #tpu.memory_space<vmem>>, vector<800x32xf32>,
    %slice3A_547 = vector.extract_strided_slice %get3A_1 {offsets = [0, 63], sizes = [800, 1], strides = [1, 1]} : vector<800x224xf32> to vector<800x1xf32>
    %mul3A_548 = vector.broadcast %slice3A_547 : vector<800x1xf32> to vector<800x32xf32>
    %mul3A_549 = arith.mulf %mul3A_548, %add3A_43 : vector<800x32xf32>
    %slice3A_550 = vector.extract_strided_slice %get3A_1 {offsets = [0, 64], sizes = [800, 1], strides = [1, 1]} : vector<800x224xf32> to vector<800x1xf32>
    %mul3A_551 = vector.broadcast %slice3A_550 : vector<800x1xf32> to vector<800x32xf32>
    %mul3A_552 = arith.mulf %mul3A_551, %add3A_82 : vector<800x32xf32>
    %add3A_553 = arith.addf %mul3A_549, %mul3A_552 : vector<800x32xf32>
    %slice3A_554 = vector.extract_strided_slice %get3A_1 {offsets = [0, 65], sizes = [800, 1], strides = [1, 1]} : vector<800x224xf32> to vector<800x1xf32>
    %mul3A_555 = vector.broadcast %slice3A_554 : vector<800x1xf32> to vector<800x32xf32>
    %mul3A_556 = arith.mulf %mul3A_555, %add3A_121 : vector<800x32xf32>
    %add3A_557 = arith.addf %add3A_553, %mul3A_556 : vector<800x32xf32>
    %slice3A_558 = vector.extract_strided_slice %get3A_1 {offsets = [0, 66], sizes = [800, 1], strides = [1, 1]} : vector<800x224xf32> to vector<800x1xf32>
    %mul3A_559 = vector.broadcast %slice3A_558 : vector<800x1xf32> to vector<800x32xf32>
    %mul3A_560 = arith.mulf %mul3A_559, %add3A_160 : vector<800x32xf32>
    %add3A_561 = arith.addf %add3A_557, %mul3A_560 : vector<800x32xf32>
    %slice3A_562 = vector.extract_strided_slice %get3A_1 {offsets = [0, 67], sizes = [800, 1], strides = [1, 1]} : vector<800x224xf32> to vector<800x1xf32>
    %mul3A_563 = vector.broadcast %slice3A_562 : vector<800x1xf32> to vector<800x32xf32>
    %mul3A_564 = arith.mulf %mul3A_563, %add3A_199 : vector<800x32xf32>
    %add3A_565 = arith.addf %add3A_561, %mul3A_564 : vector<800x32xf32>
    %slice3A_566 = vector.extract_strided_slice %get3A_1 {offsets = [0, 68], sizes = [800, 1], strides = [1, 1]} : vector<800x224xf32> to vector<800x1xf32>
    %mul3A_567 = vector.broadcast %slice3A_566 : vector<800x1xf32> to vector<800x32xf32>
    %mul3A_568 = arith.mulf %mul3A_567, %add3A_238 : vector<800x32xf32>
    %add3A_569 = arith.addf %add3A_565, %mul3A_568 : vector<800x32xf32>
    %slice3A_570 = vector.extract_strided_slice %get3A_1 {offsets = [0, 69], sizes = [800, 1], strides = [1, 1]} : vector<800x224xf32> to vector<800x1xf32>
    %mul3A_571 = vector.broadcast %slice3A_570 : vector<800x1xf32> to vector<800x32xf32>
    %mul3A_572 = arith.mulf %mul3A_571, %add3A_277 : vector<800x32xf32>
    %add3A_573 = arith.addf %add3A_569, %mul3A_572 : vector<800x32xf32>
    %swap3A_574 = arith.constant 0 : index
    %swap3A_575 = arith.constant 288 : index
    %swap3A_576 = vector.load %arg6[%swap3A_574, %swap3A_575] : memref<800x1024xf32, #tpu.memory_space<vmem>>, vector<800x32xf32>
    tpu.vector_store %arg6[%swap3A_574, %swap3A_575], %add3A_573 {strides = array<i32>} : memref<800x1024xf32, #tpu.memory_space<vmem>>, vector<800x32xf32>,
    %slice3A_577 = vector.extract_strided_slice %get3A_1 {offsets = [0, 70], sizes = [800, 1], strides = [1, 1]} : vector<800x224xf32> to vector<800x1xf32>
    %mul3A_578 = vector.broadcast %slice3A_577 : vector<800x1xf32> to vector<800x32xf32>
    %mul3A_579 = arith.mulf %mul3A_578, %add3A_43 : vector<800x32xf32>
    %slice3A_580 = vector.extract_strided_slice %get3A_1 {offsets = [0, 71], sizes = [800, 1], strides = [1, 1]} : vector<800x224xf32> to vector<800x1xf32>
    %mul3A_581 = vector.broadcast %slice3A_580 : vector<800x1xf32> to vector<800x32xf32>
    %mul3A_582 = arith.mulf %mul3A_581, %add3A_82 : vector<800x32xf32>
    %add3A_583 = arith.addf %mul3A_579, %mul3A_582 : vector<800x32xf32>
    %slice3A_584 = vector.extract_strided_slice %get3A_1 {offsets = [0, 72], sizes = [800, 1], strides = [1, 1]} : vector<800x224xf32> to vector<800x1xf32>
    %mul3A_585 = vector.broadcast %slice3A_584 : vector<800x1xf32> to vector<800x32xf32>
    %mul3A_586 = arith.mulf %mul3A_585, %add3A_121 : vector<800x32xf32>
    %add3A_587 = arith.addf %add3A_583, %mul3A_586 : vector<800x32xf32>
    %slice3A_588 = vector.extract_strided_slice %get3A_1 {offsets = [0, 73], sizes = [800, 1], strides = [1, 1]} : vector<800x224xf32> to vector<800x1xf32>
    %mul3A_589 = vector.broadcast %slice3A_588 : vector<800x1xf32> to vector<800x32xf32>
    %mul3A_590 = arith.mulf %mul3A_589, %add3A_160 : vector<800x32xf32>
    %add3A_591 = arith.addf %add3A_587, %mul3A_590 : vector<800x32xf32>
    %slice3A_592 = vector.extract_strided_slice %get3A_1 {offsets = [0, 74], sizes = [800, 1], strides = [1, 1]} : vector<800x224xf32> to vector<800x1xf32>
    %mul3A_593 = vector.broadcast %slice3A_592 : vector<800x1xf32> to vector<800x32xf32>
    %mul3A_594 = arith.mulf %mul3A_593, %add3A_199 : vector<800x32xf32>
    %add3A_595 = arith.addf %add3A_591, %mul3A_594 : vector<800x32xf32>
    %slice3A_596 = vector.extract_strided_slice %get3A_1 {offsets = [0, 75], sizes = [800, 1], strides = [1, 1]} : vector<800x224xf32> to vector<800x1xf32>
    %mul3A_597 = vector.broadcast %slice3A_596 : vector<800x1xf32> to vector<800x32xf32>
    %mul3A_598 = arith.mulf %mul3A_597, %add3A_238 : vector<800x32xf32>
    %add3A_599 = arith.addf %add3A_595, %mul3A_598 : vector<800x32xf32>
    %slice3A_600 = vector.extract_strided_slice %get3A_1 {offsets = [0, 76], sizes = [800, 1], strides = [1, 1]} : vector<800x224xf32> to vector<800x1xf32>
    %mul3A_601 = vector.broadcast %slice3A_600 : vector<800x1xf32> to vector<800x32xf32>
    %mul3A_602 = arith.mulf %mul3A_601, %add3A_277 : vector<800x32xf32>
    %add3A_603 = arith.addf %add3A_599, %mul3A_602 : vector<800x32xf32>
    %swap3A_604 = arith.constant 0 : index
    %swap3A_605 = arith.constant 320 : index
    %swap3A_606 = vector.load %arg6[%swap3A_604, %swap3A_605] : memref<800x1024xf32, #tpu.memory_space<vmem>>, vector<800x32xf32>
    tpu.vector_store %arg6[%swap3A_604, %swap3A_605], %add3A_603 {strides = array<i32>} : memref<800x1024xf32, #tpu.memory_space<vmem>>, vector<800x32xf32>,
    %slice3A_607 = vector.extract_strided_slice %get3A_1 {offsets = [0, 77], sizes = [800, 1], strides = [1, 1]} : vector<800x224xf32> to vector<800x1xf32>
    %mul3A_608 = vector.broadcast %slice3A_607 : vector<800x1xf32> to vector<800x32xf32>
    %mul3A_609 = arith.mulf %mul3A_608, %add3A_43 : vector<800x32xf32>
    %slice3A_610 = vector.extract_strided_slice %get3A_1 {offsets = [0, 78], sizes = [800, 1], strides = [1, 1]} : vector<800x224xf32> to vector<800x1xf32>
    %mul3A_611 = vector.broadcast %slice3A_610 : vector<800x1xf32> to vector<800x32xf32>
    %mul3A_612 = arith.mulf %mul3A_611, %add3A_82 : vector<800x32xf32>
    %add3A_613 = arith.addf %mul3A_609, %mul3A_612 : vector<800x32xf32>
    %slice3A_614 = vector.extract_strided_slice %get3A_1 {offsets = [0, 79], sizes = [800, 1], strides = [1, 1]} : vector<800x224xf32> to vector<800x1xf32>
    %mul3A_615 = vector.broadcast %slice3A_614 : vector<800x1xf32> to vector<800x32xf32>
    %mul3A_616 = arith.mulf %mul3A_615, %add3A_121 : vector<800x32xf32>
    %add3A_617 = arith.addf %add3A_613, %mul3A_616 : vector<800x32xf32>
    %slice3A_618 = vector.extract_strided_slice %get3A_1 {offsets = [0, 80], sizes = [800, 1], strides = [1, 1]} : vector<800x224xf32> to vector<800x1xf32>
    %mul3A_619 = vector.broadcast %slice3A_618 : vector<800x1xf32> to vector<800x32xf32>
    %mul3A_620 = arith.mulf %mul3A_619, %add3A_160 : vector<800x32xf32>
    %add3A_621 = arith.addf %add3A_617, %mul3A_620 : vector<800x32xf32>
    %slice3A_622 = vector.extract_strided_slice %get3A_1 {offsets = [0, 81], sizes = [800, 1], strides = [1, 1]} : vector<800x224xf32> to vector<800x1xf32>
    %mul3A_623 = vector.broadcast %slice3A_622 : vector<800x1xf32> to vector<800x32xf32>
    %mul3A_624 = arith.mulf %mul3A_623, %add3A_199 : vector<800x32xf32>
    %add3A_625 = arith.addf %add3A_621, %mul3A_624 : vector<800x32xf32>
    %slice3A_626 = vector.extract_strided_slice %get3A_1 {offsets = [0, 82], sizes = [800, 1], strides = [1, 1]} : vector<800x224xf32> to vector<800x1xf32>
    %mul3A_627 = vector.broadcast %slice3A_626 : vector<800x1xf32> to vector<800x32xf32>
    %mul3A_628 = arith.mulf %mul3A_627, %add3A_238 : vector<800x32xf32>
    %add3A_629 = arith.addf %add3A_625, %mul3A_628 : vector<800x32xf32>
    %slice3A_630 = vector.extract_strided_slice %get3A_1 {offsets = [0, 83], sizes = [800, 1], strides = [1, 1]} : vector<800x224xf32> to vector<800x1xf32>
    %mul3A_631 = vector.broadcast %slice3A_630 : vector<800x1xf32> to vector<800x32xf32>
    %mul3A_632 = arith.mulf %mul3A_631, %add3A_277 : vector<800x32xf32>
    %add3A_633 = arith.addf %add3A_629, %mul3A_632 : vector<800x32xf32>
    %swap3A_634 = arith.constant 0 : index
    %swap3A_635 = arith.constant 352 : index
    %swap3A_636 = vector.load %arg6[%swap3A_634, %swap3A_635] : memref<800x1024xf32, #tpu.memory_space<vmem>>, vector<800x32xf32>
    tpu.vector_store %arg6[%swap3A_634, %swap3A_635], %add3A_633 {strides = array<i32>} : memref<800x1024xf32, #tpu.memory_space<vmem>>, vector<800x32xf32>,
    %slice3A_637 = vector.extract_strided_slice %get3A_1 {offsets = [0, 84], sizes = [800, 1], strides = [1, 1]} : vector<800x224xf32> to vector<800x1xf32>
    %mul3A_638 = vector.broadcast %slice3A_637 : vector<800x1xf32> to vector<800x32xf32>
    %mul3A_639 = arith.mulf %mul3A_638, %add3A_43 : vector<800x32xf32>
    %slice3A_640 = vector.extract_strided_slice %get3A_1 {offsets = [0, 85], sizes = [800, 1], strides = [1, 1]} : vector<800x224xf32> to vector<800x1xf32>
    %mul3A_641 = vector.broadcast %slice3A_640 : vector<800x1xf32> to vector<800x32xf32>
    %mul3A_642 = arith.mulf %mul3A_641, %add3A_82 : vector<800x32xf32>
    %add3A_643 = arith.addf %mul3A_639, %mul3A_642 : vector<800x32xf32>
    %slice3A_644 = vector.extract_strided_slice %get3A_1 {offsets = [0, 86], sizes = [800, 1], strides = [1, 1]} : vector<800x224xf32> to vector<800x1xf32>
    %mul3A_645 = vector.broadcast %slice3A_644 : vector<800x1xf32> to vector<800x32xf32>
    %mul3A_646 = arith.mulf %mul3A_645, %add3A_121 : vector<800x32xf32>
    %add3A_647 = arith.addf %add3A_643, %mul3A_646 : vector<800x32xf32>
    %slice3A_648 = vector.extract_strided_slice %get3A_1 {offsets = [0, 87], sizes = [800, 1], strides = [1, 1]} : vector<800x224xf32> to vector<800x1xf32>
    %mul3A_649 = vector.broadcast %slice3A_648 : vector<800x1xf32> to vector<800x32xf32>
    %mul3A_650 = arith.mulf %mul3A_649, %add3A_160 : vector<800x32xf32>
    %add3A_651 = arith.addf %add3A_647, %mul3A_650 : vector<800x32xf32>
    %slice3A_652 = vector.extract_strided_slice %get3A_1 {offsets = [0, 88], sizes = [800, 1], strides = [1, 1]} : vector<800x224xf32> to vector<800x1xf32>
    %mul3A_653 = vector.broadcast %slice3A_652 : vector<800x1xf32> to vector<800x32xf32>
    %mul3A_654 = arith.mulf %mul3A_653, %add3A_199 : vector<800x32xf32>
    %add3A_655 = arith.addf %add3A_651, %mul3A_654 : vector<800x32xf32>
    %slice3A_656 = vector.extract_strided_slice %get3A_1 {offsets = [0, 89], sizes = [800, 1], strides = [1, 1]} : vector<800x224xf32> to vector<800x1xf32>
    %mul3A_657 = vector.broadcast %slice3A_656 : vector<800x1xf32> to vector<800x32xf32>
    %mul3A_658 = arith.mulf %mul3A_657, %add3A_238 : vector<800x32xf32>
    %add3A_659 = arith.addf %add3A_655, %mul3A_658 : vector<800x32xf32>
    %slice3A_660 = vector.extract_strided_slice %get3A_1 {offsets = [0, 90], sizes = [800, 1], strides = [1, 1]} : vector<800x224xf32> to vector<800x1xf32>
    %mul3A_661 = vector.broadcast %slice3A_660 : vector<800x1xf32> to vector<800x32xf32>
    %mul3A_662 = arith.mulf %mul3A_661, %add3A_277 : vector<800x32xf32>
    %add3A_663 = arith.addf %add3A_659, %mul3A_662 : vector<800x32xf32>
    %swap3A_664 = arith.constant 0 : index
    %swap3A_665 = arith.constant 384 : index
    %swap3A_666 = vector.load %arg6[%swap3A_664, %swap3A_665] : memref<800x1024xf32, #tpu.memory_space<vmem>>, vector<800x32xf32>
    tpu.vector_store %arg6[%swap3A_664, %swap3A_665], %add3A_663 {strides = array<i32>} : memref<800x1024xf32, #tpu.memory_space<vmem>>, vector<800x32xf32>,
    %slice3A_667 = vector.extract_strided_slice %get3A_1 {offsets = [0, 91], sizes = [800, 1], strides = [1, 1]} : vector<800x224xf32> to vector<800x1xf32>
    %mul3A_668 = vector.broadcast %slice3A_667 : vector<800x1xf32> to vector<800x32xf32>
    %mul3A_669 = arith.mulf %mul3A_668, %add3A_43 : vector<800x32xf32>
    %slice3A_670 = vector.extract_strided_slice %get3A_1 {offsets = [0, 92], sizes = [800, 1], strides = [1, 1]} : vector<800x224xf32> to vector<800x1xf32>
    %mul3A_671 = vector.broadcast %slice3A_670 : vector<800x1xf32> to vector<800x32xf32>
    %mul3A_672 = arith.mulf %mul3A_671, %add3A_82 : vector<800x32xf32>
    %add3A_673 = arith.addf %mul3A_669, %mul3A_672 : vector<800x32xf32>
    %slice3A_674 = vector.extract_strided_slice %get3A_1 {offsets = [0, 93], sizes = [800, 1], strides = [1, 1]} : vector<800x224xf32> to vector<800x1xf32>
    %mul3A_675 = vector.broadcast %slice3A_674 : vector<800x1xf32> to vector<800x32xf32>
    %mul3A_676 = arith.mulf %mul3A_675, %add3A_121 : vector<800x32xf32>
    %add3A_677 = arith.addf %add3A_673, %mul3A_676 : vector<800x32xf32>
    %slice3A_678 = vector.extract_strided_slice %get3A_1 {offsets = [0, 94], sizes = [800, 1], strides = [1, 1]} : vector<800x224xf32> to vector<800x1xf32>
    %mul3A_679 = vector.broadcast %slice3A_678 : vector<800x1xf32> to vector<800x32xf32>
    %mul3A_680 = arith.mulf %mul3A_679, %add3A_160 : vector<800x32xf32>
    %add3A_681 = arith.addf %add3A_677, %mul3A_680 : vector<800x32xf32>
    %slice3A_682 = vector.extract_strided_slice %get3A_1 {offsets = [0, 95], sizes = [800, 1], strides = [1, 1]} : vector<800x224xf32> to vector<800x1xf32>
    %mul3A_683 = vector.broadcast %slice3A_682 : vector<800x1xf32> to vector<800x32xf32>
    %mul3A_684 = arith.mulf %mul3A_683, %add3A_199 : vector<800x32xf32>
    %add3A_685 = arith.addf %add3A_681, %mul3A_684 : vector<800x32xf32>
    %slice3A_686 = vector.extract_strided_slice %get3A_1 {offsets = [0, 96], sizes = [800, 1], strides = [1, 1]} : vector<800x224xf32> to vector<800x1xf32>
    %mul3A_687 = vector.broadcast %slice3A_686 : vector<800x1xf32> to vector<800x32xf32>
    %mul3A_688 = arith.mulf %mul3A_687, %add3A_238 : vector<800x32xf32>
    %add3A_689 = arith.addf %add3A_685, %mul3A_688 : vector<800x32xf32>
    %slice3A_690 = vector.extract_strided_slice %get3A_1 {offsets = [0, 97], sizes = [800, 1], strides = [1, 1]} : vector<800x224xf32> to vector<800x1xf32>
    %mul3A_691 = vector.broadcast %slice3A_690 : vector<800x1xf32> to vector<800x32xf32>
    %mul3A_692 = arith.mulf %mul3A_691, %add3A_277 : vector<800x32xf32>
    %add3A_693 = arith.addf %add3A_689, %mul3A_692 : vector<800x32xf32>
    %swap3A_694 = arith.constant 0 : index
    %swap3A_695 = arith.constant 416 : index
    %swap3A_696 = vector.load %arg6[%swap3A_694, %swap3A_695] : memref<800x1024xf32, #tpu.memory_space<vmem>>, vector<800x32xf32>
    tpu.vector_store %arg6[%swap3A_694, %swap3A_695], %add3A_693 {strides = array<i32>} : memref<800x1024xf32, #tpu.memory_space<vmem>>, vector<800x32xf32>,
    %slice3A_697 = vector.extract_strided_slice %get3A_1 {offsets = [0, 98], sizes = [800, 1], strides = [1, 1]} : vector<800x224xf32> to vector<800x1xf32>
    %mul3A_698 = vector.broadcast %slice3A_697 : vector<800x1xf32> to vector<800x32xf32>
    %mul3A_699 = arith.mulf %mul3A_698, %add3A_43 : vector<800x32xf32>
    %slice3A_700 = vector.extract_strided_slice %get3A_1 {offsets = [0, 99], sizes = [800, 1], strides = [1, 1]} : vector<800x224xf32> to vector<800x1xf32>
    %mul3A_701 = vector.broadcast %slice3A_700 : vector<800x1xf32> to vector<800x32xf32>
    %mul3A_702 = arith.mulf %mul3A_701, %add3A_82 : vector<800x32xf32>
    %add3A_703 = arith.addf %mul3A_699, %mul3A_702 : vector<800x32xf32>
    %slice3A_704 = vector.extract_strided_slice %get3A_1 {offsets = [0, 100], sizes = [800, 1], strides = [1, 1]} : vector<800x224xf32> to vector<800x1xf32>
    %mul3A_705 = vector.broadcast %slice3A_704 : vector<800x1xf32> to vector<800x32xf32>
    %mul3A_706 = arith.mulf %mul3A_705, %add3A_121 : vector<800x32xf32>
    %add3A_707 = arith.addf %add3A_703, %mul3A_706 : vector<800x32xf32>
    %slice3A_708 = vector.extract_strided_slice %get3A_1 {offsets = [0, 101], sizes = [800, 1], strides = [1, 1]} : vector<800x224xf32> to vector<800x1xf32>
    %mul3A_709 = vector.broadcast %slice3A_708 : vector<800x1xf32> to vector<800x32xf32>
    %mul3A_710 = arith.mulf %mul3A_709, %add3A_160 : vector<800x32xf32>
    %add3A_711 = arith.addf %add3A_707, %mul3A_710 : vector<800x32xf32>
    %slice3A_712 = vector.extract_strided_slice %get3A_1 {offsets = [0, 102], sizes = [800, 1], strides = [1, 1]} : vector<800x224xf32> to vector<800x1xf32>
    %mul3A_713 = vector.broadcast %slice3A_712 : vector<800x1xf32> to vector<800x32xf32>
    %mul3A_714 = arith.mulf %mul3A_713, %add3A_199 : vector<800x32xf32>
    %add3A_715 = arith.addf %add3A_711, %mul3A_714 : vector<800x32xf32>
    %slice3A_716 = vector.extract_strided_slice %get3A_1 {offsets = [0, 103], sizes = [800, 1], strides = [1, 1]} : vector<800x224xf32> to vector<800x1xf32>
    %mul3A_717 = vector.broadcast %slice3A_716 : vector<800x1xf32> to vector<800x32xf32>
    %mul3A_718 = arith.mulf %mul3A_717, %add3A_238 : vector<800x32xf32>
    %add3A_719 = arith.addf %add3A_715, %mul3A_718 : vector<800x32xf32>
    %slice3A_720 = vector.extract_strided_slice %get3A_1 {offsets = [0, 104], sizes = [800, 1], strides = [1, 1]} : vector<800x224xf32> to vector<800x1xf32>
    %mul3A_721 = vector.broadcast %slice3A_720 : vector<800x1xf32> to vector<800x32xf32>
    %mul3A_722 = arith.mulf %mul3A_721, %add3A_277 : vector<800x32xf32>
    %add3A_723 = arith.addf %add3A_719, %mul3A_722 : vector<800x32xf32>
    %swap3A_724 = arith.constant 0 : index
    %swap3A_725 = arith.constant 448 : index
    %swap3A_726 = vector.load %arg6[%swap3A_724, %swap3A_725] : memref<800x1024xf32, #tpu.memory_space<vmem>>, vector<800x32xf32>
    tpu.vector_store %arg6[%swap3A_724, %swap3A_725], %add3A_723 {strides = array<i32>} : memref<800x1024xf32, #tpu.memory_space<vmem>>, vector<800x32xf32>,
    %slice3A_727 = vector.extract_strided_slice %get3A_1 {offsets = [0, 105], sizes = [800, 1], strides = [1, 1]} : vector<800x224xf32> to vector<800x1xf32>
    %mul3A_728 = vector.broadcast %slice3A_727 : vector<800x1xf32> to vector<800x32xf32>
    %mul3A_729 = arith.mulf %mul3A_728, %add3A_43 : vector<800x32xf32>
    %slice3A_730 = vector.extract_strided_slice %get3A_1 {offsets = [0, 106], sizes = [800, 1], strides = [1, 1]} : vector<800x224xf32> to vector<800x1xf32>
    %mul3A_731 = vector.broadcast %slice3A_730 : vector<800x1xf32> to vector<800x32xf32>
    %mul3A_732 = arith.mulf %mul3A_731, %add3A_82 : vector<800x32xf32>
    %add3A_733 = arith.addf %mul3A_729, %mul3A_732 : vector<800x32xf32>
    %slice3A_734 = vector.extract_strided_slice %get3A_1 {offsets = [0, 107], sizes = [800, 1], strides = [1, 1]} : vector<800x224xf32> to vector<800x1xf32>
    %mul3A_735 = vector.broadcast %slice3A_734 : vector<800x1xf32> to vector<800x32xf32>
    %mul3A_736 = arith.mulf %mul3A_735, %add3A_121 : vector<800x32xf32>
    %add3A_737 = arith.addf %add3A_733, %mul3A_736 : vector<800x32xf32>
    %slice3A_738 = vector.extract_strided_slice %get3A_1 {offsets = [0, 108], sizes = [800, 1], strides = [1, 1]} : vector<800x224xf32> to vector<800x1xf32>
    %mul3A_739 = vector.broadcast %slice3A_738 : vector<800x1xf32> to vector<800x32xf32>
    %mul3A_740 = arith.mulf %mul3A_739, %add3A_160 : vector<800x32xf32>
    %add3A_741 = arith.addf %add3A_737, %mul3A_740 : vector<800x32xf32>
    %slice3A_742 = vector.extract_strided_slice %get3A_1 {offsets = [0, 109], sizes = [800, 1], strides = [1, 1]} : vector<800x224xf32> to vector<800x1xf32>
    %mul3A_743 = vector.broadcast %slice3A_742 : vector<800x1xf32> to vector<800x32xf32>
    %mul3A_744 = arith.mulf %mul3A_743, %add3A_199 : vector<800x32xf32>
    %add3A_745 = arith.addf %add3A_741, %mul3A_744 : vector<800x32xf32>
    %slice3A_746 = vector.extract_strided_slice %get3A_1 {offsets = [0, 110], sizes = [800, 1], strides = [1, 1]} : vector<800x224xf32> to vector<800x1xf32>
    %mul3A_747 = vector.broadcast %slice3A_746 : vector<800x1xf32> to vector<800x32xf32>
    %mul3A_748 = arith.mulf %mul3A_747, %add3A_238 : vector<800x32xf32>
    %add3A_749 = arith.addf %add3A_745, %mul3A_748 : vector<800x32xf32>
    %slice3A_750 = vector.extract_strided_slice %get3A_1 {offsets = [0, 111], sizes = [800, 1], strides = [1, 1]} : vector<800x224xf32> to vector<800x1xf32>
    %mul3A_751 = vector.broadcast %slice3A_750 : vector<800x1xf32> to vector<800x32xf32>
    %mul3A_752 = arith.mulf %mul3A_751, %add3A_277 : vector<800x32xf32>
    %add3A_753 = arith.addf %add3A_749, %mul3A_752 : vector<800x32xf32>
    %swap3A_754 = arith.constant 0 : index
    %swap3A_755 = arith.constant 480 : index
    %swap3A_756 = vector.load %arg6[%swap3A_754, %swap3A_755] : memref<800x1024xf32, #tpu.memory_space<vmem>>, vector<800x32xf32>
    tpu.vector_store %arg6[%swap3A_754, %swap3A_755], %add3A_753 {strides = array<i32>} : memref<800x1024xf32, #tpu.memory_space<vmem>>, vector<800x32xf32>,
    %slice3A_757 = vector.extract_strided_slice %get3A_1 {offsets = [0, 112], sizes = [800, 1], strides = [1, 1]} : vector<800x224xf32> to vector<800x1xf32>
    %mul3A_758 = vector.broadcast %slice3A_757 : vector<800x1xf32> to vector<800x32xf32>
    %mul3A_759 = arith.mulf %mul3A_758, %add3A_43 : vector<800x32xf32>
    %slice3A_760 = vector.extract_strided_slice %get3A_1 {offsets = [0, 113], sizes = [800, 1], strides = [1, 1]} : vector<800x224xf32> to vector<800x1xf32>
    %mul3A_761 = vector.broadcast %slice3A_760 : vector<800x1xf32> to vector<800x32xf32>
    %mul3A_762 = arith.mulf %mul3A_761, %add3A_82 : vector<800x32xf32>
    %add3A_763 = arith.addf %mul3A_759, %mul3A_762 : vector<800x32xf32>
    %slice3A_764 = vector.extract_strided_slice %get3A_1 {offsets = [0, 114], sizes = [800, 1], strides = [1, 1]} : vector<800x224xf32> to vector<800x1xf32>
    %mul3A_765 = vector.broadcast %slice3A_764 : vector<800x1xf32> to vector<800x32xf32>
    %mul3A_766 = arith.mulf %mul3A_765, %add3A_121 : vector<800x32xf32>
    %add3A_767 = arith.addf %add3A_763, %mul3A_766 : vector<800x32xf32>
    %slice3A_768 = vector.extract_strided_slice %get3A_1 {offsets = [0, 115], sizes = [800, 1], strides = [1, 1]} : vector<800x224xf32> to vector<800x1xf32>
    %mul3A_769 = vector.broadcast %slice3A_768 : vector<800x1xf32> to vector<800x32xf32>
    %mul3A_770 = arith.mulf %mul3A_769, %add3A_160 : vector<800x32xf32>
    %add3A_771 = arith.addf %add3A_767, %mul3A_770 : vector<800x32xf32>
    %slice3A_772 = vector.extract_strided_slice %get3A_1 {offsets = [0, 116], sizes = [800, 1], strides = [1, 1]} : vector<800x224xf32> to vector<800x1xf32>
    %mul3A_773 = vector.broadcast %slice3A_772 : vector<800x1xf32> to vector<800x32xf32>
    %mul3A_774 = arith.mulf %mul3A_773, %add3A_199 : vector<800x32xf32>
    %add3A_775 = arith.addf %add3A_771, %mul3A_774 : vector<800x32xf32>
    %slice3A_776 = vector.extract_strided_slice %get3A_1 {offsets = [0, 117], sizes = [800, 1], strides = [1, 1]} : vector<800x224xf32> to vector<800x1xf32>
    %mul3A_777 = vector.broadcast %slice3A_776 : vector<800x1xf32> to vector<800x32xf32>
    %mul3A_778 = arith.mulf %mul3A_777, %add3A_238 : vector<800x32xf32>
    %add3A_779 = arith.addf %add3A_775, %mul3A_778 : vector<800x32xf32>
    %slice3A_780 = vector.extract_strided_slice %get3A_1 {offsets = [0, 118], sizes = [800, 1], strides = [1, 1]} : vector<800x224xf32> to vector<800x1xf32>
    %mul3A_781 = vector.broadcast %slice3A_780 : vector<800x1xf32> to vector<800x32xf32>
    %mul3A_782 = arith.mulf %mul3A_781, %add3A_277 : vector<800x32xf32>
    %add3A_783 = arith.addf %add3A_779, %mul3A_782 : vector<800x32xf32>
    %swap3A_784 = arith.constant 0 : index
    %swap3A_785 = arith.constant 512 : index
    %swap3A_786 = vector.load %arg6[%swap3A_784, %swap3A_785] : memref<800x1024xf32, #tpu.memory_space<vmem>>, vector<800x32xf32>
    tpu.vector_store %arg6[%swap3A_784, %swap3A_785], %add3A_783 {strides = array<i32>} : memref<800x1024xf32, #tpu.memory_space<vmem>>, vector<800x32xf32>,
    %slice3A_787 = vector.extract_strided_slice %get3A_1 {offsets = [0, 119], sizes = [800, 1], strides = [1, 1]} : vector<800x224xf32> to vector<800x1xf32>
    %mul3A_788 = vector.broadcast %slice3A_787 : vector<800x1xf32> to vector<800x32xf32>
    %mul3A_789 = arith.mulf %mul3A_788, %add3A_43 : vector<800x32xf32>
    %slice3A_790 = vector.extract_strided_slice %get3A_1 {offsets = [0, 120], sizes = [800, 1], strides = [1, 1]} : vector<800x224xf32> to vector<800x1xf32>
    %mul3A_791 = vector.broadcast %slice3A_790 : vector<800x1xf32> to vector<800x32xf32>
    %mul3A_792 = arith.mulf %mul3A_791, %add3A_82 : vector<800x32xf32>
    %add3A_793 = arith.addf %mul3A_789, %mul3A_792 : vector<800x32xf32>
    %slice3A_794 = vector.extract_strided_slice %get3A_1 {offsets = [0, 121], sizes = [800, 1], strides = [1, 1]} : vector<800x224xf32> to vector<800x1xf32>
    %mul3A_795 = vector.broadcast %slice3A_794 : vector<800x1xf32> to vector<800x32xf32>
    %mul3A_796 = arith.mulf %mul3A_795, %add3A_121 : vector<800x32xf32>
    %add3A_797 = arith.addf %add3A_793, %mul3A_796 : vector<800x32xf32>
    %slice3A_798 = vector.extract_strided_slice %get3A_1 {offsets = [0, 122], sizes = [800, 1], strides = [1, 1]} : vector<800x224xf32> to vector<800x1xf32>
    %mul3A_799 = vector.broadcast %slice3A_798 : vector<800x1xf32> to vector<800x32xf32>
    %mul3A_800 = arith.mulf %mul3A_799, %add3A_160 : vector<800x32xf32>
    %add3A_801 = arith.addf %add3A_797, %mul3A_800 : vector<800x32xf32>
    %slice3A_802 = vector.extract_strided_slice %get3A_1 {offsets = [0, 123], sizes = [800, 1], strides = [1, 1]} : vector<800x224xf32> to vector<800x1xf32>
    %mul3A_803 = vector.broadcast %slice3A_802 : vector<800x1xf32> to vector<800x32xf32>
    %mul3A_804 = arith.mulf %mul3A_803, %add3A_199 : vector<800x32xf32>
    %add3A_805 = arith.addf %add3A_801, %mul3A_804 : vector<800x32xf32>
    %slice3A_806 = vector.extract_strided_slice %get3A_1 {offsets = [0, 124], sizes = [800, 1], strides = [1, 1]} : vector<800x224xf32> to vector<800x1xf32>
    %mul3A_807 = vector.broadcast %slice3A_806 : vector<800x1xf32> to vector<800x32xf32>
    %mul3A_808 = arith.mulf %mul3A_807, %add3A_238 : vector<800x32xf32>
    %add3A_809 = arith.addf %add3A_805, %mul3A_808 : vector<800x32xf32>
    %slice3A_810 = vector.extract_strided_slice %get3A_1 {offsets = [0, 125], sizes = [800, 1], strides = [1, 1]} : vector<800x224xf32> to vector<800x1xf32>
    %mul3A_811 = vector.broadcast %slice3A_810 : vector<800x1xf32> to vector<800x32xf32>
    %mul3A_812 = arith.mulf %mul3A_811, %add3A_277 : vector<800x32xf32>
    %add3A_813 = arith.addf %add3A_809, %mul3A_812 : vector<800x32xf32>
    %swap3A_814 = arith.constant 0 : index
    %swap3A_815 = arith.constant 544 : index
    %swap3A_816 = vector.load %arg6[%swap3A_814, %swap3A_815] : memref<800x1024xf32, #tpu.memory_space<vmem>>, vector<800x32xf32>
    tpu.vector_store %arg6[%swap3A_814, %swap3A_815], %add3A_813 {strides = array<i32>} : memref<800x1024xf32, #tpu.memory_space<vmem>>, vector<800x32xf32>,
    %slice3A_817 = vector.extract_strided_slice %get3A_1 {offsets = [0, 126], sizes = [800, 1], strides = [1, 1]} : vector<800x224xf32> to vector<800x1xf32>
    %mul3A_818 = vector.broadcast %slice3A_817 : vector<800x1xf32> to vector<800x32xf32>
    %mul3A_819 = arith.mulf %mul3A_818, %add3A_43 : vector<800x32xf32>
    %slice3A_820 = vector.extract_strided_slice %get3A_1 {offsets = [0, 127], sizes = [800, 1], strides = [1, 1]} : vector<800x224xf32> to vector<800x1xf32>
    %mul3A_821 = vector.broadcast %slice3A_820 : vector<800x1xf32> to vector<800x32xf32>
    %mul3A_822 = arith.mulf %mul3A_821, %add3A_82 : vector<800x32xf32>
    %add3A_823 = arith.addf %mul3A_819, %mul3A_822 : vector<800x32xf32>
    %slice3A_824 = vector.extract_strided_slice %get3A_1 {offsets = [0, 128], sizes = [800, 1], strides = [1, 1]} : vector<800x224xf32> to vector<800x1xf32>
    %mul3A_825 = vector.broadcast %slice3A_824 : vector<800x1xf32> to vector<800x32xf32>
    %mul3A_826 = arith.mulf %mul3A_825, %add3A_121 : vector<800x32xf32>
    %add3A_827 = arith.addf %add3A_823, %mul3A_826 : vector<800x32xf32>
    %slice3A_828 = vector.extract_strided_slice %get3A_1 {offsets = [0, 129], sizes = [800, 1], strides = [1, 1]} : vector<800x224xf32> to vector<800x1xf32>
    %mul3A_829 = vector.broadcast %slice3A_828 : vector<800x1xf32> to vector<800x32xf32>
    %mul3A_830 = arith.mulf %mul3A_829, %add3A_160 : vector<800x32xf32>
    %add3A_831 = arith.addf %add3A_827, %mul3A_830 : vector<800x32xf32>
    %slice3A_832 = vector.extract_strided_slice %get3A_1 {offsets = [0, 130], sizes = [800, 1], strides = [1, 1]} : vector<800x224xf32> to vector<800x1xf32>
    %mul3A_833 = vector.broadcast %slice3A_832 : vector<800x1xf32> to vector<800x32xf32>
    %mul3A_834 = arith.mulf %mul3A_833, %add3A_199 : vector<800x32xf32>
    %add3A_835 = arith.addf %add3A_831, %mul3A_834 : vector<800x32xf32>
    %slice3A_836 = vector.extract_strided_slice %get3A_1 {offsets = [0, 131], sizes = [800, 1], strides = [1, 1]} : vector<800x224xf32> to vector<800x1xf32>
    %mul3A_837 = vector.broadcast %slice3A_836 : vector<800x1xf32> to vector<800x32xf32>
    %mul3A_838 = arith.mulf %mul3A_837, %add3A_238 : vector<800x32xf32>
    %add3A_839 = arith.addf %add3A_835, %mul3A_838 : vector<800x32xf32>
    %slice3A_840 = vector.extract_strided_slice %get3A_1 {offsets = [0, 132], sizes = [800, 1], strides = [1, 1]} : vector<800x224xf32> to vector<800x1xf32>
    %mul3A_841 = vector.broadcast %slice3A_840 : vector<800x1xf32> to vector<800x32xf32>
    %mul3A_842 = arith.mulf %mul3A_841, %add3A_277 : vector<800x32xf32>
    %add3A_843 = arith.addf %add3A_839, %mul3A_842 : vector<800x32xf32>
    %swap3A_844 = arith.constant 0 : index
    %swap3A_845 = arith.constant 576 : index
    %swap3A_846 = vector.load %arg6[%swap3A_844, %swap3A_845] : memref<800x1024xf32, #tpu.memory_space<vmem>>, vector<800x32xf32>
    tpu.vector_store %arg6[%swap3A_844, %swap3A_845], %add3A_843 {strides = array<i32>} : memref<800x1024xf32, #tpu.memory_space<vmem>>, vector<800x32xf32>,
    %slice3A_847 = vector.extract_strided_slice %get3A_1 {offsets = [0, 133], sizes = [800, 1], strides = [1, 1]} : vector<800x224xf32> to vector<800x1xf32>
    %mul3A_848 = vector.broadcast %slice3A_847 : vector<800x1xf32> to vector<800x32xf32>
    %mul3A_849 = arith.mulf %mul3A_848, %add3A_43 : vector<800x32xf32>
    %slice3A_850 = vector.extract_strided_slice %get3A_1 {offsets = [0, 134], sizes = [800, 1], strides = [1, 1]} : vector<800x224xf32> to vector<800x1xf32>
    %mul3A_851 = vector.broadcast %slice3A_850 : vector<800x1xf32> to vector<800x32xf32>
    %mul3A_852 = arith.mulf %mul3A_851, %add3A_82 : vector<800x32xf32>
    %add3A_853 = arith.addf %mul3A_849, %mul3A_852 : vector<800x32xf32>
    %slice3A_854 = vector.extract_strided_slice %get3A_1 {offsets = [0, 135], sizes = [800, 1], strides = [1, 1]} : vector<800x224xf32> to vector<800x1xf32>
    %mul3A_855 = vector.broadcast %slice3A_854 : vector<800x1xf32> to vector<800x32xf32>
    %mul3A_856 = arith.mulf %mul3A_855, %add3A_121 : vector<800x32xf32>
    %add3A_857 = arith.addf %add3A_853, %mul3A_856 : vector<800x32xf32>
    %slice3A_858 = vector.extract_strided_slice %get3A_1 {offsets = [0, 136], sizes = [800, 1], strides = [1, 1]} : vector<800x224xf32> to vector<800x1xf32>
    %mul3A_859 = vector.broadcast %slice3A_858 : vector<800x1xf32> to vector<800x32xf32>
    %mul3A_860 = arith.mulf %mul3A_859, %add3A_160 : vector<800x32xf32>
    %add3A_861 = arith.addf %add3A_857, %mul3A_860 : vector<800x32xf32>
    %slice3A_862 = vector.extract_strided_slice %get3A_1 {offsets = [0, 137], sizes = [800, 1], strides = [1, 1]} : vector<800x224xf32> to vector<800x1xf32>
    %mul3A_863 = vector.broadcast %slice3A_862 : vector<800x1xf32> to vector<800x32xf32>
    %mul3A_864 = arith.mulf %mul3A_863, %add3A_199 : vector<800x32xf32>
    %add3A_865 = arith.addf %add3A_861, %mul3A_864 : vector<800x32xf32>
    %slice3A_866 = vector.extract_strided_slice %get3A_1 {offsets = [0, 138], sizes = [800, 1], strides = [1, 1]} : vector<800x224xf32> to vector<800x1xf32>
    %mul3A_867 = vector.broadcast %slice3A_866 : vector<800x1xf32> to vector<800x32xf32>
    %mul3A_868 = arith.mulf %mul3A_867, %add3A_238 : vector<800x32xf32>
    %add3A_869 = arith.addf %add3A_865, %mul3A_868 : vector<800x32xf32>
    %slice3A_870 = vector.extract_strided_slice %get3A_1 {offsets = [0, 139], sizes = [800, 1], strides = [1, 1]} : vector<800x224xf32> to vector<800x1xf32>
    %mul3A_871 = vector.broadcast %slice3A_870 : vector<800x1xf32> to vector<800x32xf32>
    %mul3A_872 = arith.mulf %mul3A_871, %add3A_277 : vector<800x32xf32>
    %add3A_873 = arith.addf %add3A_869, %mul3A_872 : vector<800x32xf32>
    %swap3A_874 = arith.constant 0 : index
    %swap3A_875 = arith.constant 608 : index
    %swap3A_876 = vector.load %arg6[%swap3A_874, %swap3A_875] : memref<800x1024xf32, #tpu.memory_space<vmem>>, vector<800x32xf32>
    tpu.vector_store %arg6[%swap3A_874, %swap3A_875], %add3A_873 {strides = array<i32>} : memref<800x1024xf32, #tpu.memory_space<vmem>>, vector<800x32xf32>,
    %slice3A_877 = vector.extract_strided_slice %get3A_1 {offsets = [0, 140], sizes = [800, 1], strides = [1, 1]} : vector<800x224xf32> to vector<800x1xf32>
    %mul3A_878 = vector.broadcast %slice3A_877 : vector<800x1xf32> to vector<800x32xf32>
    %mul3A_879 = arith.mulf %mul3A_878, %add3A_43 : vector<800x32xf32>
    %slice3A_880 = vector.extract_strided_slice %get3A_1 {offsets = [0, 141], sizes = [800, 1], strides = [1, 1]} : vector<800x224xf32> to vector<800x1xf32>
    %mul3A_881 = vector.broadcast %slice3A_880 : vector<800x1xf32> to vector<800x32xf32>
    %mul3A_882 = arith.mulf %mul3A_881, %add3A_82 : vector<800x32xf32>
    %add3A_883 = arith.addf %mul3A_879, %mul3A_882 : vector<800x32xf32>
    %slice3A_884 = vector.extract_strided_slice %get3A_1 {offsets = [0, 142], sizes = [800, 1], strides = [1, 1]} : vector<800x224xf32> to vector<800x1xf32>
    %mul3A_885 = vector.broadcast %slice3A_884 : vector<800x1xf32> to vector<800x32xf32>
    %mul3A_886 = arith.mulf %mul3A_885, %add3A_121 : vector<800x32xf32>
    %add3A_887 = arith.addf %add3A_883, %mul3A_886 : vector<800x32xf32>
    %slice3A_888 = vector.extract_strided_slice %get3A_1 {offsets = [0, 143], sizes = [800, 1], strides = [1, 1]} : vector<800x224xf32> to vector<800x1xf32>
    %mul3A_889 = vector.broadcast %slice3A_888 : vector<800x1xf32> to vector<800x32xf32>
    %mul3A_890 = arith.mulf %mul3A_889, %add3A_160 : vector<800x32xf32>
    %add3A_891 = arith.addf %add3A_887, %mul3A_890 : vector<800x32xf32>
    %slice3A_892 = vector.extract_strided_slice %get3A_1 {offsets = [0, 144], sizes = [800, 1], strides = [1, 1]} : vector<800x224xf32> to vector<800x1xf32>
    %mul3A_893 = vector.broadcast %slice3A_892 : vector<800x1xf32> to vector<800x32xf32>
    %mul3A_894 = arith.mulf %mul3A_893, %add3A_199 : vector<800x32xf32>
    %add3A_895 = arith.addf %add3A_891, %mul3A_894 : vector<800x32xf32>
    %slice3A_896 = vector.extract_strided_slice %get3A_1 {offsets = [0, 145], sizes = [800, 1], strides = [1, 1]} : vector<800x224xf32> to vector<800x1xf32>
    %mul3A_897 = vector.broadcast %slice3A_896 : vector<800x1xf32> to vector<800x32xf32>
    %mul3A_898 = arith.mulf %mul3A_897, %add3A_238 : vector<800x32xf32>
    %add3A_899 = arith.addf %add3A_895, %mul3A_898 : vector<800x32xf32>
    %slice3A_900 = vector.extract_strided_slice %get3A_1 {offsets = [0, 146], sizes = [800, 1], strides = [1, 1]} : vector<800x224xf32> to vector<800x1xf32>
    %mul3A_901 = vector.broadcast %slice3A_900 : vector<800x1xf32> to vector<800x32xf32>
    %mul3A_902 = arith.mulf %mul3A_901, %add3A_277 : vector<800x32xf32>
    %add3A_903 = arith.addf %add3A_899, %mul3A_902 : vector<800x32xf32>
    %swap3A_904 = arith.constant 0 : index
    %swap3A_905 = arith.constant 640 : index
    %swap3A_906 = vector.load %arg6[%swap3A_904, %swap3A_905] : memref<800x1024xf32, #tpu.memory_space<vmem>>, vector<800x32xf32>
    tpu.vector_store %arg6[%swap3A_904, %swap3A_905], %add3A_903 {strides = array<i32>} : memref<800x1024xf32, #tpu.memory_space<vmem>>, vector<800x32xf32>,
    %slice3A_907 = vector.extract_strided_slice %get3A_1 {offsets = [0, 147], sizes = [800, 1], strides = [1, 1]} : vector<800x224xf32> to vector<800x1xf32>
    %mul3A_908 = vector.broadcast %slice3A_907 : vector<800x1xf32> to vector<800x32xf32>
    %mul3A_909 = arith.mulf %mul3A_908, %add3A_43 : vector<800x32xf32>
    %slice3A_910 = vector.extract_strided_slice %get3A_1 {offsets = [0, 148], sizes = [800, 1], strides = [1, 1]} : vector<800x224xf32> to vector<800x1xf32>
    %mul3A_911 = vector.broadcast %slice3A_910 : vector<800x1xf32> to vector<800x32xf32>
    %mul3A_912 = arith.mulf %mul3A_911, %add3A_82 : vector<800x32xf32>
    %add3A_913 = arith.addf %mul3A_909, %mul3A_912 : vector<800x32xf32>
    %slice3A_914 = vector.extract_strided_slice %get3A_1 {offsets = [0, 149], sizes = [800, 1], strides = [1, 1]} : vector<800x224xf32> to vector<800x1xf32>
    %mul3A_915 = vector.broadcast %slice3A_914 : vector<800x1xf32> to vector<800x32xf32>
    %mul3A_916 = arith.mulf %mul3A_915, %add3A_121 : vector<800x32xf32>
    %add3A_917 = arith.addf %add3A_913, %mul3A_916 : vector<800x32xf32>
    %slice3A_918 = vector.extract_strided_slice %get3A_1 {offsets = [0, 150], sizes = [800, 1], strides = [1, 1]} : vector<800x224xf32> to vector<800x1xf32>
    %mul3A_919 = vector.broadcast %slice3A_918 : vector<800x1xf32> to vector<800x32xf32>
    %mul3A_920 = arith.mulf %mul3A_919, %add3A_160 : vector<800x32xf32>
    %add3A_921 = arith.addf %add3A_917, %mul3A_920 : vector<800x32xf32>
    %slice3A_922 = vector.extract_strided_slice %get3A_1 {offsets = [0, 151], sizes = [800, 1], strides = [1, 1]} : vector<800x224xf32> to vector<800x1xf32>
    %mul3A_923 = vector.broadcast %slice3A_922 : vector<800x1xf32> to vector<800x32xf32>
    %mul3A_924 = arith.mulf %mul3A_923, %add3A_199 : vector<800x32xf32>
    %add3A_925 = arith.addf %add3A_921, %mul3A_924 : vector<800x32xf32>
    %slice3A_926 = vector.extract_strided_slice %get3A_1 {offsets = [0, 152], sizes = [800, 1], strides = [1, 1]} : vector<800x224xf32> to vector<800x1xf32>
    %mul3A_927 = vector.broadcast %slice3A_926 : vector<800x1xf32> to vector<800x32xf32>
    %mul3A_928 = arith.mulf %mul3A_927, %add3A_238 : vector<800x32xf32>
    %add3A_929 = arith.addf %add3A_925, %mul3A_928 : vector<800x32xf32>
    %slice3A_930 = vector.extract_strided_slice %get3A_1 {offsets = [0, 153], sizes = [800, 1], strides = [1, 1]} : vector<800x224xf32> to vector<800x1xf32>
    %mul3A_931 = vector.broadcast %slice3A_930 : vector<800x1xf32> to vector<800x32xf32>
    %mul3A_932 = arith.mulf %mul3A_931, %add3A_277 : vector<800x32xf32>
    %add3A_933 = arith.addf %add3A_929, %mul3A_932 : vector<800x32xf32>
    %swap3A_934 = arith.constant 0 : index
    %swap3A_935 = arith.constant 672 : index
    %swap3A_936 = vector.load %arg6[%swap3A_934, %swap3A_935] : memref<800x1024xf32, #tpu.memory_space<vmem>>, vector<800x32xf32>
    tpu.vector_store %arg6[%swap3A_934, %swap3A_935], %add3A_933 {strides = array<i32>} : memref<800x1024xf32, #tpu.memory_space<vmem>>, vector<800x32xf32>,
    %slice3A_937 = vector.extract_strided_slice %get3A_1 {offsets = [0, 154], sizes = [800, 1], strides = [1, 1]} : vector<800x224xf32> to vector<800x1xf32>
    %mul3A_938 = vector.broadcast %slice3A_937 : vector<800x1xf32> to vector<800x32xf32>
    %mul3A_939 = arith.mulf %mul3A_938, %add3A_43 : vector<800x32xf32>
    %slice3A_940 = vector.extract_strided_slice %get3A_1 {offsets = [0, 155], sizes = [800, 1], strides = [1, 1]} : vector<800x224xf32> to vector<800x1xf32>
    %mul3A_941 = vector.broadcast %slice3A_940 : vector<800x1xf32> to vector<800x32xf32>
    %mul3A_942 = arith.mulf %mul3A_941, %add3A_82 : vector<800x32xf32>
    %add3A_943 = arith.addf %mul3A_939, %mul3A_942 : vector<800x32xf32>
    %slice3A_944 = vector.extract_strided_slice %get3A_1 {offsets = [0, 156], sizes = [800, 1], strides = [1, 1]} : vector<800x224xf32> to vector<800x1xf32>
    %mul3A_945 = vector.broadcast %slice3A_944 : vector<800x1xf32> to vector<800x32xf32>
    %mul3A_946 = arith.mulf %mul3A_945, %add3A_121 : vector<800x32xf32>
    %add3A_947 = arith.addf %add3A_943, %mul3A_946 : vector<800x32xf32>
    %slice3A_948 = vector.extract_strided_slice %get3A_1 {offsets = [0, 157], sizes = [800, 1], strides = [1, 1]} : vector<800x224xf32> to vector<800x1xf32>
    %mul3A_949 = vector.broadcast %slice3A_948 : vector<800x1xf32> to vector<800x32xf32>
    %mul3A_950 = arith.mulf %mul3A_949, %add3A_160 : vector<800x32xf32>
    %add3A_951 = arith.addf %add3A_947, %mul3A_950 : vector<800x32xf32>
    %slice3A_952 = vector.extract_strided_slice %get3A_1 {offsets = [0, 158], sizes = [800, 1], strides = [1, 1]} : vector<800x224xf32> to vector<800x1xf32>
    %mul3A_953 = vector.broadcast %slice3A_952 : vector<800x1xf32> to vector<800x32xf32>
    %mul3A_954 = arith.mulf %mul3A_953, %add3A_199 : vector<800x32xf32>
    %add3A_955 = arith.addf %add3A_951, %mul3A_954 : vector<800x32xf32>
    %slice3A_956 = vector.extract_strided_slice %get3A_1 {offsets = [0, 159], sizes = [800, 1], strides = [1, 1]} : vector<800x224xf32> to vector<800x1xf32>
    %mul3A_957 = vector.broadcast %slice3A_956 : vector<800x1xf32> to vector<800x32xf32>
    %mul3A_958 = arith.mulf %mul3A_957, %add3A_238 : vector<800x32xf32>
    %add3A_959 = arith.addf %add3A_955, %mul3A_958 : vector<800x32xf32>
    %slice3A_960 = vector.extract_strided_slice %get3A_1 {offsets = [0, 160], sizes = [800, 1], strides = [1, 1]} : vector<800x224xf32> to vector<800x1xf32>
    %mul3A_961 = vector.broadcast %slice3A_960 : vector<800x1xf32> to vector<800x32xf32>
    %mul3A_962 = arith.mulf %mul3A_961, %add3A_277 : vector<800x32xf32>
    %add3A_963 = arith.addf %add3A_959, %mul3A_962 : vector<800x32xf32>
    %swap3A_964 = arith.constant 0 : index
    %swap3A_965 = arith.constant 704 : index
    %swap3A_966 = vector.load %arg6[%swap3A_964, %swap3A_965] : memref<800x1024xf32, #tpu.memory_space<vmem>>, vector<800x32xf32>
    tpu.vector_store %arg6[%swap3A_964, %swap3A_965], %add3A_963 {strides = array<i32>} : memref<800x1024xf32, #tpu.memory_space<vmem>>, vector<800x32xf32>,
    %slice3A_967 = vector.extract_strided_slice %get3A_1 {offsets = [0, 161], sizes = [800, 1], strides = [1, 1]} : vector<800x224xf32> to vector<800x1xf32>
    %mul3A_968 = vector.broadcast %slice3A_967 : vector<800x1xf32> to vector<800x32xf32>
    %mul3A_969 = arith.mulf %mul3A_968, %add3A_43 : vector<800x32xf32>
    %slice3A_970 = vector.extract_strided_slice %get3A_1 {offsets = [0, 162], sizes = [800, 1], strides = [1, 1]} : vector<800x224xf32> to vector<800x1xf32>
    %mul3A_971 = vector.broadcast %slice3A_970 : vector<800x1xf32> to vector<800x32xf32>
    %mul3A_972 = arith.mulf %mul3A_971, %add3A_82 : vector<800x32xf32>
    %add3A_973 = arith.addf %mul3A_969, %mul3A_972 : vector<800x32xf32>
    %slice3A_974 = vector.extract_strided_slice %get3A_1 {offsets = [0, 163], sizes = [800, 1], strides = [1, 1]} : vector<800x224xf32> to vector<800x1xf32>
    %mul3A_975 = vector.broadcast %slice3A_974 : vector<800x1xf32> to vector<800x32xf32>
    %mul3A_976 = arith.mulf %mul3A_975, %add3A_121 : vector<800x32xf32>
    %add3A_977 = arith.addf %add3A_973, %mul3A_976 : vector<800x32xf32>
    %slice3A_978 = vector.extract_strided_slice %get3A_1 {offsets = [0, 164], sizes = [800, 1], strides = [1, 1]} : vector<800x224xf32> to vector<800x1xf32>
    %mul3A_979 = vector.broadcast %slice3A_978 : vector<800x1xf32> to vector<800x32xf32>
    %mul3A_980 = arith.mulf %mul3A_979, %add3A_160 : vector<800x32xf32>
    %add3A_981 = arith.addf %add3A_977, %mul3A_980 : vector<800x32xf32>
    %slice3A_982 = vector.extract_strided_slice %get3A_1 {offsets = [0, 165], sizes = [800, 1], strides = [1, 1]} : vector<800x224xf32> to vector<800x1xf32>
    %mul3A_983 = vector.broadcast %slice3A_982 : vector<800x1xf32> to vector<800x32xf32>
    %mul3A_984 = arith.mulf %mul3A_983, %add3A_199 : vector<800x32xf32>
    %add3A_985 = arith.addf %add3A_981, %mul3A_984 : vector<800x32xf32>
    %slice3A_986 = vector.extract_strided_slice %get3A_1 {offsets = [0, 166], sizes = [800, 1], strides = [1, 1]} : vector<800x224xf32> to vector<800x1xf32>
    %mul3A_987 = vector.broadcast %slice3A_986 : vector<800x1xf32> to vector<800x32xf32>
    %mul3A_988 = arith.mulf %mul3A_987, %add3A_238 : vector<800x32xf32>
    %add3A_989 = arith.addf %add3A_985, %mul3A_988 : vector<800x32xf32>
    %slice3A_990 = vector.extract_strided_slice %get3A_1 {offsets = [0, 167], sizes = [800, 1], strides = [1, 1]} : vector<800x224xf32> to vector<800x1xf32>
    %mul3A_991 = vector.broadcast %slice3A_990 : vector<800x1xf32> to vector<800x32xf32>
    %mul3A_992 = arith.mulf %mul3A_991, %add3A_277 : vector<800x32xf32>
    %add3A_993 = arith.addf %add3A_989, %mul3A_992 : vector<800x32xf32>
    %swap3A_994 = arith.constant 0 : index
    %swap3A_995 = arith.constant 736 : index
    %swap3A_996 = vector.load %arg6[%swap3A_994, %swap3A_995] : memref<800x1024xf32, #tpu.memory_space<vmem>>, vector<800x32xf32>
    tpu.vector_store %arg6[%swap3A_994, %swap3A_995], %add3A_993 {strides = array<i32>} : memref<800x1024xf32, #tpu.memory_space<vmem>>, vector<800x32xf32>,
    %slice3A_997 = vector.extract_strided_slice %get3A_1 {offsets = [0, 168], sizes = [800, 1], strides = [1, 1]} : vector<800x224xf32> to vector<800x1xf32>
    %mul3A_998 = vector.broadcast %slice3A_997 : vector<800x1xf32> to vector<800x32xf32>
    %mul3A_999 = arith.mulf %mul3A_998, %add3A_43 : vector<800x32xf32>
    %slice3A_1000 = vector.extract_strided_slice %get3A_1 {offsets = [0, 169], sizes = [800, 1], strides = [1, 1]} : vector<800x224xf32> to vector<800x1xf32>
    %mul3A_1001 = vector.broadcast %slice3A_1000 : vector<800x1xf32> to vector<800x32xf32>
    %mul3A_1002 = arith.mulf %mul3A_1001, %add3A_82 : vector<800x32xf32>
    %add3A_1003 = arith.addf %mul3A_999, %mul3A_1002 : vector<800x32xf32>
    %slice3A_1004 = vector.extract_strided_slice %get3A_1 {offsets = [0, 170], sizes = [800, 1], strides = [1, 1]} : vector<800x224xf32> to vector<800x1xf32>
    %mul3A_1005 = vector.broadcast %slice3A_1004 : vector<800x1xf32> to vector<800x32xf32>
    %mul3A_1006 = arith.mulf %mul3A_1005, %add3A_121 : vector<800x32xf32>
    %add3A_1007 = arith.addf %add3A_1003, %mul3A_1006 : vector<800x32xf32>
    %slice3A_1008 = vector.extract_strided_slice %get3A_1 {offsets = [0, 171], sizes = [800, 1], strides = [1, 1]} : vector<800x224xf32> to vector<800x1xf32>
    %mul3A_1009 = vector.broadcast %slice3A_1008 : vector<800x1xf32> to vector<800x32xf32>
    %mul3A_1010 = arith.mulf %mul3A_1009, %add3A_160 : vector<800x32xf32>
    %add3A_1011 = arith.addf %add3A_1007, %mul3A_1010 : vector<800x32xf32>
    %slice3A_1012 = vector.extract_strided_slice %get3A_1 {offsets = [0, 172], sizes = [800, 1], strides = [1, 1]} : vector<800x224xf32> to vector<800x1xf32>
    %mul3A_1013 = vector.broadcast %slice3A_1012 : vector<800x1xf32> to vector<800x32xf32>
    %mul3A_1014 = arith.mulf %mul3A_1013, %add3A_199 : vector<800x32xf32>
    %add3A_1015 = arith.addf %add3A_1011, %mul3A_1014 : vector<800x32xf32>
    %slice3A_1016 = vector.extract_strided_slice %get3A_1 {offsets = [0, 173], sizes = [800, 1], strides = [1, 1]} : vector<800x224xf32> to vector<800x1xf32>
    %mul3A_1017 = vector.broadcast %slice3A_1016 : vector<800x1xf32> to vector<800x32xf32>
    %mul3A_1018 = arith.mulf %mul3A_1017, %add3A_238 : vector<800x32xf32>
    %add3A_1019 = arith.addf %add3A_1015, %mul3A_1018 : vector<800x32xf32>
    %slice3A_1020 = vector.extract_strided_slice %get3A_1 {offsets = [0, 174], sizes = [800, 1], strides = [1, 1]} : vector<800x224xf32> to vector<800x1xf32>
    %mul3A_1021 = vector.broadcast %slice3A_1020 : vector<800x1xf32> to vector<800x32xf32>
    %mul3A_1022 = arith.mulf %mul3A_1021, %add3A_277 : vector<800x32xf32>
    %add3A_1023 = arith.addf %add3A_1019, %mul3A_1022 : vector<800x32xf32>
    %swap3A_1024 = arith.constant 0 : index
    %swap3A_1025 = arith.constant 768 : index
    %swap3A_1026 = vector.load %arg6[%swap3A_1024, %swap3A_1025] : memref<800x1024xf32, #tpu.memory_space<vmem>>, vector<800x32xf32>
    tpu.vector_store %arg6[%swap3A_1024, %swap3A_1025], %add3A_1023 {strides = array<i32>} : memref<800x1024xf32, #tpu.memory_space<vmem>>, vector<800x32xf32>,
    %slice3A_1027 = vector.extract_strided_slice %get3A_1 {offsets = [0, 175], sizes = [800, 1], strides = [1, 1]} : vector<800x224xf32> to vector<800x1xf32>
    %mul3A_1028 = vector.broadcast %slice3A_1027 : vector<800x1xf32> to vector<800x32xf32>
    %mul3A_1029 = arith.mulf %mul3A_1028, %add3A_43 : vector<800x32xf32>
    %slice3A_1030 = vector.extract_strided_slice %get3A_1 {offsets = [0, 176], sizes = [800, 1], strides = [1, 1]} : vector<800x224xf32> to vector<800x1xf32>
    %mul3A_1031 = vector.broadcast %slice3A_1030 : vector<800x1xf32> to vector<800x32xf32>
    %mul3A_1032 = arith.mulf %mul3A_1031, %add3A_82 : vector<800x32xf32>
    %add3A_1033 = arith.addf %mul3A_1029, %mul3A_1032 : vector<800x32xf32>
    %slice3A_1034 = vector.extract_strided_slice %get3A_1 {offsets = [0, 177], sizes = [800, 1], strides = [1, 1]} : vector<800x224xf32> to vector<800x1xf32>
    %mul3A_1035 = vector.broadcast %slice3A_1034 : vector<800x1xf32> to vector<800x32xf32>
    %mul3A_1036 = arith.mulf %mul3A_1035, %add3A_121 : vector<800x32xf32>
    %add3A_1037 = arith.addf %add3A_1033, %mul3A_1036 : vector<800x32xf32>
    %slice3A_1038 = vector.extract_strided_slice %get3A_1 {offsets = [0, 178], sizes = [800, 1], strides = [1, 1]} : vector<800x224xf32> to vector<800x1xf32>
    %mul3A_1039 = vector.broadcast %slice3A_1038 : vector<800x1xf32> to vector<800x32xf32>
    %mul3A_1040 = arith.mulf %mul3A_1039, %add3A_160 : vector<800x32xf32>
    %add3A_1041 = arith.addf %add3A_1037, %mul3A_1040 : vector<800x32xf32>
    %slice3A_1042 = vector.extract_strided_slice %get3A_1 {offsets = [0, 179], sizes = [800, 1], strides = [1, 1]} : vector<800x224xf32> to vector<800x1xf32>
    %mul3A_1043 = vector.broadcast %slice3A_1042 : vector<800x1xf32> to vector<800x32xf32>
    %mul3A_1044 = arith.mulf %mul3A_1043, %add3A_199 : vector<800x32xf32>
    %add3A_1045 = arith.addf %add3A_1041, %mul3A_1044 : vector<800x32xf32>
    %slice3A_1046 = vector.extract_strided_slice %get3A_1 {offsets = [0, 180], sizes = [800, 1], strides = [1, 1]} : vector<800x224xf32> to vector<800x1xf32>
    %mul3A_1047 = vector.broadcast %slice3A_1046 : vector<800x1xf32> to vector<800x32xf32>
    %mul3A_1048 = arith.mulf %mul3A_1047, %add3A_238 : vector<800x32xf32>
    %add3A_1049 = arith.addf %add3A_1045, %mul3A_1048 : vector<800x32xf32>
    %slice3A_1050 = vector.extract_strided_slice %get3A_1 {offsets = [0, 181], sizes = [800, 1], strides = [1, 1]} : vector<800x224xf32> to vector<800x1xf32>
    %mul3A_1051 = vector.broadcast %slice3A_1050 : vector<800x1xf32> to vector<800x32xf32>
    %mul3A_1052 = arith.mulf %mul3A_1051, %add3A_277 : vector<800x32xf32>
    %add3A_1053 = arith.addf %add3A_1049, %mul3A_1052 : vector<800x32xf32>
    %swap3A_1054 = arith.constant 0 : index
    %swap3A_1055 = arith.constant 800 : index
    %swap3A_1056 = vector.load %arg6[%swap3A_1054, %swap3A_1055] : memref<800x1024xf32, #tpu.memory_space<vmem>>, vector<800x32xf32>
    tpu.vector_store %arg6[%swap3A_1054, %swap3A_1055], %add3A_1053 {strides = array<i32>} : memref<800x1024xf32, #tpu.memory_space<vmem>>, vector<800x32xf32>,
    %slice3A_1057 = vector.extract_strided_slice %get3A_1 {offsets = [0, 182], sizes = [800, 1], strides = [1, 1]} : vector<800x224xf32> to vector<800x1xf32>
    %mul3A_1058 = vector.broadcast %slice3A_1057 : vector<800x1xf32> to vector<800x32xf32>
    %mul3A_1059 = arith.mulf %mul3A_1058, %add3A_43 : vector<800x32xf32>
    %slice3A_1060 = vector.extract_strided_slice %get3A_1 {offsets = [0, 183], sizes = [800, 1], strides = [1, 1]} : vector<800x224xf32> to vector<800x1xf32>
    %mul3A_1061 = vector.broadcast %slice3A_1060 : vector<800x1xf32> to vector<800x32xf32>
    %mul3A_1062 = arith.mulf %mul3A_1061, %add3A_82 : vector<800x32xf32>
    %add3A_1063 = arith.addf %mul3A_1059, %mul3A_1062 : vector<800x32xf32>
    %slice3A_1064 = vector.extract_strided_slice %get3A_1 {offsets = [0, 184], sizes = [800, 1], strides = [1, 1]} : vector<800x224xf32> to vector<800x1xf32>
    %mul3A_1065 = vector.broadcast %slice3A_1064 : vector<800x1xf32> to vector<800x32xf32>
    %mul3A_1066 = arith.mulf %mul3A_1065, %add3A_121 : vector<800x32xf32>
    %add3A_1067 = arith.addf %add3A_1063, %mul3A_1066 : vector<800x32xf32>
    %slice3A_1068 = vector.extract_strided_slice %get3A_1 {offsets = [0, 185], sizes = [800, 1], strides = [1, 1]} : vector<800x224xf32> to vector<800x1xf32>
    %mul3A_1069 = vector.broadcast %slice3A_1068 : vector<800x1xf32> to vector<800x32xf32>
    %mul3A_1070 = arith.mulf %mul3A_1069, %add3A_160 : vector<800x32xf32>
    %add3A_1071 = arith.addf %add3A_1067, %mul3A_1070 : vector<800x32xf32>
    %slice3A_1072 = vector.extract_strided_slice %get3A_1 {offsets = [0, 186], sizes = [800, 1], strides = [1, 1]} : vector<800x224xf32> to vector<800x1xf32>
    %mul3A_1073 = vector.broadcast %slice3A_1072 : vector<800x1xf32> to vector<800x32xf32>
    %mul3A_1074 = arith.mulf %mul3A_1073, %add3A_199 : vector<800x32xf32>
    %add3A_1075 = arith.addf %add3A_1071, %mul3A_1074 : vector<800x32xf32>
    %slice3A_1076 = vector.extract_strided_slice %get3A_1 {offsets = [0, 187], sizes = [800, 1], strides = [1, 1]} : vector<800x224xf32> to vector<800x1xf32>
    %mul3A_1077 = vector.broadcast %slice3A_1076 : vector<800x1xf32> to vector<800x32xf32>
    %mul3A_1078 = arith.mulf %mul3A_1077, %add3A_238 : vector<800x32xf32>
    %add3A_1079 = arith.addf %add3A_1075, %mul3A_1078 : vector<800x32xf32>
    %slice3A_1080 = vector.extract_strided_slice %get3A_1 {offsets = [0, 188], sizes = [800, 1], strides = [1, 1]} : vector<800x224xf32> to vector<800x1xf32>
    %mul3A_1081 = vector.broadcast %slice3A_1080 : vector<800x1xf32> to vector<800x32xf32>
    %mul3A_1082 = arith.mulf %mul3A_1081, %add3A_277 : vector<800x32xf32>
    %add3A_1083 = arith.addf %add3A_1079, %mul3A_1082 : vector<800x32xf32>
    %swap3A_1084 = arith.constant 0 : index
    %swap3A_1085 = arith.constant 832 : index
    %swap3A_1086 = vector.load %arg6[%swap3A_1084, %swap3A_1085] : memref<800x1024xf32, #tpu.memory_space<vmem>>, vector<800x32xf32>
    tpu.vector_store %arg6[%swap3A_1084, %swap3A_1085], %add3A_1083 {strides = array<i32>} : memref<800x1024xf32, #tpu.memory_space<vmem>>, vector<800x32xf32>,
    %slice3A_1087 = vector.extract_strided_slice %get3A_1 {offsets = [0, 189], sizes = [800, 1], strides = [1, 1]} : vector<800x224xf32> to vector<800x1xf32>
    %mul3A_1088 = vector.broadcast %slice3A_1087 : vector<800x1xf32> to vector<800x32xf32>
    %mul3A_1089 = arith.mulf %mul3A_1088, %add3A_43 : vector<800x32xf32>
    %slice3A_1090 = vector.extract_strided_slice %get3A_1 {offsets = [0, 190], sizes = [800, 1], strides = [1, 1]} : vector<800x224xf32> to vector<800x1xf32>
    %mul3A_1091 = vector.broadcast %slice3A_1090 : vector<800x1xf32> to vector<800x32xf32>
    %mul3A_1092 = arith.mulf %mul3A_1091, %add3A_82 : vector<800x32xf32>
    %add3A_1093 = arith.addf %mul3A_1089, %mul3A_1092 : vector<800x32xf32>
    %slice3A_1094 = vector.extract_strided_slice %get3A_1 {offsets = [0, 191], sizes = [800, 1], strides = [1, 1]} : vector<800x224xf32> to vector<800x1xf32>
    %mul3A_1095 = vector.broadcast %slice3A_1094 : vector<800x1xf32> to vector<800x32xf32>
    %mul3A_1096 = arith.mulf %mul3A_1095, %add3A_121 : vector<800x32xf32>
    %add3A_1097 = arith.addf %add3A_1093, %mul3A_1096 : vector<800x32xf32>
    %slice3A_1098 = vector.extract_strided_slice %get3A_1 {offsets = [0, 192], sizes = [800, 1], strides = [1, 1]} : vector<800x224xf32> to vector<800x1xf32>
    %mul3A_1099 = vector.broadcast %slice3A_1098 : vector<800x1xf32> to vector<800x32xf32>
    %mul3A_1100 = arith.mulf %mul3A_1099, %add3A_160 : vector<800x32xf32>
    %add3A_1101 = arith.addf %add3A_1097, %mul3A_1100 : vector<800x32xf32>
    %slice3A_1102 = vector.extract_strided_slice %get3A_1 {offsets = [0, 193], sizes = [800, 1], strides = [1, 1]} : vector<800x224xf32> to vector<800x1xf32>
    %mul3A_1103 = vector.broadcast %slice3A_1102 : vector<800x1xf32> to vector<800x32xf32>
    %mul3A_1104 = arith.mulf %mul3A_1103, %add3A_199 : vector<800x32xf32>
    %add3A_1105 = arith.addf %add3A_1101, %mul3A_1104 : vector<800x32xf32>
    %slice3A_1106 = vector.extract_strided_slice %get3A_1 {offsets = [0, 194], sizes = [800, 1], strides = [1, 1]} : vector<800x224xf32> to vector<800x1xf32>
    %mul3A_1107 = vector.broadcast %slice3A_1106 : vector<800x1xf32> to vector<800x32xf32>
    %mul3A_1108 = arith.mulf %mul3A_1107, %add3A_238 : vector<800x32xf32>
    %add3A_1109 = arith.addf %add3A_1105, %mul3A_1108 : vector<800x32xf32>
    %slice3A_1110 = vector.extract_strided_slice %get3A_1 {offsets = [0, 195], sizes = [800, 1], strides = [1, 1]} : vector<800x224xf32> to vector<800x1xf32>
    %mul3A_1111 = vector.broadcast %slice3A_1110 : vector<800x1xf32> to vector<800x32xf32>
    %mul3A_1112 = arith.mulf %mul3A_1111, %add3A_277 : vector<800x32xf32>
    %add3A_1113 = arith.addf %add3A_1109, %mul3A_1112 : vector<800x32xf32>
    %swap3A_1114 = arith.constant 0 : index
    %swap3A_1115 = arith.constant 864 : index
    %swap3A_1116 = vector.load %arg6[%swap3A_1114, %swap3A_1115] : memref<800x1024xf32, #tpu.memory_space<vmem>>, vector<800x32xf32>
    tpu.vector_store %arg6[%swap3A_1114, %swap3A_1115], %add3A_1113 {strides = array<i32>} : memref<800x1024xf32, #tpu.memory_space<vmem>>, vector<800x32xf32>,
    %slice3A_1117 = vector.extract_strided_slice %get3A_1 {offsets = [0, 196], sizes = [800, 1], strides = [1, 1]} : vector<800x224xf32> to vector<800x1xf32>
    %mul3A_1118 = vector.broadcast %slice3A_1117 : vector<800x1xf32> to vector<800x32xf32>
    %mul3A_1119 = arith.mulf %mul3A_1118, %add3A_43 : vector<800x32xf32>
    %slice3A_1120 = vector.extract_strided_slice %get3A_1 {offsets = [0, 197], sizes = [800, 1], strides = [1, 1]} : vector<800x224xf32> to vector<800x1xf32>
    %mul3A_1121 = vector.broadcast %slice3A_1120 : vector<800x1xf32> to vector<800x32xf32>
    %mul3A_1122 = arith.mulf %mul3A_1121, %add3A_82 : vector<800x32xf32>
    %add3A_1123 = arith.addf %mul3A_1119, %mul3A_1122 : vector<800x32xf32>
    %slice3A_1124 = vector.extract_strided_slice %get3A_1 {offsets = [0, 198], sizes = [800, 1], strides = [1, 1]} : vector<800x224xf32> to vector<800x1xf32>
    %mul3A_1125 = vector.broadcast %slice3A_1124 : vector<800x1xf32> to vector<800x32xf32>
    %mul3A_1126 = arith.mulf %mul3A_1125, %add3A_121 : vector<800x32xf32>
    %add3A_1127 = arith.addf %add3A_1123, %mul3A_1126 : vector<800x32xf32>
    %slice3A_1128 = vector.extract_strided_slice %get3A_1 {offsets = [0, 199], sizes = [800, 1], strides = [1, 1]} : vector<800x224xf32> to vector<800x1xf32>
    %mul3A_1129 = vector.broadcast %slice3A_1128 : vector<800x1xf32> to vector<800x32xf32>
    %mul3A_1130 = arith.mulf %mul3A_1129, %add3A_160 : vector<800x32xf32>
    %add3A_1131 = arith.addf %add3A_1127, %mul3A_1130 : vector<800x32xf32>
    %slice3A_1132 = vector.extract_strided_slice %get3A_1 {offsets = [0, 200], sizes = [800, 1], strides = [1, 1]} : vector<800x224xf32> to vector<800x1xf32>
    %mul3A_1133 = vector.broadcast %slice3A_1132 : vector<800x1xf32> to vector<800x32xf32>
    %mul3A_1134 = arith.mulf %mul3A_1133, %add3A_199 : vector<800x32xf32>
    %add3A_1135 = arith.addf %add3A_1131, %mul3A_1134 : vector<800x32xf32>
    %slice3A_1136 = vector.extract_strided_slice %get3A_1 {offsets = [0, 201], sizes = [800, 1], strides = [1, 1]} : vector<800x224xf32> to vector<800x1xf32>
    %mul3A_1137 = vector.broadcast %slice3A_1136 : vector<800x1xf32> to vector<800x32xf32>
    %mul3A_1138 = arith.mulf %mul3A_1137, %add3A_238 : vector<800x32xf32>
    %add3A_1139 = arith.addf %add3A_1135, %mul3A_1138 : vector<800x32xf32>
    %slice3A_1140 = vector.extract_strided_slice %get3A_1 {offsets = [0, 202], sizes = [800, 1], strides = [1, 1]} : vector<800x224xf32> to vector<800x1xf32>
    %mul3A_1141 = vector.broadcast %slice3A_1140 : vector<800x1xf32> to vector<800x32xf32>
    %mul3A_1142 = arith.mulf %mul3A_1141, %add3A_277 : vector<800x32xf32>
    %add3A_1143 = arith.addf %add3A_1139, %mul3A_1142 : vector<800x32xf32>
    %swap3A_1144 = arith.constant 0 : index
    %swap3A_1145 = arith.constant 896 : index
    %swap3A_1146 = vector.load %arg6[%swap3A_1144, %swap3A_1145] : memref<800x1024xf32, #tpu.memory_space<vmem>>, vector<800x32xf32>
    tpu.vector_store %arg6[%swap3A_1144, %swap3A_1145], %add3A_1143 {strides = array<i32>} : memref<800x1024xf32, #tpu.memory_space<vmem>>, vector<800x32xf32>,
    %slice3A_1147 = vector.extract_strided_slice %get3A_1 {offsets = [0, 203], sizes = [800, 1], strides = [1, 1]} : vector<800x224xf32> to vector<800x1xf32>
    %mul3A_1148 = vector.broadcast %slice3A_1147 : vector<800x1xf32> to vector<800x32xf32>
    %mul3A_1149 = arith.mulf %mul3A_1148, %add3A_43 : vector<800x32xf32>
    %slice3A_1150 = vector.extract_strided_slice %get3A_1 {offsets = [0, 204], sizes = [800, 1], strides = [1, 1]} : vector<800x224xf32> to vector<800x1xf32>
    %mul3A_1151 = vector.broadcast %slice3A_1150 : vector<800x1xf32> to vector<800x32xf32>
    %mul3A_1152 = arith.mulf %mul3A_1151, %add3A_82 : vector<800x32xf32>
    %add3A_1153 = arith.addf %mul3A_1149, %mul3A_1152 : vector<800x32xf32>
    %slice3A_1154 = vector.extract_strided_slice %get3A_1 {offsets = [0, 205], sizes = [800, 1], strides = [1, 1]} : vector<800x224xf32> to vector<800x1xf32>
    %mul3A_1155 = vector.broadcast %slice3A_1154 : vector<800x1xf32> to vector<800x32xf32>
    %mul3A_1156 = arith.mulf %mul3A_1155, %add3A_121 : vector<800x32xf32>
    %add3A_1157 = arith.addf %add3A_1153, %mul3A_1156 : vector<800x32xf32>
    %slice3A_1158 = vector.extract_strided_slice %get3A_1 {offsets = [0, 206], sizes = [800, 1], strides = [1, 1]} : vector<800x224xf32> to vector<800x1xf32>
    %mul3A_1159 = vector.broadcast %slice3A_1158 : vector<800x1xf32> to vector<800x32xf32>
    %mul3A_1160 = arith.mulf %mul3A_1159, %add3A_160 : vector<800x32xf32>
    %add3A_1161 = arith.addf %add3A_1157, %mul3A_1160 : vector<800x32xf32>
    %slice3A_1162 = vector.extract_strided_slice %get3A_1 {offsets = [0, 207], sizes = [800, 1], strides = [1, 1]} : vector<800x224xf32> to vector<800x1xf32>
    %mul3A_1163 = vector.broadcast %slice3A_1162 : vector<800x1xf32> to vector<800x32xf32>
    %mul3A_1164 = arith.mulf %mul3A_1163, %add3A_199 : vector<800x32xf32>
    %add3A_1165 = arith.addf %add3A_1161, %mul3A_1164 : vector<800x32xf32>
    %slice3A_1166 = vector.extract_strided_slice %get3A_1 {offsets = [0, 208], sizes = [800, 1], strides = [1, 1]} : vector<800x224xf32> to vector<800x1xf32>
    %mul3A_1167 = vector.broadcast %slice3A_1166 : vector<800x1xf32> to vector<800x32xf32>
    %mul3A_1168 = arith.mulf %mul3A_1167, %add3A_238 : vector<800x32xf32>
    %add3A_1169 = arith.addf %add3A_1165, %mul3A_1168 : vector<800x32xf32>
    %slice3A_1170 = vector.extract_strided_slice %get3A_1 {offsets = [0, 209], sizes = [800, 1], strides = [1, 1]} : vector<800x224xf32> to vector<800x1xf32>
    %mul3A_1171 = vector.broadcast %slice3A_1170 : vector<800x1xf32> to vector<800x32xf32>
    %mul3A_1172 = arith.mulf %mul3A_1171, %add3A_277 : vector<800x32xf32>
    %add3A_1173 = arith.addf %add3A_1169, %mul3A_1172 : vector<800x32xf32>
    %swap3A_1174 = arith.constant 0 : index
    %swap3A_1175 = arith.constant 928 : index
    %swap3A_1176 = vector.load %arg6[%swap3A_1174, %swap3A_1175] : memref<800x1024xf32, #tpu.memory_space<vmem>>, vector<800x32xf32>
    tpu.vector_store %arg6[%swap3A_1174, %swap3A_1175], %add3A_1173 {strides = array<i32>} : memref<800x1024xf32, #tpu.memory_space<vmem>>, vector<800x32xf32>,
    %slice3A_1177 = vector.extract_strided_slice %get3A_1 {offsets = [0, 210], sizes = [800, 1], strides = [1, 1]} : vector<800x224xf32> to vector<800x1xf32>
    %mul3A_1178 = vector.broadcast %slice3A_1177 : vector<800x1xf32> to vector<800x32xf32>
    %mul3A_1179 = arith.mulf %mul3A_1178, %add3A_43 : vector<800x32xf32>
    %slice3A_1180 = vector.extract_strided_slice %get3A_1 {offsets = [0, 211], sizes = [800, 1], strides = [1, 1]} : vector<800x224xf32> to vector<800x1xf32>
    %mul3A_1181 = vector.broadcast %slice3A_1180 : vector<800x1xf32> to vector<800x32xf32>
    %mul3A_1182 = arith.mulf %mul3A_1181, %add3A_82 : vector<800x32xf32>
    %add3A_1183 = arith.addf %mul3A_1179, %mul3A_1182 : vector<800x32xf32>
    %slice3A_1184 = vector.extract_strided_slice %get3A_1 {offsets = [0, 212], sizes = [800, 1], strides = [1, 1]} : vector<800x224xf32> to vector<800x1xf32>
    %mul3A_1185 = vector.broadcast %slice3A_1184 : vector<800x1xf32> to vector<800x32xf32>
    %mul3A_1186 = arith.mulf %mul3A_1185, %add3A_121 : vector<800x32xf32>
    %add3A_1187 = arith.addf %add3A_1183, %mul3A_1186 : vector<800x32xf32>
    %slice3A_1188 = vector.extract_strided_slice %get3A_1 {offsets = [0, 213], sizes = [800, 1], strides = [1, 1]} : vector<800x224xf32> to vector<800x1xf32>
    %mul3A_1189 = vector.broadcast %slice3A_1188 : vector<800x1xf32> to vector<800x32xf32>
    %mul3A_1190 = arith.mulf %mul3A_1189, %add3A_160 : vector<800x32xf32>
    %add3A_1191 = arith.addf %add3A_1187, %mul3A_1190 : vector<800x32xf32>
    %slice3A_1192 = vector.extract_strided_slice %get3A_1 {offsets = [0, 214], sizes = [800, 1], strides = [1, 1]} : vector<800x224xf32> to vector<800x1xf32>
    %mul3A_1193 = vector.broadcast %slice3A_1192 : vector<800x1xf32> to vector<800x32xf32>
    %mul3A_1194 = arith.mulf %mul3A_1193, %add3A_199 : vector<800x32xf32>
    %add3A_1195 = arith.addf %add3A_1191, %mul3A_1194 : vector<800x32xf32>
    %slice3A_1196 = vector.extract_strided_slice %get3A_1 {offsets = [0, 215], sizes = [800, 1], strides = [1, 1]} : vector<800x224xf32> to vector<800x1xf32>
    %mul3A_1197 = vector.broadcast %slice3A_1196 : vector<800x1xf32> to vector<800x32xf32>
    %mul3A_1198 = arith.mulf %mul3A_1197, %add3A_238 : vector<800x32xf32>
    %add3A_1199 = arith.addf %add3A_1195, %mul3A_1198 : vector<800x32xf32>
    %slice3A_1200 = vector.extract_strided_slice %get3A_1 {offsets = [0, 216], sizes = [800, 1], strides = [1, 1]} : vector<800x224xf32> to vector<800x1xf32>
    %mul3A_1201 = vector.broadcast %slice3A_1200 : vector<800x1xf32> to vector<800x32xf32>
    %mul3A_1202 = arith.mulf %mul3A_1201, %add3A_277 : vector<800x32xf32>
    %add3A_1203 = arith.addf %add3A_1199, %mul3A_1202 : vector<800x32xf32>
    %swap3A_1204 = arith.constant 0 : index
    %swap3A_1205 = arith.constant 960 : index
    %swap3A_1206 = vector.load %arg6[%swap3A_1204, %swap3A_1205] : memref<800x1024xf32, #tpu.memory_space<vmem>>, vector<800x32xf32>
    tpu.vector_store %arg6[%swap3A_1204, %swap3A_1205], %add3A_1203 {strides = array<i32>} : memref<800x1024xf32, #tpu.memory_space<vmem>>, vector<800x32xf32>,
    %slice3A_1207 = vector.extract_strided_slice %get3A_1 {offsets = [0, 217], sizes = [800, 1], strides = [1, 1]} : vector<800x224xf32> to vector<800x1xf32>
    %mul3A_1208 = vector.broadcast %slice3A_1207 : vector<800x1xf32> to vector<800x32xf32>
    %mul3A_1209 = arith.mulf %mul3A_1208, %add3A_43 : vector<800x32xf32>
    %slice3A_1210 = vector.extract_strided_slice %get3A_1 {offsets = [0, 218], sizes = [800, 1], strides = [1, 1]} : vector<800x224xf32> to vector<800x1xf32>
    %mul3A_1211 = vector.broadcast %slice3A_1210 : vector<800x1xf32> to vector<800x32xf32>
    %mul3A_1212 = arith.mulf %mul3A_1211, %add3A_82 : vector<800x32xf32>
    %add3A_1213 = arith.addf %mul3A_1209, %mul3A_1212 : vector<800x32xf32>
    %slice3A_1214 = vector.extract_strided_slice %get3A_1 {offsets = [0, 219], sizes = [800, 1], strides = [1, 1]} : vector<800x224xf32> to vector<800x1xf32>
    %mul3A_1215 = vector.broadcast %slice3A_1214 : vector<800x1xf32> to vector<800x32xf32>
    %mul3A_1216 = arith.mulf %mul3A_1215, %add3A_121 : vector<800x32xf32>
    %add3A_1217 = arith.addf %add3A_1213, %mul3A_1216 : vector<800x32xf32>
    %slice3A_1218 = vector.extract_strided_slice %get3A_1 {offsets = [0, 220], sizes = [800, 1], strides = [1, 1]} : vector<800x224xf32> to vector<800x1xf32>
    %mul3A_1219 = vector.broadcast %slice3A_1218 : vector<800x1xf32> to vector<800x32xf32>
    %mul3A_1220 = arith.mulf %mul3A_1219, %add3A_160 : vector<800x32xf32>
    %add3A_1221 = arith.addf %add3A_1217, %mul3A_1220 : vector<800x32xf32>
    %slice3A_1222 = vector.extract_strided_slice %get3A_1 {offsets = [0, 221], sizes = [800, 1], strides = [1, 1]} : vector<800x224xf32> to vector<800x1xf32>
    %mul3A_1223 = vector.broadcast %slice3A_1222 : vector<800x1xf32> to vector<800x32xf32>
    %mul3A_1224 = arith.mulf %mul3A_1223, %add3A_199 : vector<800x32xf32>
    %add3A_1225 = arith.addf %add3A_1221, %mul3A_1224 : vector<800x32xf32>
    %slice3A_1226 = vector.extract_strided_slice %get3A_1 {offsets = [0, 222], sizes = [800, 1], strides = [1, 1]} : vector<800x224xf32> to vector<800x1xf32>
    %mul3A_1227 = vector.broadcast %slice3A_1226 : vector<800x1xf32> to vector<800x32xf32>
    %mul3A_1228 = arith.mulf %mul3A_1227, %add3A_238 : vector<800x32xf32>
    %add3A_1229 = arith.addf %add3A_1225, %mul3A_1228 : vector<800x32xf32>
    %slice3A_1230 = vector.extract_strided_slice %get3A_1 {offsets = [0, 223], sizes = [800, 1], strides = [1, 1]} : vector<800x224xf32> to vector<800x1xf32>
    %mul3A_1231 = vector.broadcast %slice3A_1230 : vector<800x1xf32> to vector<800x32xf32>
    %mul3A_1232 = arith.mulf %mul3A_1231, %add3A_277 : vector<800x32xf32>
    %add3A_1233 = arith.addf %add3A_1229, %mul3A_1232 : vector<800x32xf32>
    %swap3A_1234 = arith.constant 0 : index
    %swap3A_1235 = arith.constant 992 : index
    %swap3A_1236 = vector.load %arg6[%swap3A_1234, %swap3A_1235] : memref<800x1024xf32, #tpu.memory_space<vmem>>, vector<800x32xf32>
    tpu.vector_store %arg6[%swap3A_1234, %swap3A_1235], %add3A_1233 {strides = array<i32>} : memref<800x1024xf32, #tpu.memory_space<vmem>>, vector<800x32xf32>,
    %get3A_1237 = arith.constant 0 : index
    %get3A_1238 = arith.constant 0 : index
    %get3A_1239 = vector.load %arg6[%get3A_1237, %get3A_1238] : memref<800x1024xf32, #tpu.memory_space<vmem>>, vector<800x1024xf32>
    %get3A_1240 = arith.constant 0 : index
    %get3A_1241 = arith.constant 0 : index
    %get3A_1242 = vector.load %arg4[%get3A_1240, %get3A_1241] : memref<1024x32xf32, #tpu.memory_space<vmem>>, vector<1024x32xf32>
    %dot_general3A = arith.constant dense<0.000000e+00> : vector<800x32xf32>
    %dot_general3A_1243 = tpu.matmul %get3A_1239, %get3A_1242, %dot_general3A {dimension_numbers = #tpu.dot_dimension_numbers<[1], [0], [0], [1], [0, 0, 1, 1], [], []>, transpose_lhs_hint = false} : vector<800x1024xf32>, vector<1024x32xf32>, vector<800x32xf32> -> vector<800x32xf32>
    %swap3A_1244 = arith.constant 0 : index
    %swap3A_1245 = arith.constant 0 : index
    %swap3A_1246 = vector.load %arg5[%swap3A_1244, %swap3A_1245] : memref<800x32xf32, #tpu.memory_space<vmem>>, vector<800x32xf32>
    tpu.vector_store %arg5[%swap3A_1244, %swap3A_1245], %dot_general3A_1243 {strides = array<i32>} : memref<800x32xf32, #tpu.memory_space<vmem>>, vector<800x32xf32>,
    return
  }
  func.func @transform_0(%arg0: i32) -> (i32, i32) {
    %c0_i32 = arith.constant 0 : i32
    %c0_i32_0 = arith.constant 0 : i32
    return %arg0, %c0_i32 : i32, i32
  }
  func.func @transform_1(%arg0: i32) -> (i32, i32) {
    %c0_i32 = arith.constant 0 : i32
    %c0_i32_0 = arith.constant 0 : i32
    return %arg0, %c0_i32 : i32, i32
  }
  func.func @transform_2(%arg0: i32) -> (i32, i32) {
    %c0_i32 = arith.constant 0 : i32
    %c0_i32_0 = arith.constant 0 : i32
    return %arg0, %c0_i32 : i32, i32
  }
  func.func @transform_3(%arg0: i32) -> (i32, i32) {
    %c0_i32 = arith.constant 0 : i32
    %c0_i32_0 = arith.constant 0 : i32
    %c0_i32_1 = arith.constant 0 : i32
    return %c0_i32, %c0_i32_0 : i32, i32
  }
  func.func @transform_4(%arg0: i32) -> (i32, i32) {
    %c0_i32 = arith.constant 0 : i32
    %c0_i32_0 = arith.constant 0 : i32
    return %arg0, %c0_i32 : i32, i32
  }
}

</mosaic_0001>

<sc_bundles>
// kernel: kernel.4.cloned.1.call-start
scs
__scs_entry_jumppad:
0x0: {  	(pc) =	sbr.rel $0x88, $3  }
0x1: {  	(tag) =	ssettag $0x0;
	lr =	simm.s32 $0x1  }
0x2: {  	[smem:$0x3F9B] =	sst lr;
	_ =	strace $0xD0000000  }
0x3: {  	_ = 	snop  }
0x4: {  	_ = 	snop  }
0x5: {  	_ = 	snop  }
0x6: {  	_ = 	snop  }
0x7: {  	_ = 	snop  }
__scs_overlays_trampoline_lowered:
0x8: {  	[smem:$0x3FAA] =	sst s0  }
0x9: {  	[smem:$0x3FAB] =	sst s1  }
0xa: {  	[smem:$0x3FAC] =	sst s2  }
0xb: {  	[smem:$0x3FAD] =	sst s3  }
0xc: {  	[smem:$0x3FAE] =	sst s4  }
0xd: {  	[smem:$0x3FAF] =	sst s5  }
0xe: {  	[smem:$0x3FB0] =	sst s6  }
0xf: {  	[smem:$0x3FB1] =	sst s7  }
0x10: {  	[smem:$0x3FB2] =	sst s8  }
0x11: {  	[smem:$0x3FB3] =	sst s9;
	s0 =	simm.s32 @!p0 $0x0  }
0x12: {  	s1 =	sld [smem:$0x3F99];
	s0 =	simm.s32 @p0 $0x1  }
0x13: {  	[smem:$0x3FB4] =	sst s0;
	s0 =	simm.s32 @!p1 $0x0  }
0x14: {  	s2 =	sld [smem:$0x3F98];
	s0 =	simm.s32 @p1 $0x1  }
0x15: {  	[smem:$0x3FB5] =	sst s0;
	s0 =	simm.s32 @!p2 $0x0  }
0x16: {  	s3 =	sld [smem:$0x3FDB];
	s0 =	simm.s32 @p2 $0x1  }
0x17: {  	s4 =	simm.s32 $0x1BF5;
	[smem:$0x3FB7] =	sst s0  }
0x18: {  	s0 =	sld [smem:$0x3F9A];
	_ =	swait.ge [sflag:s4], $0x0  }
0x19: {  	s7 =	sld [smem:$0x3F9B]  }
0x1a: {  	s8 =	sadd.s32 $0xFFFFE003, lr  }
0x1b: {  	s9 =	sadd.s32 $0xFFFFFEF7, lr;
	s5 =	simm.s32 $0xFFFFFFFF;
	p2 =	slt.u32 s8, $0xFFFFF086  }
0x1c: {  	p1 =	slt.u32 s9, $0xF7A;
	s5 =	simm.s32 @!p2 $0x0  }
0x1d: {  	s5 =	simm.s32 @p1 $0x1;
	p0 =	seq.s32 s7, s2  }
0x1e: {  	s7 =	smul.u32 @!p0 $0xF7A, s2;
	p2 =	seq.s32 @!p0 s5, $0x0  }
0x1f: {  	s9 =	smul.u32 $0xF7A, s1;
	s8 =	simm.s32 @!p0 $0x1BF5;
	p2 =	por !p2, p0  }
0x20: {  	[sflag:s8] =	ssyncset.s32 @!p0 $0xFFFFF086;
	s6 =	sadd.s32 @!p0 s3, s7;
	s7 =	simm.s32 @!p0 $0x108  }
0x21: {  	s3 =	sadd.s32 s3, s9;
	s6 =	sadd.s32 @!p0 $0x88, s6;
	s7 =	simm.s32 @p2 $0x1082  }
0x22: {  	[simem:s7], [sflag:s8] =	dma.local @!p0 [hbm:s6], $0xF7A  }
0x23: {  	s9 =	sor.u32 $0xD0000000, s2;
	s6 =	simm.s32 $0x108;
	_ =	swait.ge @!p0 [sflag:s8], $0x0  }
0x24: {  	s3 =	sadd.s32 $0x88, s3;
	s6 =	simm.s32 @!p1 $0x1082;
	[sflag:s4] =	ssyncset.s32 $0xFFFFF086  }
0x25: {  	[simem:s6], [sflag:s4] =	dma.local [hbm:s3], $0xF7A  }
0x26: {  	[smem:$0x3F9B] =	sst s1;
	(tag) =	ssettag s2;
	_ =	strace s9  }
0x27: {  	s1 =	sld [smem:$0x3FAB]  }
0x28: {  	s2 =	sld [smem:$0x3FAC]  }
0x29: {  	s4 =	sld [smem:$0x3FAE]  }
0x2a: {  	p0 =	seq.s32 s5, $0x0;
	s5 =	sld [smem:$0x3FAF]  }
0x2b: {  	s6 =	sld [smem:$0x3FB0]  }
0x2c: {  	s7 =	sld [smem:$0x3FB1]  }
0x2d: {  	s3 =	simm.s32 $0x108;
	s8 =	sld [smem:$0x3FB2]  }
0x2e: {  	s3 =	simm.s32 @!p0 $0x1082;
	s9 =	sld [smem:$0x3FB3]  }
0x2f: {  	lr =	sadd.s32 s0, s3;
	s0 =	sld [smem:$0x3FAA]  }
0x30: {  	s3 =	sld [smem:$0x3FAD]  }
0x31: {  	[smem:$0x3FB6] =	sst s10  }
0x32: {  	s10 =	sld [smem:$0x3FB4];
	_ =	sdelay $0x3  }
0x33: {  	p0 =	seq.s32 s10, $0x1;
	s10 =	sld [smem:$0x3FB6];
	_ =	sdelay $0x3  }
0x34: {  	[smem:$0x3FB6] =	sst s10  }
0x35: {  	s10 =	sld [smem:$0x3FB5];
	_ =	sdelay $0x3  }
0x36: {  	p1 =	seq.s32 s10, $0x1;
	s10 =	sld [smem:$0x3FB6];
	_ =	sdelay $0x3  }
0x37: {  	[smem:$0x3FB6] =	sst s10  }
0x38: {  	s10 =	sld [smem:$0x3FB7]  }
0x39: {  	_ = 	snop;
	(pc) =	sbr.ind lr, $3  }
0x3a: {  	_ = 	snop  }
0x3b: {  	_ = 	snop  }
0x3c: {  	p2 =	seq.s32 s10, $0x1;
	s10 =	sld [smem:$0x3FB6]  }
0x3d: {  	_ =	shalt  }
0x3e: {  	_ =	shalt  }
0x3f: {  	_ =	shalt  }
0x40: {  	_ =	shalt  }
0x41: {  	_ =	shalt  }
0x42: {  	_ =	shalt  }
0x43: {  	_ =	shalt  }
0x44: {  	_ =	shalt  }
0x45: {  	_ =	shalt  }
0x46: {  	_ =	shalt  }
0x47: {  	_ =	shalt  }
0x48: {  	_ =	shalt  }
0x49: {  	_ =	shalt  }
0x4a: {  	_ =	shalt  }
0x4b: {  	_ =	shalt  }
0x4c: {  	_ =	shalt  }
0x4d: {  	_ =	shalt  }
0x4e: {  	_ =	shalt  }
0x4f: {  	_ =	shalt  }
0x50: {  	_ =	shalt  }
0x51: {  	_ =	shalt  }
0x52: {  	_ =	shalt  }
0x53: {  	_ =	shalt  }
0x54: {  	_ =	shalt  }
0x55: {  	_ =	shalt  }
0x56: {  	_ =	shalt  }
0x57: {  	_ =	shalt  }
0x58: {  	_ =	shalt  }
0x59: {  	_ =	shalt  }
0x5a: {  	_ =	shalt  }
0x5b: {  	_ =	shalt  }
0x5c: {  	_ =	shalt  }
0x5d: {  	_ =	shalt  }
0x5e: {  	_ =	shalt  }
0x5f: {  	_ =	shalt  }
0x60: {  	_ =	shalt  }
0x61: {  	_ =	shalt  }
0x62: {  	_ =	shalt  }
0x63: {  	_ =	shalt  }
0x64: {  	_ =	shalt  }
0x65: {  	_ =	shalt  }
0x66: {  	_ =	shalt  }
0x67: {  	_ =	shalt  }
0x68: {  	_ =	shalt  }
0x69: {  	_ =	shalt  }
0x6a: {  	_ =	shalt  }
0x6b: {  	_ =	shalt  }
0x6c: {  	_ =	shalt  }
0x6d: {  	_ =	shalt  }
0x6e: {  	_ =	shalt  }
0x6f: {  	_ =	shalt  }
0x70: {  	_ =	shalt  }
0x71: {  	_ =	shalt  }
0x72: {  	_ =	shalt  }
0x73: {  	_ =	shalt  }
0x74: {  	_ =	shalt  }
0x75: {  	_ =	shalt  }
0x76: {  	_ =	shalt  }
0x77: {  	_ =	shalt  }
0x78: {  	_ =	shalt  }
0x79: {  	_ =	shalt  }
0x7a: {  	_ =	shalt  }
0x7b: {  	_ =	shalt  }
0x7c: {  	_ =	shalt  }
0x7d: {  	_ =	shalt  }
0x7e: {  	_ =	shalt  }
0x7f: {  	_ =	shalt  }
0x80: {  	_ =	shalt  }
0x81: {  	_ =	shalt  }
0x82: {  	_ =	shalt  }
0x83: {  	_ =	shalt  }
0x84: {  	_ =	shalt  }
0x85: {  	_ =	shalt  }
0x86: {  	_ =	shalt  }
0x87: {  	_ =	shalt  }
.Lfunc_end0:
.L_simem_size_0:
called_computation_lowered:
.L_overlay_start_0:
0x88: {  	s2 =	sld [smem:$0x3FD9]  }
0x89: {  	s3 =	sld [smem:$0x3FFE];
	_ =	sdelay $0x1  }
0x8a: {  	s1 =	srdreg.scid  }
0x8b: {  	s0 =	sand.u32 $0x1, s1  }
0x8c: {  	s17 =	sshll.u32 s0, $0xA;
	s2 =	sadd.s32 s3, s2  }
0x8d: {  	s2 =	sadd.s32 s2, s17  }
0x8e: {  	[smem:$0x3FC2] =	sst s2  }
0x8f: {  	_ = 	snop  }
0x90: {  	s2 =	sld [smem:$0x3FC6]  }
0x91: {  	s18 =	sld [smem:$0x3FC5];
	(tm) =	ssettm $0x1  }
0x92: {  	s4 =	sld [smem:$0x3FFB];
	_ =	sdelay $0x3  }
0x93: {  	_ =	strace s4  }
0x94: {  	s4 =	sld [smem:$0x3FFC];
	_ =	sdelay $0x3  }
0x95: {  	_ =	strace s4  }
0x96: {  	s4 =	sld [smem:$0x3FFD];
	_ =	sdelay $0x3  }
0x97: {  	_ =	strace s4  }
0x98: {  	_ =	strace $0x8FFFFFFF  }
0x99: {  	s19 =	sld [smem:$0x3FDB];
	_ =	sdelay $0x1  }
0x9a: {  	s5 =	simm.s32 $_scs_section_size  }
0x9b: {  	s6 =	simm.s32 $_size__tile_overlayer_lowered;
	s7 =	simm.s32 $_tile_overlayer_lowered  }
0x9c: {  	s22 =	simm.s32 $0x1BFF;
	s21 =	sshll.u32 s7, $0x1;
	s4 =	sadd.s32 s5, s19  }
0x9d: {  	s8 =	simm.s32 $0x0;
	s20 =	sshll.u32 s6, $0x1;
	s6 =	sadd.s32 s21, s4  }
0x9e: {  	[timem:s8], [sflag:s22] =	dma.local [hbm:s6], s20  }
0x9f: {  	_ =	swait.ge [sflag:s22], s20  }
0xa0: {  	s5 =	ssub.s32 $0x0, s20;
	[sflag:s22] =	ssyncset.done $0x0  }
0xa1: {  	[sflag:s22] =	ssyncadd.s32 s5;
	_ =	sdelay $0x1  }
0xa2: {  	s23 =	simm.s32 $0x1B8B  }
0xa3: {  	_ =	swait.ge [sflag:s23], $0x1  }
0xa4: {  	[sflag:s23] =	ssyncset.done $0x0  }
0xa5: {  	s25 =	simm.s32 $0x1B8E;
	s24 =	sld [smem:$0x3FFE];
	[sflag:s23] =	ssyncadd.s32 $0xFFFFFFFF  }
0xa6: {  	s26 =	simm.s32 $execute0_lowered;
	[smem:$0x3FD2] =	sst s25  }
0xa7: {  	s6 =	sshll.u32 s26, $0x1;
	_ =	strace $0x80000046;
	[dreg:$0x1] =	wrdreg $0xFFFFFFFF  }
0xa8: {  	s28 =	simm.s32 $_size_execute0_lowered;
	s4 =	sadd.s32 s4, s6;
	[dreg:$0x0] =	wrdreg $0x0  }
0xa9: {  	s6 =	sshll.u32 s28, $0x1;
	[dreg:$0x2] =	wrdreg s4  }
0xaa: {  	[dreg:$0x3] =	wrdreg s6  }
0xab: {  	[dreg:$0x4] =	wrdreg $0xC0  }
0xac: {  	_ =	task [dreg:s8], $0x5FFFF  }
0xad: {  	[dreg:$0x1] =	wrdreg $0xFFFFFFFF  }
0xae: {  	[dreg:$0x0] =	wrdreg $0x60  }
0xaf: {  	[dreg:$0x2] =	wrdreg s2  }
0xb0: {  	[dreg:$0x3] =	wrdreg s18  }
0xb1: {  	[dreg:$0x4] =	wrdreg s24  }
0xb2: {  	[dreg:$0x5] =	wrdreg $0x9  }
0xb3: {  	_ =	task.clear_ibuf [dreg:s8], $0x6FFFF;
	_ =	strace $0x90000046  }
0xb4: {  	s29 =	simm.s32 $0x9;
	_ =	strace $0x80000048  }
0xb5: {  	_ =	swait.ge [sflag:s29], $0x1  }
0xb6: {  	[sflag:s29] =	ssyncadd.s32 $0xFFFFFFFF  }
0xb7: {  	_ =	strace $0x90000048  }
0xb8: {  	_ =	sfence  }
0xb9: {  	s30 =	sld [smem:$0x0];
	_ =	sdelay $0x2  }
0xba: {  	s31 =	sshll.u32 s1, $0xD;
	s1 =	sshrl.u32 s1, $0x2  }
0xbb: {  	s3 =	sand.u32 $0x4000, s31;
	s1 =	sadd.s32 s1, s30  }
0xbc: {  	s0 =	sor.u32 s3, s0;
	s1 =	sshll.u32 s1, $0x11  }
0xbd: {  	s0 =	sor.u32 s1, s0  }
0xbe: {  	s0 =	sadd.s32 $0x8F2B, s0  }
0xbf: {  	[sflag:s0] =	ssyncadd.remote.s32 $0x1  }
0xc0: {  	_ =	sfence.sel $0xFFFF  }
0xc1: {  	[dreg:$0x0] =	wrdreg $0xFFFFFFFF;
	(pc) =	sbr.abs _section_cstart, $3  }
0xc2: {  	[dreg:$0x1] =	wrdreg $0xFFFFFFFF  }
0xc3: {  	_ =	task.clear_ibuf [dreg:s8], $0x2FFFF;
	_ =	strace $0x9FFFFFFF  }
0xc4: {  	(tm) =	ssettm $0x7FFFFFFF  }
0xc5: {  	_ =	shalt  }
tec
execute0_lowered:
.L_overlay_start_1:
0x0: {  	(tag) =	ssettag $0x1  }
0x1: {  	s1 =	rddreg [dreg:$0x0]  }
0x2: {  	s2 =	rddreg [dreg:$0x1]  }
0x3: {  	s0 =	rddreg [dreg:$0x2];
	s3 =	srdreg.scid  }
0x4: {  	s23 =	simm.s32 $0x0;
	s9 =	stileid.u32;
	s10 =	simm.s32 $0x2  }
0x5: {  	s11 =	simm.s32 $0x3E80;
	s12 =	simm.s32 $0x7D00;
	s13 =	simm.s32 $0x12940  }
0x6: {  	s14 =	simm.s32 $0x80;
	s16 =	simm.s32 $0x1;
	s18 =	simm.s32 $0x13940  }
0x7: {  	s20 =	simm.s32 $0x14940;
	s22 =	simm.s32 $0x15940;
	s29 =	simm.s32 $0x18940  }
0x8: {  	s31 =	simm.s32 $0x19940;
	s15 =	simm.s32 $0x12740;
	s17 =	simm.s32 $0x127C0  }
0x9: {  	s19 =	simm.s32 $0x12840;
	s21 =	simm.s32 $0x128C0;
	[smem:$0x7FF] =	sst s23  }
0xa: {  	s3 =	sand.u32 $0x1, s3;
	s6 =	sadd.s32 $0x4E2600, s0;
	s7 =	sadd.s32 $0x61AE00, s0  }
0xb: {  	s26 =	smul.u32 $0x27100, s9;
	s4 =	sshll.u32 s3, $0x4;
	s8 =	ssub.s32 $0x2, s3  }
0xc: {  	s3 =	smul.u32 $0x271000, s3;
	s4 =	sor.u32 s9, s4;
	s24 =	sshrl.u32 s8, $0x1  }
0xd: {  	_ =	strace $0x80000047;
	s5 =	smul.u32 $0x9C40, s4;
	s25 =	ssub.s32 s8, s24  }
0xe: {  	v3 =	vlaneseq.u32;
	s30 =	sadd.s32 s3, s7;
	s24 =	simm.s32 $0x16940;
	s8 =	simm.s32 $0x12640  }
0xf: {  	v2 =	vimm.s32 $0x0;
	v5 =	vimm.f32 $0.0e+00;
	v4 =	vadd.s32 $0x1, v3;
	s4 =	simm.s32 $0x126C0;
	s0 =	smax.u32 s25, $0x1;
	s28 =	sadd.s32 $0x9C40, s5  }
0x10: {  	v6 =	vor.u32 $0x138800, v3;
	s9 =	sadd.s32 s26, s30;
	s26 =	simm.s32 $0x17940;
	[dreg:$0x5] =	wrdreg s0;
	v1 =	vmov s5;
	v0 =	vmov s28  }
.LBB2_1:
0x11: {  	[dreg:$0x4] =	wrdreg s23;
	s0 =	simm.s32 $0x40;
	s3 =	simm.s32 $0x0  }
.LBB2_2:
0x12: {  	p0 =	sne.s32 s0, $0x270C0;
	[tilespmem:s3+$0x7D00] =	vst v2;
	s3 =	smov.u32 s0;
	s0 =	sadd.s32 $0x40, s0  }
.Ltmp0:
0x13: {  	(pc) =	sbr.rel @p0 .LBB2_2-.Ltmp0, $2  }
0x14: {  	_ =	sdelay $0x2  }
0x15: {  	s3 =	sshra.s32 s3, $0x2  }
0x16: {  	[tilespmem:s3+$0x7D00] =	vst v2;
	s23 =	simm.s32 $0x0;
	s30 =	simm.s32 $0x0;
	s28 =	simm.s32 $0x0  }
.LBB2_4:
0x17: {  	s0 =	smul.u32 $0x3E80, s28;
	_ =	sdelay $0x1  }
0x18: {  	s0 =	sshrl.u32 s0, $0x3  }
0x19: {  	s3 =	sadd.s32 s1, s0  }
0x1a: {  	[tilespmem:s23], [sflag:$0x2] =	stream.linear.gather [hbm4b:s3+s23], $0x3E80, $0x38;
	[tilespmem:$0x1A940] =	vst v63  }
0x1b: {  	_ =	swait.ge [sflag:s10], $0x3E80  }
0x1c: {  	[sflag:s10] =	ssyncset.done $0x0  }
0x1d: {  	s0 =	sadd.s32 s2, s0;
	[sflag:s10] =	ssyncadd.s32 $0xFFFFC180  }
0x1e: {  	[tilespmem:s11], [sflag:$0x2] =	stream.linear.gather [hbm4b:s0+s23], $0x3E80, $0x38;
	[tilespmem:$0x1A940] =	vst v63  }
0x1f: {  	_ =	swait.ge [sflag:s10], $0x3E80  }
0x20: {  	[sflag:s10] =	ssyncset.done $0x0  }
0x21: {  	s25 =	simm.s32 $0x0;
	[sflag:s10] =	ssyncadd.s32 $0xFFFFC180  }
0x22: {  	v7 =	vld [tilespmem:s25+$0x0]  }
0x23: {  	v8 =	vld [tilespmem:s25+$0x3E80];
	_ =	sdelay $0x3  }
0x24: {  	v7 =	vshll.u32 v7, $0x3  }
0x25: {  	v7 =	vadd.s32 v8, v7  }
0x26: {  	vm0 =	vge.s32 v7, v1;
	vm1 =	vlt.s32 v7, v0  }
0x27: {  	v7 =	vsub.s32 v7, v1;
	vm0 =	vmand vm0, vm1  }
0x28: {  	v7 =	vnsel vm0, $0x0, v7;
	_ =	sdelay $0x3  }
0x29: {  	v8 =	vadd.s32 s30, v4  }
0x2a: {  	s3 =	simm.s32 $0x10;
	s0 =	simm.s32 $0x80;
	s25 =	smov.u32 s30;
	[tilespmem:v7+s12+$0x0] =	vst.idx.msk vm0, v8  }
.LBB2_5:
0x2b: {  	p0 =	sne.s32 s0, $0xF9C0;
	v7 =	vld [tilespmem:s3+$0x0]  }
0x2c: {  	v8 =	vld [tilespmem:s3+$0x3E80];
	_ =	sdelay $0x3  }
0x2d: {  	v7 =	vshll.u32 v7, $0x3  }
0x2e: {  	v7 =	vadd.s32 v8, v7  }
0x2f: {  	vm0 =	vge.s32 v7, v1;
	vm1 =	vlt.s32 v7, v0  }
0x30: {  	v7 =	vsub.s32 v7, v1;
	vm0 =	vmand vm0, vm1  }
0x31: {  	v7 =	vnsel vm0, $0x0, v7  }
.Ltmp1:
0x32: {  	(pc) =	sbr.rel @p0 .LBB2_5-.Ltmp1, $4  }
0x33: {  	_ = 	snop  }
0x34: {  	s25 =	sadd.s32 $0x10, s25  }
0x35: {  	v8 =	vadd.s32 s25, v4  }
0x36: {  	s3 =	sshra.s32 s0, $0x2;
	s0 =	sadd.s32 $0x40, s0;
	[tilespmem:v7+s12+$0x0] =	vst.idx.msk vm0, v8  }
0x37: {  	v7 =	vld [tilespmem:s3+$0x0]  }
0x38: {  	v8 =	vld [tilespmem:s3+$0x3E80];
	_ =	sdelay $0x3  }
0x39: {  	v7 =	vshll.u32 v7, $0x3  }
0x3a: {  	v7 =	vadd.s32 v8, v7  }
0x3b: {  	vm0 =	vge.s32 v7, v1;
	vm1 =	vlt.s32 v7, v0  }
0x3c: {  	s28 =	sadd.s32 $0x1, s28;
	v7 =	vsub.s32 v7, v1;
	vm0 =	vmand vm0, vm1  }
0x3d: {  	p0 =	sne.s32 s28, $0x14;
	v7 =	vnsel vm0, $0x0, v7  }
.Ltmp2:
0x3e: {  	_ = 	snop;
	(pc) =	sbr.rel @p0 .LBB2_4-.Ltmp2, $4  }
0x3f: {  	_ = 	snop  }
0x40: {  	s0 =	sadd.s32 $0x10, s25  }
0x41: {  	v8 =	vadd.s32 s0, v4  }
0x42: {  	s30 =	sadd.s32 $0x3E80, s30;
	[tilespmem:v7+s12+$0x0] =	vst.idx.msk vm0, v8  }
0x43: {  	s0 =	simm.s32 $0x80;
	s3 =	simm.s32 $0x0  }
.LBB2_8:
0x44: {  	p0 =	sne.s32 s0, $0x1F380;
	[tilespmem:s3+$0x12940] =	vst v5;
	s23 =	smov.u32 s0;
	s0 =	sadd.s32 $0x80, s0  }
.Ltmp3:
0x45: {  	[tilespmem:s3+$0x12950] =	vst v5;
	(pc) =	sbr.rel @p0 .LBB2_8-.Ltmp3, $2  }
0x46: {  	_ =	sdelay $0x2  }
0x47: {  	s3 =	sshra.s32 s23, $0x2  }
0x48: {  	[tilespmem:s3+$0x12940] =	vst v5  }
0x49: {  	[tilespmem:s3+$0x12950] =	vst v5;
	s0 =	sadd.s32 $0x0, s9;
	s23 =	simm.s32 $0x0  }
0x4a: {  	[hbm4b:s0+s23] =	stream.linear.scatter [tilespmem:s13], [sflag:$0x2], $0x7D00, $0x38;
	[tilespmem:$0x1A940] =	vst v63  }
0x4b: {  	_ =	swait.ge [sflag:s10], $0x7D00  }
0x4c: {  	s30 =	simm.s32 $0x12140;
	s0 =	simm.s32 $0xFA0;
	[sflag:s10] =	ssyncset.done $0x0  }
.LBB2_10:
0x4d: {  	s3 =	sadd.s32 s0, s9;
	[sflag:s10] =	ssyncadd.s32 $0xFFFF8300;
	p0 =	sne.s32 s0, $0x26160  }
0x4e: {  	[hbm4b:s3+s23] =	stream.linear.scatter [tilespmem:s13], [sflag:$0x2], $0x7D00, $0x38;
	[tilespmem:$0x1A940] =	vst v63  }
.Ltmp4:
0x4f: {  	_ = 	snop;
	(pc) =	sbr.rel @p0 .LBB2_10-.Ltmp4, $4  }
0x50: {  	_ = 	snop  }
0x51: {  	s0 =	sadd.s32 $0xFA0, s0  }
0x52: {  	_ =	swait.ge [sflag:s10], $0x7D00  }
0x53: {  	[sflag:s10] =	ssyncset.done $0x0  }
0x54: {  	[sflag:s10] =	ssyncadd.s32 $0xFFFF8300;
	s0 =	simm.s32 $0x40;
	s3 =	simm.s32 $0x0  }
.LBB2_12:
0x55: {  	p0 =	sne.s32 s0, $0xFC0;
	[tilespmem:s3+$0x11940] =	vst v2;
	s25 =	smov.u32 s0;
	s0 =	sadd.s32 $0x40, s0  }
.Ltmp5:
0x56: {  	[tilespmem:s3+$0x11D40] =	vst v6;
	(pc) =	sbr.rel @p0 .LBB2_12-.Ltmp5, $2  }
0x57: {  	_ =	sdelay $0x2  }
0x58: {  	s3 =	sshra.s32 s25, $0x2  }
.Ltmp6:
0x59: {  	(pc) =	sbr.rel .LBB2_14-.Ltmp6, $3  }
0x5a: {  	_ =	sdelay $0x1  }
0x5b: {  	[tilespmem:s3+$0x11940] =	vst v2  }
0x5c: {  	[tilespmem:s3+$0x11D40] =	vst v6;
	s25 =	simm.s32 $0x0  }
.LBB2_20:
0x5d: {  	s25 =	sadd.s32 $0x1, s25  }
0x5e: {  	p1 =	sne.s32 s25, $0x9C4  }
.Ltmp7:
0x5f: {  	_ = 	snop;
	(pc) =	sbr.rel @!p1 .LBB2_21-.Ltmp7, $3  }
0x60: {  	_ =	sdelay $0x1  }
0x61: {  	p0 =	sgt.s32 s23, $0x3F0  }
0x62: {  	s23 =	simm.s32 @p0 $0x0  }
.LBB2_14:
0x63: {  	s0 =	sshll.u32 s25, $0x4  }
0x64: {  	v7 =	vld [tilespmem:s0+$0x7D00];
	_ =	sdelay $0x4  }
0x65: {  	vm0 =	vgt.s32 v7, $0x0  }
0x66: {  	v8 =	vsel vm0, $0x1, v2  }
0x67: {  	(xrf0) =	vadd.scan.msk.s32 $0xffff, v8;
	_ =	sdelay $0x5  }
0x68: {  	v8, _, _ =	vpop (xrf0)  }
0x69: {  	(v2sf) =	vpush v8, $0xF;
	_ =	sdelay $0xd  }
0x6a: {  	s0 =	sadd.s32 s5, s0;
	v7 =	vadd.s32 $0xFFFFFFFF, v7  }
0x6b: {  	[tilespmem:s23+$0x11940] =	vst.msk vm0, v7;
	v8 =	vor.u32 s0, v3;
	s28 =	spop (v2sf)  }
0x6c: {  	[tilespmem:s23+$0x11D40] =	vst.msk vm0, v8;
	s23 =	sadd.s32 s23, s28  }
0x6d: {  	p0 =	slt.s32 s23, $0x3F1  }
.Ltmp8:
0x6e: {  	_ = 	snop;
	(pc) =	sbr.rel @p0 .LBB2_20-.Ltmp8, $1  }
0x6f: {  	_ =	sdelay $0x3  }
0x70: {  	s0 =	simm.s32 $0x0  }
0x71: {  	v7 =	vld [tilespmem:s0+$0x11D40]  }
0x72: {  	s3 =	simm.s32 $0x40;
	v8 =	vld [tilespmem:s0+$0x11940]  }
.LBB2_16:
0x73: {  	p0 =	sne.s32 s3, $0xFC0  }
.Ltmp9:
0x74: {  	_ = 	snop;
	(pc) =	sbr.rel @p0 .LBB2_16-.Ltmp9, $4  }
0x75: {  	_ = 	snop  }
0x76: {  	s28 =	sshra.s32 s3, $0x2;
	s3 =	sadd.s32 $0x40, s3;
	[tilespmem:s0+$0x12540] =	vst v7  }
0x77: {  	v7 =	vld [tilespmem:s28+$0x11D40];
	[tilespmem:s0+$0x12140] =	vst v8;
	s0 =	smov.u32 s28  }
0x78: {  	v8 =	vld [tilespmem:s0+$0x11940]  }
0x79: {  	_ =	sdelay $0x2  }
0x7a: {  	[tilespmem:s0+$0x12540] =	vst v7  }
0x7b: {  	[tilespmem:s0+$0x12140] =	vst v8  }
0x7c: {  	[tilespmem:s13], [sflag:$0x1] =	stream.indirect.gather [hbm4b:s6+s14], $0x20, s30, s14, $0xb8;
	[tilespmem:$0x1A940] =	vst v63  }
0x7d: {  	_ =	swait.ge [sflag:s16], $0x1000  }
0x7e: {  	[sflag:s16] =	ssyncset.done $0x0  }
0x7f: {  	s28 =	simm.s32 $0x121C0;
	[sflag:s16] =	ssyncadd.s32 $0xFFFFF000  }
0x80: {  	[tilespmem:s18], [sflag:$0x1] =	stream.indirect.gather [hbm4b:s6+s14], $0x20, s28, s14, $0xb8;
	[tilespmem:$0x1A940] =	vst v63  }
0x81: {  	_ =	swait.ge [sflag:s16], $0x1000  }
0x82: {  	[sflag:s16] =	ssyncset.done $0x0  }
0x83: {  	s3 =	simm.s32 $0x12240;
	[sflag:s16] =	ssyncadd.s32 $0xFFFFF000  }
0x84: {  	[tilespmem:s20], [sflag:$0x1] =	stream.indirect.gather [hbm4b:s6+s14], $0x20, s3, s14, $0xb8;
	[tilespmem:$0x1A940] =	vst v63  }
0x85: {  	_ =	swait.ge [sflag:s16], $0x1000  }
0x86: {  	[sflag:s16] =	ssyncset.done $0x0  }
0x87: {  	s28 =	simm.s32 $0x122C0;
	[sflag:s16] =	ssyncadd.s32 $0xFFFFF000  }
0x88: {  	[tilespmem:s22], [sflag:$0x1] =	stream.indirect.gather [hbm4b:s6+s14], $0x20, s28, s14, $0xb8;
	[tilespmem:$0x1A940] =	vst v63  }
0x89: {  	_ =	swait.ge [sflag:s16], $0x1000  }
0x8a: {  	[sflag:s16] =	ssyncset.done $0x0  }
0x8b: {  	s3 =	simm.s32 $0x12340;
	[sflag:s16] =	ssyncadd.s32 $0xFFFFF000  }
0x8c: {  	[tilespmem:s24], [sflag:$0x1] =	stream.indirect.gather [hbm4b:s6+s14], $0x20, s3, s14, $0xb8;
	[tilespmem:$0x1A940] =	vst v63  }
0x8d: {  	_ =	swait.ge [sflag:s16], $0x1000  }
0x8e: {  	[sflag:s16] =	ssyncset.done $0x0  }
0x8f: {  	s28 =	simm.s32 $0x123C0;
	[sflag:s16] =	ssyncadd.s32 $0xFFFFF000  }
0x90: {  	[tilespmem:s26], [sflag:$0x1] =	stream.indirect.gather [hbm4b:s6+s14], $0x20, s28, s14, $0xb8;
	[tilespmem:$0x1A940] =	vst v63  }
0x91: {  	_ =	swait.ge [sflag:s16], $0x1000  }
0x92: {  	[sflag:s16] =	ssyncset.done $0x0  }
0x93: {  	s3 =	simm.s32 $0x12440;
	[sflag:s16] =	ssyncadd.s32 $0xFFFFF000  }
0x94: {  	[tilespmem:s29], [sflag:$0x1] =	stream.indirect.gather [hbm4b:s6+s14], $0x20, s3, s14, $0xb8;
	[tilespmem:$0x1A940] =	vst v63  }
0x95: {  	_ =	swait.ge [sflag:s16], $0x1000  }
0x96: {  	[sflag:s16] =	ssyncset.done $0x0  }
0x97: {  	s28 =	simm.s32 $0x124C0;
	[sflag:s16] =	ssyncadd.s32 $0xFFFFF000  }
0x98: {  	[tilespmem:s31], [sflag:$0x1] =	stream.indirect.gather [hbm4b:s6+s14], $0x20, s28, s14, $0xb8;
	[tilespmem:$0x1A940] =	vst v63  }
0x99: {  	_ =	swait.ge [sflag:s16], $0x1000  }
0x9a: {  	[sflag:s16] =	ssyncset.done $0x0  }
0x9b: {  	s3 =	simm.s32 $0x12540;
	[sflag:s16] =	ssyncadd.s32 $0xFFFFF000  }
0x9c: {  	[hbm4b:s7+s14] =	stream.indirect.scatter [tilespmem:s13], [sflag:$0x1], $0x20, s3, s14, $0xb8;
	[tilespmem:$0x1A940] =	vst v63  }
0x9d: {  	_ =	swait.ge [sflag:s16], $0x1000  }
0x9e: {  	[sflag:s16] =	ssyncset.done $0x0  }
0x9f: {  	s28 =	simm.s32 $0x125C0;
	[sflag:s16] =	ssyncadd.s32 $0xFFFFF000  }
0xa0: {  	[hbm4b:s7+s14] =	stream.indirect.scatter [tilespmem:s18], [sflag:$0x1], $0x20, s28, s14, $0xb8;
	[tilespmem:$0x1A940] =	vst v63  }
0xa1: {  	_ =	swait.ge [sflag:s16], $0x1000  }
0xa2: {  	[sflag:s16] =	ssyncset.done $0x0  }
0xa3: {  	[sflag:s16] =	ssyncadd.s32 $0xFFFFF000  }
0xa4: {  	[hbm4b:s7+s14] =	stream.indirect.scatter [tilespmem:s20], [sflag:$0x1], $0x20, s8, s14, $0xb8;
	[tilespmem:$0x1A940] =	vst v63  }
0xa5: {  	_ =	swait.ge [sflag:s16], $0x1000  }
0xa6: {  	[sflag:s16] =	ssyncset.done $0x0  }
0xa7: {  	[sflag:s16] =	ssyncadd.s32 $0xFFFFF000  }
0xa8: {  	[hbm4b:s7+s14] =	stream.indirect.scatter [tilespmem:s22], [sflag:$0x1], $0x20, s4, s14, $0xb8;
	[tilespmem:$0x1A940] =	vst v63  }
0xa9: {  	_ =	swait.ge [sflag:s16], $0x1000  }
0xaa: {  	[sflag:s16] =	ssyncset.done $0x0  }
0xab: {  	[sflag:s16] =	ssyncadd.s32 $0xFFFFF000  }
0xac: {  	[hbm4b:s7+s14] =	stream.indirect.scatter [tilespmem:s24], [sflag:$0x1], $0x20, s15, s14, $0xb8;
	[tilespmem:$0x1A940] =	vst v63  }
0xad: {  	_ =	swait.ge [sflag:s16], $0x1000  }
0xae: {  	[sflag:s16] =	ssyncset.done $0x0  }
0xaf: {  	[sflag:s16] =	ssyncadd.s32 $0xFFFFF000  }
0xb0: {  	[hbm4b:s7+s14] =	stream.indirect.scatter [tilespmem:s26], [sflag:$0x1], $0x20, s17, s14, $0xb8;
	[tilespmem:$0x1A940] =	vst v63  }
0xb1: {  	_ =	swait.ge [sflag:s16], $0x1000  }
0xb2: {  	[sflag:s16] =	ssyncset.done $0x0  }
0xb3: {  	[sflag:s16] =	ssyncadd.s32 $0xFFFFF000  }
0xb4: {  	[hbm4b:s7+s14] =	stream.indirect.scatter [tilespmem:s29], [sflag:$0x1], $0x20, s19, s14, $0xb8;
	[tilespmem:$0x1A940] =	vst v63  }
0xb5: {  	_ =	swait.ge [sflag:s16], $0x1000  }
0xb6: {  	[sflag:s16] =	ssyncset.done $0x0  }
0xb7: {  	[sflag:s16] =	ssyncadd.s32 $0xFFFFF000  }
0xb8: {  	[hbm4b:s7+s14] =	stream.indirect.scatter [tilespmem:s31], [sflag:$0x1], $0x20, s21, s14, $0xb8;
	[tilespmem:$0x1A940] =	vst v63  }
0xb9: {  	_ =	swait.ge [sflag:s16], $0x1000  }
0xba: {  	[sflag:s16] =	ssyncset.done $0x0  }
0xbb: {  	s0 =	simm.s32 $0x40;
	s3 =	simm.s32 $0x0;
	[sflag:s16] =	ssyncadd.s32 $0xFFFFF000  }
.LBB2_18:
0xbc: {  	p0 =	sne.s32 s0, $0xFC0;
	[tilespmem:s3+$0x11940] =	vst v2;
	s28 =	smov.u32 s0;
	s0 =	sadd.s32 $0x40, s0  }
.Ltmp10:
0xbd: {  	[tilespmem:s3+$0x11D40] =	vst v6;
	(pc) =	sbr.rel @p0 .LBB2_18-.Ltmp10, $2  }
0xbe: {  	_ =	sdelay $0x2  }
0xbf: {  	s3 =	sshra.s32 s28, $0x2  }
.Ltmp11:
0xc0: {  	(pc) =	sbr.rel .LBB2_20-.Ltmp11, $3  }
0xc1: {  	_ =	sdelay $0x1  }
0xc2: {  	[tilespmem:s3+$0x11940] =	vst v2  }
0xc3: {  	[tilespmem:s3+$0x11D40] =	vst v6  }
.LBB2_21:
0xc4: {  	s0 =	simm.s32 $0x0  }
0xc5: {  	v7 =	vld [tilespmem:s0+$0x11D40]  }
0xc6: {  	s3 =	simm.s32 $0x40;
	v8 =	vld [tilespmem:s0+$0x11940]  }
.LBB2_22:
0xc7: {  	p0 =	sne.s32 s3, $0xFC0  }
.Ltmp12:
0xc8: {  	_ = 	snop;
	(pc) =	sbr.rel @p0 .LBB2_22-.Ltmp12, $4  }
0xc9: {  	_ = 	snop  }
0xca: {  	s23 =	sshra.s32 s3, $0x2;
	s3 =	sadd.s32 $0x40, s3;
	[tilespmem:s0+$0x12540] =	vst v7  }
0xcb: {  	v7 =	vld [tilespmem:s23+$0x11D40];
	[tilespmem:s0+$0x12140] =	vst v8;
	s0 =	smov.u32 s23  }
0xcc: {  	v8 =	vld [tilespmem:s0+$0x11940]  }
0xcd: {  	_ =	sdelay $0x2  }
0xce: {  	[tilespmem:s0+$0x12540] =	vst v7  }
0xcf: {  	[tilespmem:s0+$0x12140] =	vst v8  }
0xd0: {  	[tilespmem:s13], [sflag:$0x1] =	stream.indirect.gather [hbm4b:s6+s14], $0x20, s30, s14, $0xb8;
	[tilespmem:$0x1A940] =	vst v63  }
0xd1: {  	_ =	swait.ge [sflag:s16], $0x1000  }
0xd2: {  	[sflag:s16] =	ssyncset.done $0x0  }
0xd3: {  	s23 =	simm.s32 $0x121C0;
	[sflag:s16] =	ssyncadd.s32 $0xFFFFF000  }
0xd4: {  	[tilespmem:s18], [sflag:$0x1] =	stream.indirect.gather [hbm4b:s6+s14], $0x20, s23, s14, $0xb8;
	[tilespmem:$0x1A940] =	vst v63  }
0xd5: {  	_ =	swait.ge [sflag:s16], $0x1000  }
0xd6: {  	[sflag:s16] =	ssyncset.done $0x0  }
0xd7: {  	s25 =	simm.s32 $0x12240;
	[sflag:s16] =	ssyncadd.s32 $0xFFFFF000  }
0xd8: {  	[tilespmem:s20], [sflag:$0x1] =	stream.indirect.gather [hbm4b:s6+s14], $0x20, s25, s14, $0xb8;
	[tilespmem:$0x1A940] =	vst v63  }
0xd9: {  	_ =	swait.ge [sflag:s16], $0x1000  }
0xda: {  	[sflag:s16] =	ssyncset.done $0x0  }
0xdb: {  	s28 =	simm.s32 $0x122C0;
	[sflag:s16] =	ssyncadd.s32 $0xFFFFF000  }
0xdc: {  	[tilespmem:s22], [sflag:$0x1] =	stream.indirect.gather [hbm4b:s6+s14], $0x20, s28, s14, $0xb8;
	[tilespmem:$0x1A940] =	vst v63  }
0xdd: {  	_ =	swait.ge [sflag:s16], $0x1000  }
0xde: {  	[sflag:s16] =	ssyncset.done $0x0  }
0xdf: {  	s30 =	simm.s32 $0x12340;
	[sflag:s16] =	ssyncadd.s32 $0xFFFFF000  }
0xe0: {  	[tilespmem:s24], [sflag:$0x1] =	stream.indirect.gather [hbm4b:s6+s14], $0x20, s30, s14, $0xb8;
	[tilespmem:$0x1A940] =	vst v63  }
0xe1: {  	_ =	swait.ge [sflag:s16], $0x1000  }
0xe2: {  	[sflag:s16] =	ssyncset.done $0x0  }
0xe3: {  	s3 =	simm.s32 $0x123C0;
	[sflag:s16] =	ssyncadd.s32 $0xFFFFF000  }
0xe4: {  	[tilespmem:s26], [sflag:$0x1] =	stream.indirect.gather [hbm4b:s6+s14], $0x20, s3, s14, $0xb8;
	[tilespmem:$0x1A940] =	vst v63  }
0xe5: {  	_ =	swait.ge [sflag:s16], $0x1000  }
0xe6: {  	[sflag:s16] =	ssyncset.done $0x0  }
0xe7: {  	s23 =	simm.s32 $0x12440;
	[sflag:s16] =	ssyncadd.s32 $0xFFFFF000  }
0xe8: {  	[tilespmem:s29], [sflag:$0x1] =	stream.indirect.gather [hbm4b:s6+s14], $0x20, s23, s14, $0xb8;
	[tilespmem:$0x1A940] =	vst v63  }
0xe9: {  	_ =	swait.ge [sflag:s16], $0x1000  }
0xea: {  	[sflag:s16] =	ssyncset.done $0x0  }
0xeb: {  	s25 =	simm.s32 $0x124C0;
	[sflag:s16] =	ssyncadd.s32 $0xFFFFF000  }
0xec: {  	[tilespmem:s31], [sflag:$0x1] =	stream.indirect.gather [hbm4b:s6+s14], $0x20, s25, s14, $0xb8;
	[tilespmem:$0x1A940] =	vst v63  }
0xed: {  	_ =	swait.ge [sflag:s16], $0x1000  }
0xee: {  	[sflag:s16] =	ssyncset.done $0x0  }
0xef: {  	s28 =	simm.s32 $0x12540;
	[sflag:s16] =	ssyncadd.s32 $0xFFFFF000  }
0xf0: {  	[hbm4b:s7+s14] =	stream.indirect.scatter [tilespmem:s13], [sflag:$0x1], $0x20, s28, s14, $0xb8;
	[tilespmem:$0x1A940] =	vst v63  }
0xf1: {  	_ =	swait.ge [sflag:s16], $0x1000  }
0xf2: {  	[sflag:s16] =	ssyncset.done $0x0  }
0xf3: {  	s30 =	simm.s32 $0x125C0;
	[sflag:s16] =	ssyncadd.s32 $0xFFFFF000  }
0xf4: {  	[hbm4b:s7+s14] =	stream.indirect.scatter [tilespmem:s18], [sflag:$0x1], $0x20, s30, s14, $0xb8;
	[tilespmem:$0x1A940] =	vst v63  }
0xf5: {  	_ =	swait.ge [sflag:s16], $0x1000  }
0xf6: {  	[sflag:s16] =	ssyncset.done $0x0  }
0xf7: {  	[sflag:s16] =	ssyncadd.s32 $0xFFFFF000  }
0xf8: {  	[hbm4b:s7+s14] =	stream.indirect.scatter [tilespmem:s20], [sflag:$0x1], $0x20, s8, s14, $0xb8;
	[tilespmem:$0x1A940] =	vst v63  }
0xf9: {  	_ =	swait.ge [sflag:s16], $0x1000  }
0xfa: {  	[sflag:s16] =	ssyncset.done $0x0  }
0xfb: {  	[sflag:s16] =	ssyncadd.s32 $0xFFFFF000  }
0xfc: {  	[hbm4b:s7+s14] =	stream.indirect.scatter [tilespmem:s22], [sflag:$0x1], $0x20, s4, s14, $0xb8;
	[tilespmem:$0x1A940] =	vst v63  }
0xfd: {  	_ =	swait.ge [sflag:s16], $0x1000  }
0xfe: {  	[sflag:s16] =	ssyncset.done $0x0  }
0xff: {  	[sflag:s16] =	ssyncadd.s32 $0xFFFFF000  }
0x100: {  	[hbm4b:s7+s14] =	stream.indirect.scatter [tilespmem:s24], [sflag:$0x1], $0x20, s15, s14, $0xb8;
	[tilespmem:$0x1A940] =	vst v63  }
0x101: {  	_ =	swait.ge [sflag:s16], $0x1000  }
0x102: {  	[sflag:s16] =	ssyncset.done $0x0  }
0x103: {  	[sflag:s16] =	ssyncadd.s32 $0xFFFFF000  }
0x104: {  	[hbm4b:s7+s14] =	stream.indirect.scatter [tilespmem:s26], [sflag:$0x1], $0x20, s17, s14, $0xb8;
	[tilespmem:$0x1A940] =	vst v63  }
0x105: {  	_ =	swait.ge [sflag:s16], $0x1000  }
0x106: {  	[sflag:s16] =	ssyncset.done $0x0  }
0x107: {  	[sflag:s16] =	ssyncadd.s32 $0xFFFFF000  }
0x108: {  	[hbm4b:s7+s14] =	stream.indirect.scatter [tilespmem:s29], [sflag:$0x1], $0x20, s19, s14, $0xb8;
	[tilespmem:$0x1A940] =	vst v63  }
0x109: {  	_ =	swait.ge [sflag:s16], $0x1000  }
0x10a: {  	[sflag:s16] =	ssyncset.done $0x0  }
0x10b: {  	[sflag:s16] =	ssyncadd.s32 $0xFFFFF000  }
0x10c: {  	[hbm4b:s7+s14] =	stream.indirect.scatter [tilespmem:s31], [sflag:$0x1], $0x20, s21, s14, $0xb8;
	[tilespmem:$0x1A940] =	vst v63  }
0x10d: {  	_ =	swait.ge [sflag:s16], $0x1000  }
0x10e: {  	[sflag:s16] =	ssyncset.done $0x0  }
0x10f: {  	s0 =	simm.s32 $0x40;
	s3 =	simm.s32 $0x0;
	[sflag:s16] =	ssyncadd.s32 $0xFFFFF000  }
.LBB2_24:
0x110: {  	p0 =	sne.s32 s0, $0xFC0;
	[tilespmem:s3+$0x11940] =	vst v2;
	s23 =	smov.u32 s0;
	s0 =	sadd.s32 $0x40, s0  }
.Ltmp13:
0x111: {  	[tilespmem:s3+$0x11D40] =	vst v6;
	(pc) =	sbr.rel @p0 .LBB2_24-.Ltmp13, $2  }
0x112: {  	_ =	sdelay $0x2  }
0x113: {  	s3 =	sshra.s32 s23, $0x2  }
0x114: {  	s23 =	rddreg [dreg:$0x4]  }
0x115: {  	s0 =	rddreg [dreg:$0x5];
	s23 =	sadd.s32 $0x1, s23  }
0x116: {  	p0 =	sne.s32 s23, s0  }
.Ltmp14:
0x117: {  	_ = 	snop;
	(pc) =	sbr.rel @p0 .LBB2_1-.Ltmp14, $3  }
0x118: {  	_ =	sdelay $0x1  }
0x119: {  	[tilespmem:s3+$0x11940] =	vst v2  }
0x11a: {  	[tilespmem:s3+$0x11D40] =	vst v6  }
0x11b: {  	_ =	sfence.sel $0x180000  }
0x11c: {  	[bflag:$0x0] =	sbarrier.arrive $0xFFFF  }
0x11d: {  	_ =	strace $0x90000047  }
0x11e: {  	s0 =	stileid.u32;
	[bflag:$0x2] =	sbarrier.arrive $0xFFFF  }
0x11f: {  	p0 =	sne.s32 s0, $0x0;
	s0 =	rddreg [dreg:$0x3]  }
0x120: {  	s0 =	sadd.s32 @!p0 $0x100000, s0  }
0x121: {  	[sflag:s0] =	ssyncadd.tile.s32 @!p0 $0x1;
	_ =	shalt  }
.Lfunc_end2:
_tile_overlayer_lowered:
.L_overlay_start_2:
0x122: {  	(tag) =	ssettag $0x2  }
0x123: {  	s0 =	rddreg [dreg:$0x0];
	s2 =	stileid.u32  }
0x124: {  	s1 =	rddreg [dreg:$0x1];
	p0 =	sne.s32 s2, $0x0  }
0x125: {  	s3 =	rddreg [dreg:$0x2];
	[bflag:$0x3] =	sbarrier.arrive $0xFFFF;
	s2 =	simm.s32 @!p0 $0x1C02  }
0x126: {  	[timem:s3], [sflag:s2] =	dma.local @!p0 [hbm:s0], s1  }
0x127: {  	s0 =	simm.s32 @!p0 $0x2  }
0x128: {  	_ =	swait.ge @!p0 [sflag:s0], s1  }
0x129: {  	s1 =	ssub.s32 @!p0 $0x0, s1;
	[sflag:s0] =	ssyncset.done @!p0 $0x0  }
0x12a: {  	[sflag:s0] =	ssyncadd.s32 @!p0 s1  }
0x12b: {  	[bflag:$0x3] =	sbarrier.arrive $0xFFFF  }
0x12c: {  	_ =	shalt  }

</sc_bundles>
